<compile_context>
chip_gen: v7x
topology: tpu7x:2x2x1
jax: 0.10.2.dev20260603
libtpu: 0.0.44.dev20260713+nightly
codegen_flags: <defaults>
</compile_context>

<pallas_src>
import functools

import jax
import jax.numpy as jnp
from jax import lax
from jax.experimental import pallas as pl
from jax.experimental.pallas import tpu as pltpu
from jax.experimental.pallas import tpu_sc as plsc

_D = 6
_HID = 128
_OUT = 2 * _D * 2 + _D
_TBL_W = 48


def _floordiv6(t):
    return (t * 43691) >> 18




def _table_body(x_ref, scale_ref, w_ref, tbl_ref):
    x2 = x_ref[...]
    x3 = x2.reshape(x2.shape[0] // _D, _D, _HID)
    xm = jnp.mean(x3, axis=1)
    s = jnp.sum(xm, axis=1, keepdims=True)
    ss = jnp.sum(xm * xm, axis=1, keepdims=True)
    u = jnp.dot(xm * scale_ref[...], w_ref[...],
                preferred_element_type=jnp.float32)
    li = lax.broadcasted_iota(jnp.int32, (1, _TBL_W), 1)
    tbl_ref[...] = u + jnp.where(li == 32, s, 0.0) + jnp.where(li == 33, ss, 0.0)


def _build_table(xr, scale_half, w_pad, bn):
    n = xr.shape[0] // _D
    return pl.pallas_call(
        _table_body,
        grid=(n // bn,),
        in_specs=[
            pl.BlockSpec((bn * _D, _HID), lambda i: (i, 0)),
            pl.BlockSpec((1, _HID), lambda i: (0, 0)),
            pl.BlockSpec((_HID, _TBL_W), lambda i: (0, 0)),
        ],
        out_specs=pl.BlockSpec((bn, _TBL_W), lambda i: (i, 0)),
        out_shape=jax.ShapeDtypeStruct((n, _TBL_W), jnp.float32),
        compiler_params=pltpu.CompilerParams(dimension_semantics=("parallel",)),
    )(xr, scale_half, w_pad)


def _consts_body(w_ref, scale_ref, bias_ref, b_ref, sc_ref):
    w = w_ref[...]
    s = jnp.sum(w * scale_ref[...], axis=0, keepdims=True)
    c = jnp.sum(w * bias_ref[...], axis=0, keepdims=True) + b_ref[...]
    sc_ref[...] = jnp.concatenate([s, c], axis=0)


def _build_consts(w_pad_full, scale2d, bias2d, b_pad):
    return pl.pallas_call(
        _consts_body,
        out_shape=jax.ShapeDtypeStruct((2, _TBL_W), jnp.float32),
    )(w_pad_full, scale2d, bias2d, b_pad)




def _sc_gather(tx, te, row2d, col2d, window):
    num_pairs = row2d.shape[1]
    n_x = tx.shape[0]
    n_e = te.shape[0]
    mesh = plsc.VectorSubcoreMesh(core_axis_name="c", subcore_axis_name="s")

    @functools.partial(
        pl.kernel,
        out_type=jax.ShapeDtypeStruct((num_pairs, 128), jnp.float32),
        mesh=mesh,
        scratch_types=[
            pltpu.VMEM_SHARED((n_x, _TBL_W), jnp.float32),
            pltpu.VMEM_SHARED((n_e, _TBL_W), jnp.float32),
            pltpu.SemaphoreType.DMA,
            pltpu.VMEM((window, _TBL_W), jnp.float32),
            pltpu.VMEM((window, _TBL_W), jnp.float32),
            pltpu.SemaphoreType.DMA,
            pltpu.SemaphoreType.DMA,
        ],
        compiler_params=pltpu.CompilerParams(use_tc_tiling_on_sc=False),
    )
    def gather_kernel(tx_hbm, te_hbm, row_hbm, col_hbm, r_hbm,
                      tx_sp, te_sp, sem, gx_v, ge_v, gsem1, gsem2):
        @pl.when(lax.axis_index("s") == 0)
        def _stage():
            pltpu.async_copy(tx_hbm, tx_sp, sem).wait()
            pltpu.async_copy(te_hbm, te_sp, sem).wait()

        plsc.subcore_barrier()

        def body(row_v, col_v, r_v):
            cp1 = pltpu.async_copy(tx_sp.at[row_v.at[0]], gx_v, gsem1)
            cp2 = pltpu.async_copy(te_sp.at[col_v.at[0]], ge_v, gsem2)
            cp1.wait()
            cp2.wait()

            @pl.loop(0, window, step=4)
            def _(i):
                for u in range(4):
                    r_v[i + u, pl.ds(0, 16)] = (gx_v[i + u, pl.ds(0, 16)]
                                                + ge_v[i + u, pl.ds(0, 16)])
                    r_v[i + u, pl.ds(16, 16)] = (gx_v[i + u, pl.ds(16, 16)]
                                                 + ge_v[i + u, pl.ds(16, 16)])
                    r_v[i + u, pl.ds(32, 16)] = (gx_v[i + u, pl.ds(32, 16)]
                                                 + ge_v[i + u, pl.ds(32, 16)])

        pltpu.emit_pipeline(
            body,
            grid=(num_pairs // window,),
            in_specs=[
                pl.BlockSpec((1, window), lambda i: (0, i)),
                pl.BlockSpec((1, window), lambda i: (0, i)),
            ],
            out_specs=[
                pl.BlockSpec((window, 128), lambda i: (i, 0)),
            ],
            core_axis_name=("c", "s"),
            dimension_semantics=(pltpu.PARALLEL,),
        )(row_hbm, col_hbm, r_hbm)

    return gather_kernel(tx, te, row2d, col2d)




def _pairs_body(r_ref, sc_ref, attr_ref):
    r = r_ref[...][:, 0:_TBL_W]
    s_row = sc_ref[0:1, :]
    c_row = sc_ref[1:2, :]
    mu = r[:, 32:33] * (1.0 / 256.0)
    ex2 = r[:, 33:34] * (1.0 / 256.0)
    inv = lax.rsqrt(ex2 - mu * mu + 1e-5)
    z = (r - mu * s_row) * inv + c_row
    p = jax.nn.sigmoid(z)

    f32, bf16 = jnp.float32, jnp.bfloat16
    m = lax.broadcasted_iota(jnp.int32, (_TBL_W, 36), 0)
    t = lax.broadcasted_iota(jnp.int32, (_TBL_W, 36), 1)
    i = _floordiv6(t)
    j = t - 6 * i
    ea0 = (m == 2 * i).astype(bf16)
    eb0 = (m == 12 + 2 * j).astype(bf16)
    ea1 = (m == 2 * i + 1).astype(bf16)
    eb1 = (m == 13 + 2 * j).astype(bf16)
    ec = ((m == 24 + i) & (i == j)).astype(bf16)

    p_bf = p.astype(bf16)

    def mm(bmat):
        return jnp.dot(p_bf, bmat, preferred_element_type=f32)

    hs = mm(ea0) * mm(eb0) + mm(ea1) * mm(eb1) + mm(ec)
    attr_ref[...] = hs


def _build_attrs(rsum, sc, bp):
    num_pairs = rsum.shape[0]
    return pl.pallas_call(
        _pairs_body,
        grid=(num_pairs // bp,),
        in_specs=[
            pl.BlockSpec((bp, 128), lambda i: (i, 0)),
            pl.BlockSpec((2, _TBL_W), lambda i: (0, 0)),
        ],
        out_specs=pl.BlockSpec((bp, 36), lambda i: (i, 0)),
        out_shape=jax.ShapeDtypeStruct((num_pairs, 36), jnp.float32),
        compiler_params=pltpu.CompilerParams(dimension_semantics=("parallel",)),
    )(rsum, sc)




def _idx_body(row_ref, col_ref, out_ref):
    ngrp = out_ref.shape[0] // 144
    i32, f32, bf16 = jnp.int32, jnp.float32, jnp.bfloat16
    r_i = lax.broadcasted_iota(i32, (144, 128), 0)
    l_i = lax.broadcasted_iota(i32, (144, 128), 1)
    c = r_i >> 1
    isev = (r_i & 1) == 0
    f = 128 * c + l_i
    t = f - 36 * ((f * 58255) >> 21)
    td6 = _floordiv6(t)
    tdil = jnp.where(isev, td6, t - 6 * td6).astype(f32)
    r_a = lax.broadcasted_iota(i32, (144, 256), 0)
    k_a = lax.broadcasted_iota(i32, (144, 256), 1)
    c_a = r_a >> 1
    isev_a = (r_a & 1) == 0
    c1 = (36 * k_a) >> 7
    a1 = c_a == c1
    a2 = c_a == c1 + 1
    a1b = a1.astype(bf16)
    a2b = a2.astype(bf16)
    k_b = lax.broadcasted_iota(i32, (256, 128), 0)
    l_b = lax.broadcasted_iota(i32, (256, 128), 1)
    s1 = (36 * k_b) & 127
    b1 = ((l_b >= s1) & (l_b < s1 + 36)).astype(bf16)
    b2 = (l_b < s1 - 92).astype(bf16)

    def mm(a, bmat):
        return jnp.dot(a, bmat, preferred_element_type=f32)

    for g in range(ngrp):
        row = row_ref[g]
        col = col_ref[g]
        w_h = jnp.where(isev_a, row >> 7, col >> 7).astype(bf16)
        w_l = jnp.where(isev_a, row & 127, col & 127).astype(bf16)
        out = (768.0 * (mm(a1b * w_h, b1) + mm(a2b * w_h, b2))
               + 6.0 * (mm(a1b * w_l, b1) + mm(a2b * w_l, b2))
               + tdil)
        out_ref[g * 144:(g + 1) * 144, :] = out.astype(i32)


def _build_index(hyperedge_index, grp):
    num_pairs = hyperedge_index.shape[1]
    ngroups = num_pairs // 256
    row3 = hyperedge_index[0].reshape(ngroups, 1, 256)
    col3 = hyperedge_index[1].reshape(ngroups, 1, 256)
    out2 = pl.pallas_call(
        _idx_body,
        grid=(ngroups // grp,),
        in_specs=[
            pl.BlockSpec((grp, 1, 256), lambda i: (i, 0, 0)),
            pl.BlockSpec((grp, 1, 256), lambda i: (i, 0, 0)),
        ],
        out_specs=pl.BlockSpec((144 * grp, 128), lambda i: (i, 0)),
        out_shape=jax.ShapeDtypeStruct((144 * ngroups, 128), hyperedge_index.dtype),
        compiler_params=pltpu.CompilerParams(dimension_semantics=("parallel",)),
    )(row3, col3)
    return (out2.reshape(num_pairs * 36 // 128, 2, 128)
            .transpose(1, 0, 2)
            .reshape(2, num_pairs * 36))




def _pick_block(n, candidates):
    for c in candidates:
        if n % c == 0:
            return c
    return n


def kernel(x, e, hyperedge_index, ln_scale, ln_bias, W, b):
    num_nodes = x.shape[0] // _D
    num_edges = e.shape[0] // _D
    num_pairs = hyperedge_index.shape[1]

    w_x = jnp.pad(W[:_HID], ((0, 0), (0, _TBL_W - _OUT)))
    w_e = jnp.pad(W[_HID:], ((0, 0), (0, _TBL_W - _OUT)))
    w_full = jnp.pad(W, ((0, 0), (0, _TBL_W - _OUT)))
    b_pad = jnp.pad(b, (0, _TBL_W - _OUT)).reshape(1, _TBL_W)
    scale_x = ln_scale[:_HID].reshape(1, _HID)
    scale_e = ln_scale[_HID:].reshape(1, _HID)
    scale2d = ln_scale.reshape(2 * _HID, 1)
    bias2d = ln_bias.reshape(2 * _HID, 1)

    bn_x = _pick_block(num_nodes, (1000, 500, 250, 200, 100, 50, 25, 10, 5, 2))
    bn_e = _pick_block(num_edges, (1000, 500, 250, 200, 100, 50, 25, 10, 5, 2))
    tx = _build_table(x, scale_x, w_x, bn_x)
    te = _build_table(e, scale_e, w_e, bn_e)
    sc = _build_consts(w_full, scale2d, bias2d, b_pad)

    window = _pick_block(num_pairs, (128, 64, 32, 16, 8))
    row2d = hyperedge_index[0:1]
    col2d = hyperedge_index[1:2]
    rsum = _sc_gather(tx, te, row2d, col2d, window)

    bp = _pick_block(num_pairs, (6400, 3200, 1600, 800, 400, 200, 100, 50, 25, 10, 8))
    attrs = _build_attrs(rsum, sc, bp)

    grp = _pick_block(num_pairs // 256, (10, 5, 25, 2, 1))
    idx = _build_index(hyperedge_index, grp)

    return (idx, attrs.reshape(num_pairs * _D * _D))

# --- scband reference (transcript-rebuilt; emitter-appended) ---
"""Pipeline reference for scband-sheaf-builder-low-rank-62998580297942 (READ-ONLY COPY).

The authoritative reference and input builder live on the scoring server;
editing this copy changes nothing except your own understanding.
"""

import jax, jax.numpy as jnp
import numpy as np

D = 6
RANK = 2
MLP_HIDDEN = 128
NUM_NODES = 10000
NUM_EDGES = 5000
E = 320000
OUT_DIMS = 2 * D * RANK + D


def layernorm(h, scale, bias, eps=1e-5):
    mu = jnp.mean(h, axis=-1, keepdims=True)
    var = jnp.mean((h - mu) ** 2, axis=-1, keepdims=True)
    return (h - mu) / jnp.sqrt(var + eps) * scale + bias


def setup_inputs(seed: int = 0):
    key = jax.random.key(seed)
    k1, k2, k3, k4, k5 = jax.random.split(key, 5)
    x = jax.random.normal(k1, (NUM_NODES * D, MLP_HIDDEN), dtype=jnp.float32)
    e = jax.random.normal(k2, (NUM_EDGES * D, MLP_HIDDEN), dtype=jnp.float32)
    row = jax.random.randint(k3, (E,), 0, NUM_NODES, dtype=jnp.int32)
    col = jax.random.randint(k4, (E,), 0, NUM_EDGES, dtype=jnp.int32)
    col = col.at[0].set(NUM_EDGES - 1)  # ensure num_edges inferred from max matches e
    hyperedge_index = jnp.stack([row, col], axis=0)
    ln_scale = jnp.ones((2 * MLP_HIDDEN,), dtype=jnp.float32)
    ln_bias = jnp.zeros((2 * MLP_HIDDEN,), dtype=jnp.float32)
    W = jax.random.normal(k5, (2 * MLP_HIDDEN, OUT_DIMS), dtype=jnp.float32) * 0.05
    b = jnp.zeros((OUT_DIMS,), dtype=jnp.float32)
    return {"x": x, "e": e, "hyperedge_index": hyperedge_index,
            "ln_scale": ln_scale, "ln_bias": ln_bias, "W": W, "b": b}


def reference(x, e, hyperedge_index, ln_scale, ln_bias, W, b):
    d = D
    rank = RANK
    num_nodes = x.shape[0] // d
    num_edges = e.shape[0] // d
    # mean over the d stalk copies
    xm = jnp.mean(x.reshape(num_nodes, d, x.shape[-1]), axis=1)
    em = jnp.mean(e.reshape(num_edges, d, e.shape[-1]), axis=1)
    row = hyperedge_index[0]
    col = hyperedge_index[1]
    # predict_blocks (MLP_var1): sigma(MLP(x_v || h_e))
    xs = jnp.take(xm, row, axis=0)
    es = jnp.take(em, col, axis=0)
    h = jnp.concatenate([xs, es], axis=-1)
    h = layernorm(h, ln_scale, ln_bias)  # MLP InputNorm (LayerNorm)
    h = h @ W + b                        # MLP num_layers=1 Linear
    h = jax.nn.sigmoid(h)                # sheaf_act='sigmoid'
    # low-rank block assembly: A B^T + diag(c)
    s1 = d * rank
    s2 = 2 * d * rank
    A = h[:, :s1].reshape(-1, d, rank)
    B = h[:, s1:s2].reshape(-1, d, rank)
    C = h[:, s2:].reshape(-1, d)
    hs = jnp.einsum('bir,bjr->bij', A, B)
    hs = hs + C[:, :, None] * jnp.eye(d, dtype=h.dtype)[None, :, :]  # diag_embed
    hs = hs.reshape(hs.shape[0], d * d)
    # expanded dxd block index construction
    d_range = jnp.arange(d, dtype=row.dtype)
    d_range_edges = jnp.tile(d_range, d)[:, None]          # repeat
    d_range_nodes = jnp.repeat(d_range, d)[:, None]        # repeat_interleave
    idx0 = jnp.transpose(d * row[None, :] + d_range_nodes).reshape(-1)
    idx1 = jnp.transpose(d * col[None, :] + d_range_edges).reshape(-1)
    h_general_sheaf_index = jnp.stack([idx0, idx1], axis=0)
    h_general_sheaf_attributes = hs.reshape(-1)
    return (h_general_sheaf_index, h_general_sheaf_attributes)

if __name__ == "__main__":
    import jax
    _d = setup_inputs()
    print(jax.jit(kernel)(*tuple(_d.values())))

</pallas_src>

<mosaic_0001>
#map = affine_map<(d0, d1) -> (0, 0)>
module attributes {stable_mosaic.version = 14 : i64} {
  func.func @gather_kernel(%arg0: i32, %arg1: i32, %arg2: memref<10000x48xf32, #tpu.memory_space<hbm>>, %arg3: memref<5000x48xf32, #tpu.memory_space<hbm>>, %arg4: memref<1x320000xi32, #tpu.memory_space<hbm>>, %arg5: memref<1x320000xi32, #tpu.memory_space<hbm>>, %arg6: memref<320000x128xf32, #tpu.memory_space<hbm>>, %arg7: memref<10000x48xf32, #tpu.memory_space<vmem_shared>>, %arg8: memref<5000x48xf32, #tpu.memory_space<vmem_shared>>, %arg9: memref<!tpu.dma_semaphore, #tpu.memory_space<semaphore_mem>>, %arg10: memref<128x48xf32, #tpu.memory_space<vmem>>, %arg11: memref<128x48xf32, #tpu.memory_space<vmem>>, %arg12: memref<!tpu.dma_semaphore, #tpu.memory_space<semaphore_mem>>, %arg13: memref<!tpu.dma_semaphore, #tpu.memory_space<semaphore_mem>>) attributes {dimension_semantics = [#tpu.dimension_semantics<core_parallel>, #tpu.dimension_semantics<subcore_parallel>], iteration_bounds = array<i64: 2, 16>, scalar_prefetch = 0 : i64, scratch_operands = 7 : i64, tpu.core_type = #tpu.core_type<sc_vector_subcore>, window_params = [{transform_indices = #map}, {transform_indices = #map}, {transform_indices = #map}, {transform_indices = #map}, {transform_indices = #map}]} {
    %eq3A = arith.constant 0 : i32
    %eq3A_0 = arith.cmpi eq, %arg1, %eq3A : i32
    %convert_element_type3A = arith.extui %eq3A_0 : i1 to i32
    %cond3A = arith.constant 0 : i32
    %cond3A_1 = arith.cmpi ne, %convert_element_type3A, %cond3A : i32
    scf.if %cond3A_1 {
      tpu.enqueue_dma source(%arg2 : memref<10000x48xf32, #tpu.memory_space<hbm>>) target(%arg7 : memref<10000x48xf32, #tpu.memory_space<vmem_shared>>) target_semaphore(%arg9 : memref<!tpu.dma_semaphore, #tpu.memory_space<semaphore_mem>>)
      tpu.wait_dma2 semaphore(%arg9 : memref<!tpu.dma_semaphore, #tpu.memory_space<semaphore_mem>>) src(%arg2 : memref<10000x48xf32, #tpu.memory_space<hbm>>) dst(%arg7 : memref<10000x48xf32, #tpu.memory_space<vmem_shared>>)
      tpu.enqueue_dma source(%arg3 : memref<5000x48xf32, #tpu.memory_space<hbm>>) target(%arg8 : memref<5000x48xf32, #tpu.memory_space<vmem_shared>>) target_semaphore(%arg9 : memref<!tpu.dma_semaphore, #tpu.memory_space<semaphore_mem>>)
      tpu.wait_dma2 semaphore(%arg9 : memref<!tpu.dma_semaphore, #tpu.memory_space<semaphore_mem>>) src(%arg3 : memref<5000x48xf32, #tpu.memory_space<hbm>>) dst(%arg8 : memref<5000x48xf32, #tpu.memory_space<vmem_shared>>)
    } else {
    }
    %barrier3A = arith.constant 0 : index
    tpu.barrier barrier_id(%barrier3A)
    %mul3A = arith.constant 1 : i32
    %mul3A_2 = arith.muli %arg1, %mul3A : i32
    %add3A = arith.constant 0 : i32
    %add3A_3 = arith.addi %add3A, %mul3A_2 : i32
    %mul3A_4 = arith.constant 16 : i32
    %mul3A_5 = arith.muli %arg0, %mul3A_4 : i32
    %add3A_6 = arith.addi %add3A_3, %mul3A_5 : i32
    %lt3A = arith.constant 4 : i32
    %lt3A_7 = arith.cmpi slt, %add3A_6, %lt3A : i32
    %jit3A = arith.constant 79 : i32
    %jit3A_8 = arith.constant 78 : i32
    %select_n3A = arith.select %lt3A_7, %jit3A, %jit3A_8 : i32
    %lt3A_9 = arith.constant 4 : i32
    %lt3A_10 = arith.cmpi slt, %add3A_6, %lt3A_9 : i32
    %mul3A_11 = arith.muli %add3A_6, %select_n3A : i32
    %mul3A_12 = arith.constant 78 : i32
    %mul3A_13 = arith.muli %add3A_6, %mul3A_12 : i32
    %add3A_14 = arith.constant 4 : i32
    %add3A_15 = arith.addi %mul3A_13, %add3A_14 : i32
    %select_n3A_16 = arith.select %lt3A_10, %mul3A_11, %add3A_15 : i32
    %mul3A_17 = arith.constant 1 : i32
    %mul3A_18 = arith.muli %mul3A_17, %select_n3A : i32
    "tpu.region"() ({
      %run_scoped3A = memref.alloca() : memref<2x1x128xi32, #tpu.memory_space<vmem>>
      %run_scoped3A_19 = tpu.sem_alloc : memref<2x!tpu.dma_semaphore, #tpu.memory_space<semaphore_mem>>
      %run_scoped3A_20 = memref.alloca() : memref<2x1x128xi32, #tpu.memory_space<vmem>>
      %run_scoped3A_21 = tpu.sem_alloc : memref<2x!tpu.dma_semaphore, #tpu.memory_space<semaphore_mem>>
      %run_scoped3A_22 = memref.alloca() : memref<2x128x128xf32, #tpu.memory_space<vmem>>
      %run_scoped3A_23 = tpu.sem_alloc : memref<2x!tpu.dma_semaphore, #tpu.memory_space<semaphore_mem>>
      %gt3A = arith.constant 0 : i32
      %gt3A_24 = arith.cmpi sgt, %mul3A_18, %gt3A : i32
      %convert_element_type3A_25 = arith.extui %gt3A_24 : i1 to i32
      %cond3A_26 = arith.constant 0 : i32
      %cond3A_27 = arith.cmpi ne, %convert_element_type3A_25, %cond3A_26 : i32
      scf.if %cond3A_27 {
        %mul3A_28 = arith.constant 1 : i32
        %mul3A_29 = arith.muli %mul3A_28, %select_n3A : i32
        %sub3A = arith.constant 1 : i32
        %sub3A_30 = arith.subi %mul3A_29, %sub3A : i32
        %eq3A_31 = arith.constant 0 : i32
        %eq3A_32 = arith.cmpi eq, %sub3A_30, %eq3A_31 : i32
        %add3A_33 = arith.constant 0 : i32
        %add3A_34 = arith.addi %add3A_33, %select_n3A_16 : i32
        %select_n3A_35 = arith.constant true
        %select_n3A_36 = arith.constant 0 : i32
        %select_n3A_37 = arith.constant -1 : i32
        %select_n3A_38 = arith.select %select_n3A_35, %select_n3A_37, %select_n3A_36 : i32
        %eq3A_39 = arith.constant -1 : i32
        %eq3A_40 = arith.cmpi eq, %select_n3A_38, %eq3A_39 : i32
        %sub3A_41 = arith.constant 1 : i32
        %sub3A_42 = arith.subi %select_n3A, %sub3A_41 : i32
        %select_n3A_43 = arith.select %eq3A_40, %sub3A_42, %select_n3A_38 : i32
        %add3A_44 = arith.addi %select_n3A_43, %select_n3A_16 : i32
        %select_n3A_45 = arith.constant true
        %select_n3A_46 = arith.constant 0 : i32
        %select_n3A_47 = arith.constant 1 : i32
        %select_n3A_48 = arith.select %select_n3A_45, %select_n3A_47, %select_n3A_46 : i32
        %eq3A_49 = arith.cmpi eq, %select_n3A_48, %select_n3A : i32
        %select_n3A_50 = arith.constant 0 : i32
        %select_n3A_51 = arith.select %eq3A_49, %select_n3A_50, %select_n3A_48 : i32
        %add3A_52 = arith.addi %select_n3A_51, %select_n3A_16 : i32
        %add3A_53 = arith.constant 1 : i32
        %add3A_54 = arith.addi %select_n3A_51, %add3A_53 : i32
        %select_n3A_55 = arith.constant true
        %select_n3A_56 = arith.select %select_n3A_55, %add3A_54, %select_n3A_51 : i32
        %eq3A_57 = arith.cmpi eq, %select_n3A_56, %select_n3A : i32
        %select_n3A_58 = arith.constant 0 : i32
        %select_n3A_59 = arith.select %eq3A_57, %select_n3A_58, %select_n3A_56 : i32
        %add3A_60 = arith.addi %select_n3A_59, %select_n3A_16 : i32
        "tpu.trace_start"() <{level = 10 : i32, message = "ep_initialize_0"}> : () -> ()
        %rem3A = arith.constant 0 : i32
        %rem3A_61 = arith.constant 2 : i32
        %rem3A_62 = arith.remui %rem3A, %rem3A_61 : i32
        %mul3A_63 = arith.constant 128 : i32
        %mul3A_64 = arith.muli %mul3A_63, %add3A_34 : i32
        %dma_start3A = arith.constant 0 : i32
        %dma_start3A_65 = arith.constant 0 : i32
        %dma_start3A_66 = tpu.memref_slice %run_scoped3A[%rem3A_62, %dma_start3A, %dma_start3A_65] : memref<2x1x128xi32, #tpu.memory_space<vmem>> -> memref<1x1x128xi32, #tpu.memory_space<vmem>>
        %dma_start3A_67 = tpu.memref_squeeze %dma_start3A_66 : memref<1x1x128xi32, #tpu.memory_space<vmem>> -> memref<1x128xi32, #tpu.memory_space<vmem>>
        %dma_start3A_68 = arith.constant 0 : i32
        %dma_start3A_69 = tpu.memref_slice %arg4[%dma_start3A_68, %mul3A_64] : memref<1x320000xi32, #tpu.memory_space<hbm>> -> memref<1x128xi32, #tpu.memory_space<hbm>>
        %dma_start3A_70 = tpu.memref_slice %run_scoped3A_19[%rem3A_62] : memref<2x!tpu.dma_semaphore, #tpu.memory_space<semaphore_mem>> -> memref<1x!tpu.dma_semaphore, #tpu.memory_space<semaphore_mem>>
        %dma_start3A_71 = tpu.memref_squeeze %dma_start3A_70 : memref<1x!tpu.dma_semaphore, #tpu.memory_space<semaphore_mem>> -> memref<!tpu.dma_semaphore, #tpu.memory_space<semaphore_mem>>
        %dma_start3A_72 = arith.constant 0 : i32
        %dma_start3A_73 = arith.constant 0 : i32
        %dma_start3A_74 = tpu.memref_slice %run_scoped3A[%rem3A_62, %dma_start3A_72, %dma_start3A_73] : memref<2x1x128xi32, #tpu.memory_space<vmem>> -> memref<1x1x128xi32, #tpu.memory_space<vmem>>
        %dma_start3A_75 = tpu.memref_squeeze %dma_start3A_74 : memref<1x1x128xi32, #tpu.memory_space<vmem>> -> memref<1x128xi32, #tpu.memory_space<vmem>>
        %dma_start3A_76 = arith.constant 0 : i32
        %dma_start3A_77 = tpu.memref_slice %arg4[%dma_start3A_76, %mul3A_64] : memref<1x320000xi32, #tpu.memory_space<hbm>> -> memref<1x128xi32, #tpu.memory_space<hbm>>
        tpu.enqueue_dma source(%dma_start3A_77 : memref<1x128xi32, #tpu.memory_space<hbm>>) target(%dma_start3A_75 : memref<1x128xi32, #tpu.memory_space<vmem>>) target_semaphore(%dma_start3A_71 : memref<!tpu.dma_semaphore, #tpu.memory_space<semaphore_mem>>)
        %add3A_78 = arith.constant 0 : i32
        %add3A_79 = arith.constant 1 : i32
        %add3A_80 = arith.addi %add3A_78, %add3A_79 : i32
        %select_n3A_81 = arith.constant true
        %select_n3A_82 = arith.constant 0 : i32
        %select_n3A_83 = arith.select %select_n3A_81, %add3A_80, %select_n3A_82 : i32
        %rem3A_84 = arith.constant 0 : i32
        %rem3A_85 = arith.constant 2 : i32
        %rem3A_86 = arith.remui %rem3A_84, %rem3A_85 : i32
        %mul3A_87 = arith.constant 128 : i32
        %mul3A_88 = arith.muli %mul3A_87, %add3A_34 : i32
        %dma_start3A_89 = arith.constant 0 : i32
        %dma_start3A_90 = arith.constant 0 : i32
        %dma_start3A_91 = tpu.memref_slice %run_scoped3A_20[%rem3A_86, %dma_start3A_89, %dma_start3A_90] : memref<2x1x128xi32, #tpu.memory_space<vmem>> -> memref<1x1x128xi32, #tpu.memory_space<vmem>>
        %dma_start3A_92 = tpu.memref_squeeze %dma_start3A_91 : memref<1x1x128xi32, #tpu.memory_space<vmem>> -> memref<1x128xi32, #tpu.memory_space<vmem>>
        %dma_start3A_93 = arith.constant 0 : i32
        %dma_start3A_94 = tpu.memref_slice %arg5[%dma_start3A_93, %mul3A_88] : memref<1x320000xi32, #tpu.memory_space<hbm>> -> memref<1x128xi32, #tpu.memory_space<hbm>>
        %dma_start3A_95 = tpu.memref_slice %run_scoped3A_21[%rem3A_86] : memref<2x!tpu.dma_semaphore, #tpu.memory_space<semaphore_mem>> -> memref<1x!tpu.dma_semaphore, #tpu.memory_space<semaphore_mem>>
        %dma_start3A_96 = tpu.memref_squeeze %dma_start3A_95 : memref<1x!tpu.dma_semaphore, #tpu.memory_space<semaphore_mem>> -> memref<!tpu.dma_semaphore, #tpu.memory_space<semaphore_mem>>
        %dma_start3A_97 = arith.constant 0 : i32
        %dma_start3A_98 = arith.constant 0 : i32
        %dma_start3A_99 = tpu.memref_slice %run_scoped3A_20[%rem3A_86, %dma_start3A_97, %dma_start3A_98] : memref<2x1x128xi32, #tpu.memory_space<vmem>> -> memref<1x1x128xi32, #tpu.memory_space<vmem>>
        %dma_start3A_100 = tpu.memref_squeeze %dma_start3A_99 : memref<1x1x128xi32, #tpu.memory_space<vmem>> -> memref<1x128xi32, #tpu.memory_space<vmem>>
        %dma_start3A_101 = arith.constant 0 : i32
        %dma_start3A_102 = tpu.memref_slice %arg5[%dma_start3A_101, %mul3A_88] : memref<1x320000xi32, #tpu.memory_space<hbm>> -> memref<1x128xi32, #tpu.memory_space<hbm>>
        tpu.enqueue_dma source(%dma_start3A_102 : memref<1x128xi32, #tpu.memory_space<hbm>>) target(%dma_start3A_100 : memref<1x128xi32, #tpu.memory_space<vmem>>) target_semaphore(%dma_start3A_96 : memref<!tpu.dma_semaphore, #tpu.memory_space<semaphore_mem>>)
        %add3A_103 = arith.constant 0 : i32
        %add3A_104 = arith.constant 1 : i32
        %add3A_105 = arith.addi %add3A_103, %add3A_104 : i32
        %select_n3A_106 = arith.constant true
        %select_n3A_107 = arith.constant 0 : i32
        %select_n3A_108 = arith.select %select_n3A_106, %add3A_105, %select_n3A_107 : i32
        %while3A = arith.constant 0 : i32
        %while3A_109 = arith.constant 0 : i32
        %while3A_110 = arith.constant 0 : i32
        %while3A_111 = arith.constant 0 : i32
        %while3A_112 = arith.constant 0 : i32
        %while3A_113 = arith.constant 0 : i32
        "tpu.trace_stop"() : () -> ()
        %while3A_114 = arith.subi %mul3A_18, %while3A : i32
        %while3A_115 = arith.addi %while3A, %while3A_114 : i32
        %while3A_116 = arith.constant 1 : i32
        %while3A_117 = arith.divsi %while3A_114, %while3A_116 : i32
        %while3A_118 = arith.muli %while3A_117, %while3A_116 : i32
        %while3A_119 = arith.addi %while3A, %while3A_118 : i32
        %while3A_120 = arith.constant 1 : i32
        %while3A_121:7 = scf.for %while3A_178 = %while3A to %while3A_119 step %while3A_120 iter_args(%while3A_179 = %select_n3A_83, %while3A_180 = %while3A_109, %while3A_181 = %select_n3A_108, %while3A_182 = %while3A_110, %while3A_183 = %while3A_111, %while3A_184 = %while3A_112, %while3A_185 = %while3A_113) -> (i32, i32, i32, i32, i32, i32, i32)  : i32 {
          %mul3A_186 = arith.constant 1 : i32
          %mul3A_187 = arith.muli %mul3A_186, %select_n3A : i32
          %eq3A_188 = arith.constant 0 : i32
          %eq3A_189 = arith.cmpi eq, %while3A_178, %eq3A_188 : i32
          %sub3A_190 = arith.constant 1 : i32
          %sub3A_191 = arith.subi %mul3A_187, %sub3A_190 : i32
          %eq3A_192 = arith.cmpi eq, %while3A_178, %sub3A_191 : i32
          %add3A_193 = arith.addi %while3A_185, %select_n3A_16 : i32
          %sub3A_194 = arith.constant 1 : i32
          %sub3A_195 = arith.subi %while3A_185, %sub3A_194 : i32
          %select_n3A_196 = arith.constant true
          %select_n3A_197 = arith.select %select_n3A_196, %sub3A_195, %while3A_185 : i32
          %eq3A_198 = arith.constant -1 : i32
          %eq3A_199 = arith.cmpi eq, %select_n3A_197, %eq3A_198 : i32
          %sub3A_200 = arith.constant 1 : i32
          %sub3A_201 = arith.subi %select_n3A, %sub3A_200 : i32
          %select_n3A_202 = arith.select %eq3A_199, %sub3A_201, %select_n3A_197 : i32
          %add3A_203 = arith.addi %select_n3A_202, %select_n3A_16 : i32
          %add3A_204 = arith.constant 1 : i32
          %add3A_205 = arith.addi %while3A_185, %add3A_204 : i32
          %select_n3A_206 = arith.constant true
          %select_n3A_207 = arith.select %select_n3A_206, %add3A_205, %while3A_185 : i32
          %eq3A_208 = arith.cmpi eq, %select_n3A_207, %select_n3A : i32
          %select_n3A_209 = arith.constant 0 : i32
          %select_n3A_210 = arith.select %eq3A_208, %select_n3A_209, %select_n3A_207 : i32
          %add3A_211 = arith.addi %select_n3A_210, %select_n3A_16 : i32
          %add3A_212 = arith.constant 1 : i32
          %add3A_213 = arith.addi %select_n3A_210, %add3A_212 : i32
          %select_n3A_214 = arith.constant true
          %select_n3A_215 = arith.select %select_n3A_214, %add3A_213, %select_n3A_210 : i32
          %eq3A_216 = arith.cmpi eq, %select_n3A_215, %select_n3A : i32
          %select_n3A_217 = arith.constant 0 : i32
          %select_n3A_218 = arith.select %eq3A_216, %select_n3A_217, %select_n3A_215 : i32
          %add3A_219 = arith.addi %select_n3A_218, %select_n3A_16 : i32
          %ne3A = arith.cmpi ne, %add3A_193, %add3A_211 : i32
          %or3A = arith.constant false
          %or3A_220 = arith.ori %or3A, %ne3A : i1
          %sub3A_221 = arith.constant 2 : i32
          %sub3A_222 = arith.subi %mul3A_187, %sub3A_221 : i32
          %add3A_223 = arith.constant 1 : i32
          %add3A_224 = arith.addi %sub3A_222, %add3A_223 : i32
          %ge3A = arith.cmpi sge, %while3A_178, %add3A_224 : i32
          %not3A = arith.constant true
          %not3A_225 = arith.xori %ge3A, %not3A : i1
          %and3A = arith.andi %or3A_220, %not3A_225 : i1
          %convert_element_type3A_226 = arith.extui %and3A : i1 to i32
          %cond3A_227 = arith.constant 0 : i32
          %cond3A_228 = arith.cmpi ne, %convert_element_type3A_226, %cond3A_227 : i32
          scf.if %cond3A_228 {
            "tpu.trace_start"() <{level = 10 : i32, message = "ep_copy_in"}> : () -> ()
            %rem3A_433 = arith.constant 2 : i32
            %rem3A_434 = arith.remui %while3A_179, %rem3A_433 : i32
            %mul3A_435 = arith.constant 128 : i32
            %mul3A_436 = arith.muli %mul3A_435, %add3A_211 : i32
            %dma_start3A_437 = arith.constant 0 : i32
            %dma_start3A_438 = arith.constant 0 : i32
            %dma_start3A_439 = tpu.memref_slice %run_scoped3A[%rem3A_434, %dma_start3A_437, %dma_start3A_438] : memref<2x1x128xi32, #tpu.memory_space<vmem>> -> memref<1x1x128xi32, #tpu.memory_space<vmem>>
            %dma_start3A_440 = tpu.memref_squeeze %dma_start3A_439 : memref<1x1x128xi32, #tpu.memory_space<vmem>> -> memref<1x128xi32, #tpu.memory_space<vmem>>
            %dma_start3A_441 = arith.constant 0 : i32
            %dma_start3A_442 = tpu.memref_slice %arg4[%dma_start3A_441, %mul3A_436] : memref<1x320000xi32, #tpu.memory_space<hbm>> -> memref<1x128xi32, #tpu.memory_space<hbm>>
            %dma_start3A_443 = tpu.memref_slice %run_scoped3A_19[%rem3A_434] : memref<2x!tpu.dma_semaphore, #tpu.memory_space<semaphore_mem>> -> memref<1x!tpu.dma_semaphore, #tpu.memory_space<semaphore_mem>>
            %dma_start3A_444 = tpu.memref_squeeze %dma_start3A_443 : memref<1x!tpu.dma_semaphore, #tpu.memory_space<semaphore_mem>> -> memref<!tpu.dma_semaphore, #tpu.memory_space<semaphore_mem>>
            %dma_start3A_445 = arith.constant 0 : i32
            %dma_start3A_446 = arith.constant 0 : i32
            %dma_start3A_447 = tpu.memref_slice %run_scoped3A[%rem3A_434, %dma_start3A_445, %dma_start3A_446] : memref<2x1x128xi32, #tpu.memory_space<vmem>> -> memref<1x1x128xi32, #tpu.memory_space<vmem>>
            %dma_start3A_448 = tpu.memref_squeeze %dma_start3A_447 : memref<1x1x128xi32, #tpu.memory_space<vmem>> -> memref<1x128xi32, #tpu.memory_space<vmem>>
            %dma_start3A_449 = arith.constant 0 : i32
            %dma_start3A_450 = tpu.memref_slice %arg4[%dma_start3A_449, %mul3A_436] : memref<1x320000xi32, #tpu.memory_space<hbm>> -> memref<1x128xi32, #tpu.memory_space<hbm>>
            tpu.enqueue_dma source(%dma_start3A_450 : memref<1x128xi32, #tpu.memory_space<hbm>>) target(%dma_start3A_448 : memref<1x128xi32, #tpu.memory_space<vmem>>) target_semaphore(%dma_start3A_444 : memref<!tpu.dma_semaphore, #tpu.memory_space<semaphore_mem>>)
            "tpu.trace_stop"() : () -> ()
          } else {
          }
          %and3A_229 = arith.constant true
          %and3A_230 = arith.andi %and3A, %and3A_229 : i1
          %add3A_231 = arith.constant 1 : i32
          %add3A_232 = arith.addi %while3A_179, %add3A_231 : i32
          %select_n3A_233 = arith.select %and3A_230, %add3A_232, %while3A_179 : i32
          %ne3A_234 = arith.cmpi ne, %add3A_193, %add3A_211 : i32
          %or3A_235 = arith.constant false
          %or3A_236 = arith.ori %or3A_235, %ne3A_234 : i1
          %sub3A_237 = arith.constant 2 : i32
          %sub3A_238 = arith.subi %mul3A_187, %sub3A_237 : i32
          %add3A_239 = arith.constant 1 : i32
          %add3A_240 = arith.addi %sub3A_238, %add3A_239 : i32
          %ge3A_241 = arith.cmpi sge, %while3A_178, %add3A_240 : i32
          %not3A_242 = arith.constant true
          %not3A_243 = arith.xori %ge3A_241, %not3A_242 : i1
          %and3A_244 = arith.andi %or3A_236, %not3A_243 : i1
          %convert_element_type3A_245 = arith.extui %and3A_244 : i1 to i32
          %cond3A_246 = arith.constant 0 : i32
          %cond3A_247 = arith.cmpi ne, %convert_element_type3A_245, %cond3A_246 : i32
          scf.if %cond3A_247 {
            "tpu.trace_start"() <{level = 10 : i32, message = "ep_copy_in"}> : () -> ()
            %rem3A_433 = arith.constant 2 : i32
            %rem3A_434 = arith.remui %while3A_181, %rem3A_433 : i32
            %mul3A_435 = arith.constant 128 : i32
            %mul3A_436 = arith.muli %mul3A_435, %add3A_211 : i32
            %dma_start3A_437 = arith.constant 0 : i32
            %dma_start3A_438 = arith.constant 0 : i32
            %dma_start3A_439 = tpu.memref_slice %run_scoped3A_20[%rem3A_434, %dma_start3A_437, %dma_start3A_438] : memref<2x1x128xi32, #tpu.memory_space<vmem>> -> memref<1x1x128xi32, #tpu.memory_space<vmem>>
            %dma_start3A_440 = tpu.memref_squeeze %dma_start3A_439 : memref<1x1x128xi32, #tpu.memory_space<vmem>> -> memref<1x128xi32, #tpu.memory_space<vmem>>
            %dma_start3A_441 = arith.constant 0 : i32
            %dma_start3A_442 = tpu.memref_slice %arg5[%dma_start3A_441, %mul3A_436] : memref<1x320000xi32, #tpu.memory_space<hbm>> -> memref<1x128xi32, #tpu.memory_space<hbm>>
            %dma_start3A_443 = tpu.memref_slice %run_scoped3A_21[%rem3A_434] : memref<2x!tpu.dma_semaphore, #tpu.memory_space<semaphore_mem>> -> memref<1x!tpu.dma_semaphore, #tpu.memory_space<semaphore_mem>>
            %dma_start3A_444 = tpu.memref_squeeze %dma_start3A_443 : memref<1x!tpu.dma_semaphore, #tpu.memory_space<semaphore_mem>> -> memref<!tpu.dma_semaphore, #tpu.memory_space<semaphore_mem>>
            %dma_start3A_445 = arith.constant 0 : i32
            %dma_start3A_446 = arith.constant 0 : i32
            %dma_start3A_447 = tpu.memref_slice %run_scoped3A_20[%rem3A_434, %dma_start3A_445, %dma_start3A_446] : memref<2x1x128xi32, #tpu.memory_space<vmem>> -> memref<1x1x128xi32, #tpu.memory_space<vmem>>
            %dma_start3A_448 = tpu.memref_squeeze %dma_start3A_447 : memref<1x1x128xi32, #tpu.memory_space<vmem>> -> memref<1x128xi32, #tpu.memory_space<vmem>>
            %dma_start3A_449 = arith.constant 0 : i32
            %dma_start3A_450 = tpu.memref_slice %arg5[%dma_start3A_449, %mul3A_436] : memref<1x320000xi32, #tpu.memory_space<hbm>> -> memref<1x128xi32, #tpu.memory_space<hbm>>
            tpu.enqueue_dma source(%dma_start3A_450 : memref<1x128xi32, #tpu.memory_space<hbm>>) target(%dma_start3A_448 : memref<1x128xi32, #tpu.memory_space<vmem>>) target_semaphore(%dma_start3A_444 : memref<!tpu.dma_semaphore, #tpu.memory_space<semaphore_mem>>)
            "tpu.trace_stop"() : () -> ()
          } else {
          }
          %and3A_248 = arith.constant true
          %and3A_249 = arith.andi %and3A_244, %and3A_248 : i1
          %add3A_250 = arith.constant 1 : i32
          %add3A_251 = arith.addi %while3A_181, %add3A_250 : i32
          %select_n3A_252 = arith.select %and3A_249, %add3A_251, %while3A_181 : i32
          %ne3A_253 = arith.cmpi ne, %add3A_193, %add3A_211 : i32
          %or3A_254 = arith.constant false
          %or3A_255 = arith.ori %or3A_254, %ne3A_253 : i1
          %or3A_256 = arith.constant false
          %or3A_257 = arith.ori %or3A_255, %or3A_256 : i1
          %sub3A_258 = arith.constant 2 : i32
          %sub3A_259 = arith.subi %mul3A_187, %sub3A_258 : i32
          %add3A_260 = arith.constant 1 : i32
          %add3A_261 = arith.addi %sub3A_259, %add3A_260 : i32
          %ge3A_262 = arith.cmpi sge, %while3A_178, %add3A_261 : i32
          %not3A_263 = arith.constant true
          %not3A_264 = arith.xori %ge3A_262, %not3A_263 : i1
          %and3A_265 = arith.andi %or3A_257, %not3A_264 : i1
          %ne3A_266 = arith.cmpi ne, %add3A_193, %add3A_203 : i32
          %or3A_267 = arith.constant false
          %or3A_268 = arith.ori %or3A_267, %ne3A_266 : i1
          %or3A_269 = arith.ori %or3A_268, %eq3A_189 : i1
          %convert_element_type3A_270 = arith.extui %or3A_269 : i1 to i32
          %cond3A_271 = arith.constant 0 : i32
          %cond3A_272 = arith.cmpi ne, %convert_element_type3A_270, %cond3A_271 : i32
          scf.if %cond3A_272 {
            "tpu.trace_start"() <{level = 10 : i32, message = "ep_wait_in"}> : () -> ()
            %mul3A_433 = arith.constant 128 : i32
            %mul3A_434 = arith.muli %mul3A_433, %add3A_193 : i32
            %rem3A_435 = arith.constant 2 : i32
            %rem3A_436 = arith.remui %while3A_180, %rem3A_435 : i32
            %dma_wait3A_437 = arith.constant 0 : i32
            %dma_wait3A_438 = arith.constant 0 : i32
            %dma_wait3A_439 = tpu.memref_slice %run_scoped3A[%rem3A_436, %dma_wait3A_437, %dma_wait3A_438] : memref<2x1x128xi32, #tpu.memory_space<vmem>> -> memref<1x1x128xi32, #tpu.memory_space<vmem>>
            %dma_wait3A_440 = tpu.memref_squeeze %dma_wait3A_439 : memref<1x1x128xi32, #tpu.memory_space<vmem>> -> memref<1x128xi32, #tpu.memory_space<vmem>>
            %dma_wait3A_441 = arith.constant 0 : i32
            %dma_wait3A_442 = tpu.memref_slice %arg4[%dma_wait3A_441, %mul3A_434] : memref<1x320000xi32, #tpu.memory_space<hbm>> -> memref<1x128xi32, #tpu.memory_space<hbm>>
            %dma_wait3A_443 = tpu.memref_slice %run_scoped3A_19[%rem3A_436] : memref<2x!tpu.dma_semaphore, #tpu.memory_space<semaphore_mem>> -> memref<1x!tpu.dma_semaphore, #tpu.memory_space<semaphore_mem>>
            %dma_wait3A_444 = tpu.memref_squeeze %dma_wait3A_443 : memref<1x!tpu.dma_semaphore, #tpu.memory_space<semaphore_mem>> -> memref<!tpu.dma_semaphore, #tpu.memory_space<semaphore_mem>>
            %dma_wait3A_445 = arith.constant 0 : i32
            %dma_wait3A_446 = arith.constant 0 : i32
            %dma_wait3A_447 = tpu.memref_slice %run_scoped3A[%rem3A_436, %dma_wait3A_445, %dma_wait3A_446] : memref<2x1x128xi32, #tpu.memory_space<vmem>> -> memref<1x1x128xi32, #tpu.memory_space<vmem>>
            %dma_wait3A_448 = tpu.memref_squeeze %dma_wait3A_447 : memref<1x1x128xi32, #tpu.memory_space<vmem>> -> memref<1x128xi32, #tpu.memory_space<vmem>>
            %dma_wait3A_449 = arith.constant 0 : i32
            %dma_wait3A_450 = tpu.memref_slice %arg4[%dma_wait3A_449, %mul3A_434] : memref<1x320000xi32, #tpu.memory_space<hbm>> -> memref<1x128xi32, #tpu.memory_space<hbm>>
            tpu.wait_dma2 semaphore(%dma_wait3A_444 : memref<!tpu.dma_semaphore, #tpu.memory_space<semaphore_mem>>) src(%dma_wait3A_450 : memref<1x128xi32, #tpu.memory_space<hbm>>) dst(%dma_wait3A_448 : memref<1x128xi32, #tpu.memory_space<vmem>>)
            "tpu.trace_stop"() : () -> ()
          } else {
          }
          %ne3A_273 = arith.cmpi ne, %add3A_193, %add3A_203 : i32
          %or3A_274 = arith.constant false
          %or3A_275 = arith.ori %or3A_274, %ne3A_273 : i1
          %or3A_276 = arith.ori %or3A_275, %eq3A_189 : i1
          %convert_element_type3A_277 = arith.extui %or3A_276 : i1 to i32
          %cond3A_278 = arith.constant 0 : i32
          %cond3A_279 = arith.cmpi ne, %convert_element_type3A_277, %cond3A_278 : i32
          scf.if %cond3A_279 {
            "tpu.trace_start"() <{level = 10 : i32, message = "ep_wait_in"}> : () -> ()
            %mul3A_433 = arith.constant 128 : i32
            %mul3A_434 = arith.muli %mul3A_433, %add3A_193 : i32
            %rem3A_435 = arith.constant 2 : i32
            %rem3A_436 = arith.remui %while3A_182, %rem3A_435 : i32
            %dma_wait3A_437 = arith.constant 0 : i32
            %dma_wait3A_438 = arith.constant 0 : i32
            %dma_wait3A_439 = tpu.memref_slice %run_scoped3A_20[%rem3A_436, %dma_wait3A_437, %dma_wait3A_438] : memref<2x1x128xi32, #tpu.memory_space<vmem>> -> memref<1x1x128xi32, #tpu.memory_space<vmem>>
            %dma_wait3A_440 = tpu.memref_squeeze %dma_wait3A_439 : memref<1x1x128xi32, #tpu.memory_space<vmem>> -> memref<1x128xi32, #tpu.memory_space<vmem>>
            %dma_wait3A_441 = arith.constant 0 : i32
            %dma_wait3A_442 = tpu.memref_slice %arg5[%dma_wait3A_441, %mul3A_434] : memref<1x320000xi32, #tpu.memory_space<hbm>> -> memref<1x128xi32, #tpu.memory_space<hbm>>
            %dma_wait3A_443 = tpu.memref_slice %run_scoped3A_21[%rem3A_436] : memref<2x!tpu.dma_semaphore, #tpu.memory_space<semaphore_mem>> -> memref<1x!tpu.dma_semaphore, #tpu.memory_space<semaphore_mem>>
            %dma_wait3A_444 = tpu.memref_squeeze %dma_wait3A_443 : memref<1x!tpu.dma_semaphore, #tpu.memory_space<semaphore_mem>> -> memref<!tpu.dma_semaphore, #tpu.memory_space<semaphore_mem>>
            %dma_wait3A_445 = arith.constant 0 : i32
            %dma_wait3A_446 = arith.constant 0 : i32
            %dma_wait3A_447 = tpu.memref_slice %run_scoped3A_20[%rem3A_436, %dma_wait3A_445, %dma_wait3A_446] : memref<2x1x128xi32, #tpu.memory_space<vmem>> -> memref<1x1x128xi32, #tpu.memory_space<vmem>>
            %dma_wait3A_448 = tpu.memref_squeeze %dma_wait3A_447 : memref<1x1x128xi32, #tpu.memory_space<vmem>> -> memref<1x128xi32, #tpu.memory_space<vmem>>
            %dma_wait3A_449 = arith.constant 0 : i32
            %dma_wait3A_450 = tpu.memref_slice %arg5[%dma_wait3A_449, %mul3A_434] : memref<1x320000xi32, #tpu.memory_space<hbm>> -> memref<1x128xi32, #tpu.memory_space<hbm>>
            tpu.wait_dma2 semaphore(%dma_wait3A_444 : memref<!tpu.dma_semaphore, #tpu.memory_space<semaphore_mem>>) src(%dma_wait3A_450 : memref<1x128xi32, #tpu.memory_space<hbm>>) dst(%dma_wait3A_448 : memref<1x128xi32, #tpu.memory_space<vmem>>)
            "tpu.trace_stop"() : () -> ()
          } else {
          }
          %ne3A_280 = arith.cmpi ne, %add3A_193, %add3A_203 : i32
          %or3A_281 = arith.constant false
          %or3A_282 = arith.ori %or3A_281, %ne3A_280 : i1
          %or3A_283 = arith.constant false
          %or3A_284 = arith.ori %or3A_282, %or3A_283 : i1
          %or3A_285 = arith.ori %or3A_284, %eq3A_189 : i1
          %convert_element_type3A_286 = arith.extui %or3A_285 : i1 to i32
          %cond3A_287 = arith.constant 0 : i32
          %cond3A_288 = arith.cmpi ne, %convert_element_type3A_286, %cond3A_287 : i32
          scf.if %cond3A_288 {
          } else {
          }
          %rem3A_289 = arith.constant 2 : i32
          %rem3A_290 = arith.remui %while3A_180, %rem3A_289 : i32
          %rem3A_291 = arith.constant 2 : i32
          %rem3A_292 = arith.remui %while3A_182, %rem3A_291 : i32
          %rem3A_293 = arith.constant 2 : i32
          %rem3A_294 = arith.remui %while3A_183, %rem3A_293 : i32
          %dma_start3A_295 = arith.constant 0 : i32
          "tpu.trace_start"() <{level = 10 : i32, message = "ep_run_kernel"}> : () -> ()
          %dma_start3A_296 = arith.constant 0 : i32
          %dma_start3A_297 = arith.constant 0 : i32
          %dma_start3A_298 = tpu.memref_slice %run_scoped3A[%rem3A_290, %dma_start3A_296, %dma_start3A_297] : memref<2x1x128xi32, #tpu.memory_space<vmem>> -> memref<1x1x128xi32, #tpu.memory_space<vmem>>
          %dma_start3A_299 = tpu.memref_squeeze %dma_start3A_298 : memref<1x1x128xi32, #tpu.memory_space<vmem>> -> memref<1x128xi32, #tpu.memory_space<vmem>>
          %dma_start3A_300 = arith.constant 0 : i32
          %dma_start3A_301 = tpu.memref_slice %dma_start3A_299[%dma_start3A_295, %dma_start3A_300] : memref<1x128xi32, #tpu.memory_space<vmem>> -> memref<1x128xi32, #tpu.memory_space<vmem>>
          %dma_start3A_302 = tpu.memref_squeeze %dma_start3A_301 : memref<1x128xi32, #tpu.memory_space<vmem>> -> memref<128xi32, #tpu.memory_space<vmem>>
          %dma_start3A_303 = arith.constant 0 : i32
          %dma_start3A_304 = arith.constant 0 : i32
          %dma_start3A_305 = tpu.memref_slice %arg7[%dma_start3A_303, %dma_start3A_304] : memref<10000x48xf32, #tpu.memory_space<vmem_shared>> -> memref<10000x48xf32, #tpu.memory_space<vmem_shared>>
          tpu.enqueue_indirect_dma source(%dma_start3A_305 : memref<10000x48xf32, #tpu.memory_space<vmem_shared>>) target(%arg10 : memref<128x48xf32, #tpu.memory_space<vmem>>) offsets(%dma_start3A_302 : memref<128xi32, #tpu.memory_space<vmem>>) semaphore(%arg12 : memref<!tpu.dma_semaphore, #tpu.memory_space<semaphore_mem>>)
          %dma_start3A_306 = arith.constant 0 : i32
          %dma_start3A_307 = arith.constant 0 : i32
          %dma_start3A_308 = arith.constant 0 : i32
          %dma_start3A_309 = tpu.memref_slice %run_scoped3A_20[%rem3A_292, %dma_start3A_307, %dma_start3A_308] : memref<2x1x128xi32, #tpu.memory_space<vmem>> -> memref<1x1x128xi32, #tpu.memory_space<vmem>>
          %dma_start3A_310 = tpu.memref_squeeze %dma_start3A_309 : memref<1x1x128xi32, #tpu.memory_space<vmem>> -> memref<1x128xi32, #tpu.memory_space<vmem>>
          %dma_start3A_311 = arith.constant 0 : i32
          %dma_start3A_312 = tpu.memref_slice %dma_start3A_310[%dma_start3A_306, %dma_start3A_311] : memref<1x128xi32, #tpu.memory_space<vmem>> -> memref<1x128xi32, #tpu.memory_space<vmem>>
          %dma_start3A_313 = tpu.memref_squeeze %dma_start3A_312 : memref<1x128xi32, #tpu.memory_space<vmem>> -> memref<128xi32, #tpu.memory_space<vmem>>
          %dma_start3A_314 = arith.constant 0 : i32
          %dma_start3A_315 = arith.constant 0 : i32
          %dma_start3A_316 = tpu.memref_slice %arg8[%dma_start3A_314, %dma_start3A_315] : memref<5000x48xf32, #tpu.memory_space<vmem_shared>> -> memref<5000x48xf32, #tpu.memory_space<vmem_shared>>
          tpu.enqueue_indirect_dma source(%dma_start3A_316 : memref<5000x48xf32, #tpu.memory_space<vmem_shared>>) target(%arg11 : memref<128x48xf32, #tpu.memory_space<vmem>>) offsets(%dma_start3A_313 : memref<128xi32, #tpu.memory_space<vmem>>) semaphore(%arg13 : memref<!tpu.dma_semaphore, #tpu.memory_space<semaphore_mem>>)
          %dma_wait3A = arith.constant 0 : i32
          %dma_wait3A_317 = arith.constant 0 : i32
          %dma_wait3A_318 = arith.constant 0 : i32
          %dma_wait3A_319 = tpu.memref_slice %run_scoped3A[%rem3A_290, %dma_wait3A_317, %dma_wait3A_318] : memref<2x1x128xi32, #tpu.memory_space<vmem>> -> memref<1x1x128xi32, #tpu.memory_space<vmem>>
          %dma_wait3A_320 = tpu.memref_squeeze %dma_wait3A_319 : memref<1x1x128xi32, #tpu.memory_space<vmem>> -> memref<1x128xi32, #tpu.memory_space<vmem>>
          %dma_wait3A_321 = arith.constant 0 : i32
          %dma_wait3A_322 = tpu.memref_slice %dma_wait3A_320[%dma_wait3A, %dma_wait3A_321] : memref<1x128xi32, #tpu.memory_space<vmem>> -> memref<1x128xi32, #tpu.memory_space<vmem>>
          %dma_wait3A_323 = tpu.memref_squeeze %dma_wait3A_322 : memref<1x128xi32, #tpu.memory_space<vmem>> -> memref<128xi32, #tpu.memory_space<vmem>>
          %dma_wait3A_324 = arith.constant 0 : i32
          %dma_wait3A_325 = arith.constant 0 : i32
          %dma_wait3A_326 = tpu.memref_slice %arg7[%dma_wait3A_324, %dma_wait3A_325] : memref<10000x48xf32, #tpu.memory_space<vmem_shared>> -> memref<10000x48xf32, #tpu.memory_space<vmem_shared>>
          tpu.wait_indirect_dma semaphore(%arg12 : memref<!tpu.dma_semaphore, #tpu.memory_space<semaphore_mem>>) src(%dma_wait3A_326 : memref<10000x48xf32, #tpu.memory_space<vmem_shared>>) dst(%arg10 : memref<128x48xf32, #tpu.memory_space<vmem>>)
          %dma_wait3A_327 = arith.constant 0 : i32
          %dma_wait3A_328 = arith.constant 0 : i32
          %dma_wait3A_329 = arith.constant 0 : i32
          %dma_wait3A_330 = tpu.memref_slice %run_scoped3A_20[%rem3A_292, %dma_wait3A_328, %dma_wait3A_329] : memref<2x1x128xi32, #tpu.memory_space<vmem>> -> memref<1x1x128xi32, #tpu.memory_space<vmem>>
          %dma_wait3A_331 = tpu.memref_squeeze %dma_wait3A_330 : memref<1x1x128xi32, #tpu.memory_space<vmem>> -> memref<1x128xi32, #tpu.memory_space<vmem>>
          %dma_wait3A_332 = arith.constant 0 : i32
          %dma_wait3A_333 = tpu.memref_slice %dma_wait3A_331[%dma_wait3A_327, %dma_wait3A_332] : memref<1x128xi32, #tpu.memory_space<vmem>> -> memref<1x128xi32, #tpu.memory_space<vmem>>
          %dma_wait3A_334 = tpu.memref_squeeze %dma_wait3A_333 : memref<1x128xi32, #tpu.memory_space<vmem>> -> memref<128xi32, #tpu.memory_space<vmem>>
          %dma_wait3A_335 = arith.constant 0 : i32
          %dma_wait3A_336 = arith.constant 0 : i32
          %dma_wait3A_337 = tpu.memref_slice %arg8[%dma_wait3A_335, %dma_wait3A_336] : memref<5000x48xf32, #tpu.memory_space<vmem_shared>> -> memref<5000x48xf32, #tpu.memory_space<vmem_shared>>
          tpu.wait_indirect_dma semaphore(%arg13 : memref<!tpu.dma_semaphore, #tpu.memory_space<semaphore_mem>>) src(%dma_wait3A_337 : memref<5000x48xf32, #tpu.memory_space<vmem_shared>>) dst(%arg11 : memref<128x48xf32, #tpu.memory_space<vmem>>)
          %scan3A = arith.constant 0 : i32
          %scan3A_338 = arith.constant 32 : i32
          %scan3A_339 = arith.addi %scan3A, %scan3A_338 : i32
          %scan3A_340 = arith.constant 1 : i32
          scf.for %scan3A_433 = %scan3A to %scan3A_339 step %scan3A_340  : i32 {
            %mul3A_434 = arith.constant 4 : i32
            %mul3A_435 = arith.muli %scan3A_433, %mul3A_434 : i32
            %add3A_436 = arith.constant 0 : i32
            %add3A_437 = arith.addi %add3A_436, %mul3A_435 : i32
            %add3A_438 = arith.constant 0 : i32
            %add3A_439 = arith.addi %add3A_437, %add3A_438 : i32
            %get3A = arith.index_cast %add3A_439 : i32 to index
            %get3A_440 = arith.constant 0 : index
            %get3A_441 = tpu.vector_load %arg10[%get3A, %get3A_440] {strides = array<i32>} : memref<128x48xf32, #tpu.memory_space<vmem>>, vector<1x16xf32>,
            %get3A_442 = vector.shape_cast %get3A_441 : vector<1x16xf32> to vector<16xf32>
            %add3A_443 = arith.constant 0 : i32
            %add3A_444 = arith.addi %add3A_437, %add3A_443 : i32
            %get3A_445 = arith.index_cast %add3A_444 : i32 to index
            %get3A_446 = arith.constant 0 : index
            %get3A_447 = tpu.vector_load %arg11[%get3A_445, %get3A_446] {strides = array<i32>} : memref<128x48xf32, #tpu.memory_space<vmem>>, vector<1x16xf32>,
            %get3A_448 = vector.shape_cast %get3A_447 : vector<1x16xf32> to vector<16xf32>
            %add3A_449 = arith.addf %get3A_442, %get3A_448 : vector<16xf32>
            %add3A_450 = arith.constant 0 : i32
            %add3A_451 = arith.addi %add3A_437, %add3A_450 : i32
            %swap3A = arith.constant 0 : i32
            %swap3A_452 = arith.constant 0 : i32
            %swap3A_453 = tpu.memref_slice %run_scoped3A_22[%rem3A_294, %swap3A, %swap3A_452] : memref<2x128x128xf32, #tpu.memory_space<vmem>> -> memref<1x128x128xf32, #tpu.memory_space<vmem>>
            %swap3A_454 = tpu.memref_squeeze %swap3A_453 : memref<1x128x128xf32, #tpu.memory_space<vmem>> -> memref<128x128xf32, #tpu.memory_space<vmem>>
            %swap3A_455 = arith.index_cast %add3A_451 : i32 to index
            %swap3A_456 = arith.constant 0 : index
            %swap3A_457 = tpu.vector_load %swap3A_454[%swap3A_455, %swap3A_456] {strides = array<i32>} : memref<128x128xf32, #tpu.memory_space<vmem>>, vector<1x16xf32>,
            %swap3A_458 = vector.shape_cast %swap3A_457 : vector<1x16xf32> to vector<16xf32>
            %swap3A_459 = vector.shape_cast %add3A_449 : vector<16xf32> to vector<1x16xf32>
            tpu.vector_store %swap3A_454[%swap3A_455, %swap3A_456], %swap3A_459 {strides = array<i32>} : memref<128x128xf32, #tpu.memory_space<vmem>>, vector<1x16xf32>,
            %add3A_460 = arith.constant 0 : i32
            %add3A_461 = arith.addi %add3A_437, %add3A_460 : i32
            %get3A_462 = arith.index_cast %add3A_461 : i32 to index
            %get3A_463 = arith.constant 16 : index
            %get3A_464 = tpu.vector_load %arg10[%get3A_462, %get3A_463] {strides = array<i32>} : memref<128x48xf32, #tpu.memory_space<vmem>>, vector<1x16xf32>,
            %get3A_465 = vector.shape_cast %get3A_464 : vector<1x16xf32> to vector<16xf32>
            %add3A_466 = arith.constant 0 : i32
            %add3A_467 = arith.addi %add3A_437, %add3A_466 : i32
            %get3A_468 = arith.index_cast %add3A_467 : i32 to index
            %get3A_469 = arith.constant 16 : index
            %get3A_470 = tpu.vector_load %arg11[%get3A_468, %get3A_469] {strides = array<i32>} : memref<128x48xf32, #tpu.memory_space<vmem>>, vector<1x16xf32>,
            %get3A_471 = vector.shape_cast %get3A_470 : vector<1x16xf32> to vector<16xf32>
            %add3A_472 = arith.addf %get3A_465, %get3A_471 : vector<16xf32>
            %add3A_473 = arith.constant 0 : i32
            %add3A_474 = arith.addi %add3A_437, %add3A_473 : i32
            %swap3A_475 = arith.constant 0 : i32
            %swap3A_476 = arith.constant 0 : i32
            %swap3A_477 = tpu.memref_slice %run_scoped3A_22[%rem3A_294, %swap3A_475, %swap3A_476] : memref<2x128x128xf32, #tpu.memory_space<vmem>> -> memref<1x128x128xf32, #tpu.memory_space<vmem>>
            %swap3A_478 = tpu.memref_squeeze %swap3A_477 : memref<1x128x128xf32, #tpu.memory_space<vmem>> -> memref<128x128xf32, #tpu.memory_space<vmem>>
            %swap3A_479 = arith.index_cast %add3A_474 : i32 to index
            %swap3A_480 = arith.constant 16 : index
            %swap3A_481 = tpu.vector_load %swap3A_478[%swap3A_479, %swap3A_480] {strides = array<i32>} : memref<128x128xf32, #tpu.memory_space<vmem>>, vector<1x16xf32>,
            %swap3A_482 = vector.shape_cast %swap3A_481 : vector<1x16xf32> to vector<16xf32>
            %swap3A_483 = vector.shape_cast %add3A_472 : vector<16xf32> to vector<1x16xf32>
            tpu.vector_store %swap3A_478[%swap3A_479, %swap3A_480], %swap3A_483 {strides = array<i32>} : memref<128x128xf32, #tpu.memory_space<vmem>>, vector<1x16xf32>,
            %add3A_484 = arith.constant 0 : i32
            %add3A_485 = arith.addi %add3A_437, %add3A_484 : i32
            %get3A_486 = arith.index_cast %add3A_485 : i32 to index
            %get3A_487 = arith.constant 32 : index
            %get3A_488 = tpu.vector_load %arg10[%get3A_486, %get3A_487] {strides = array<i32>} : memref<128x48xf32, #tpu.memory_space<vmem>>, vector<1x16xf32>,
            %get3A_489 = vector.shape_cast %get3A_488 : vector<1x16xf32> to vector<16xf32>
            %add3A_490 = arith.constant 0 : i32
            %add3A_491 = arith.addi %add3A_437, %add3A_490 : i32
            %get3A_492 = arith.index_cast %add3A_491 : i32 to index
            %get3A_493 = arith.constant 32 : index
            %get3A_494 = tpu.vector_load %arg11[%get3A_492, %get3A_493] {strides = array<i32>} : memref<128x48xf32, #tpu.memory_space<vmem>>, vector<1x16xf32>,
            %get3A_495 = vector.shape_cast %get3A_494 : vector<1x16xf32> to vector<16xf32>
            %add3A_496 = arith.addf %get3A_489, %get3A_495 : vector<16xf32>
            %add3A_497 = arith.constant 0 : i32
            %add3A_498 = arith.addi %add3A_437, %add3A_497 : i32
            %swap3A_499 = arith.constant 0 : i32
            %swap3A_500 = arith.constant 0 : i32
            %swap3A_501 = tpu.memref_slice %run_scoped3A_22[%rem3A_294, %swap3A_499, %swap3A_500] : memref<2x128x128xf32, #tpu.memory_space<vmem>> -> memref<1x128x128xf32, #tpu.memory_space<vmem>>
            %swap3A_502 = tpu.memref_squeeze %swap3A_501 : memref<1x128x128xf32, #tpu.memory_space<vmem>> -> memref<128x128xf32, #tpu.memory_space<vmem>>
            %swap3A_503 = arith.index_cast %add3A_498 : i32 to index
            %swap3A_504 = arith.constant 32 : index
            %swap3A_505 = tpu.vector_load %swap3A_502[%swap3A_503, %swap3A_504] {strides = array<i32>} : memref<128x128xf32, #tpu.memory_space<vmem>>, vector<1x16xf32>,
            %swap3A_506 = vector.shape_cast %swap3A_505 : vector<1x16xf32> to vector<16xf32>
            %swap3A_507 = vector.shape_cast %add3A_496 : vector<16xf32> to vector<1x16xf32>
            tpu.vector_store %swap3A_502[%swap3A_503, %swap3A_504], %swap3A_507 {strides = array<i32>} : memref<128x128xf32, #tpu.memory_space<vmem>>, vector<1x16xf32>,
            %add3A_508 = arith.constant 1 : i32
            %add3A_509 = arith.addi %add3A_437, %add3A_508 : i32
            %get3A_510 = arith.index_cast %add3A_509 : i32 to index
            %get3A_511 = arith.constant 0 : index
            %get3A_512 = tpu.vector_load %arg10[%get3A_510, %get3A_511] {strides = array<i32>} : memref<128x48xf32, #tpu.memory_space<vmem>>, vector<1x16xf32>,
            %get3A_513 = vector.shape_cast %get3A_512 : vector<1x16xf32> to vector<16xf32>
            %add3A_514 = arith.constant 1 : i32
            %add3A_515 = arith.addi %add3A_437, %add3A_514 : i32
            %get3A_516 = arith.index_cast %add3A_515 : i32 to index
            %get3A_517 = arith.constant 0 : index
            %get3A_518 = tpu.vector_load %arg11[%get3A_516, %get3A_517] {strides = array<i32>} : memref<128x48xf32, #tpu.memory_space<vmem>>, vector<1x16xf32>,
            %get3A_519 = vector.shape_cast %get3A_518 : vector<1x16xf32> to vector<16xf32>
            %add3A_520 = arith.addf %get3A_513, %get3A_519 : vector<16xf32>
            %add3A_521 = arith.constant 1 : i32
            %add3A_522 = arith.addi %add3A_437, %add3A_521 : i32
            %swap3A_523 = arith.constant 0 : i32
            %swap3A_524 = arith.constant 0 : i32
            %swap3A_525 = tpu.memref_slice %run_scoped3A_22[%rem3A_294, %swap3A_523, %swap3A_524] : memref<2x128x128xf32, #tpu.memory_space<vmem>> -> memref<1x128x128xf32, #tpu.memory_space<vmem>>
            %swap3A_526 = tpu.memref_squeeze %swap3A_525 : memref<1x128x128xf32, #tpu.memory_space<vmem>> -> memref<128x128xf32, #tpu.memory_space<vmem>>
            %swap3A_527 = arith.index_cast %add3A_522 : i32 to index
            %swap3A_528 = arith.constant 0 : index
            %swap3A_529 = tpu.vector_load %swap3A_526[%swap3A_527, %swap3A_528] {strides = array<i32>} : memref<128x128xf32, #tpu.memory_space<vmem>>, vector<1x16xf32>,
            %swap3A_530 = vector.shape_cast %swap3A_529 : vector<1x16xf32> to vector<16xf32>
            %swap3A_531 = vector.shape_cast %add3A_520 : vector<16xf32> to vector<1x16xf32>
            tpu.vector_store %swap3A_526[%swap3A_527, %swap3A_528], %swap3A_531 {strides = array<i32>} : memref<128x128xf32, #tpu.memory_space<vmem>>, vector<1x16xf32>,
            %add3A_532 = arith.constant 1 : i32
            %add3A_533 = arith.addi %add3A_437, %add3A_532 : i32
            %get3A_534 = arith.index_cast %add3A_533 : i32 to index
            %get3A_535 = arith.constant 16 : index
            %get3A_536 = tpu.vector_load %arg10[%get3A_534, %get3A_535] {strides = array<i32>} : memref<128x48xf32, #tpu.memory_space<vmem>>, vector<1x16xf32>,
            %get3A_537 = vector.shape_cast %get3A_536 : vector<1x16xf32> to vector<16xf32>
            %add3A_538 = arith.constant 1 : i32
            %add3A_539 = arith.addi %add3A_437, %add3A_538 : i32
            %get3A_540 = arith.index_cast %add3A_539 : i32 to index
            %get3A_541 = arith.constant 16 : index
            %get3A_542 = tpu.vector_load %arg11[%get3A_540, %get3A_541] {strides = array<i32>} : memref<128x48xf32, #tpu.memory_space<vmem>>, vector<1x16xf32>,
            %get3A_543 = vector.shape_cast %get3A_542 : vector<1x16xf32> to vector<16xf32>
            %add3A_544 = arith.addf %get3A_537, %get3A_543 : vector<16xf32>
            %add3A_545 = arith.constant 1 : i32
            %add3A_546 = arith.addi %add3A_437, %add3A_545 : i32
            %swap3A_547 = arith.constant 0 : i32
            %swap3A_548 = arith.constant 0 : i32
            %swap3A_549 = tpu.memref_slice %run_scoped3A_22[%rem3A_294, %swap3A_547, %swap3A_548] : memref<2x128x128xf32, #tpu.memory_space<vmem>> -> memref<1x128x128xf32, #tpu.memory_space<vmem>>
            %swap3A_550 = tpu.memref_squeeze %swap3A_549 : memref<1x128x128xf32, #tpu.memory_space<vmem>> -> memref<128x128xf32, #tpu.memory_space<vmem>>
            %swap3A_551 = arith.index_cast %add3A_546 : i32 to index
            %swap3A_552 = arith.constant 16 : index
            %swap3A_553 = tpu.vector_load %swap3A_550[%swap3A_551, %swap3A_552] {strides = array<i32>} : memref<128x128xf32, #tpu.memory_space<vmem>>, vector<1x16xf32>,
            %swap3A_554 = vector.shape_cast %swap3A_553 : vector<1x16xf32> to vector<16xf32>
            %swap3A_555 = vector.shape_cast %add3A_544 : vector<16xf32> to vector<1x16xf32>
            tpu.vector_store %swap3A_550[%swap3A_551, %swap3A_552], %swap3A_555 {strides = array<i32>} : memref<128x128xf32, #tpu.memory_space<vmem>>, vector<1x16xf32>,
            %add3A_556 = arith.constant 1 : i32
            %add3A_557 = arith.addi %add3A_437, %add3A_556 : i32
            %get3A_558 = arith.index_cast %add3A_557 : i32 to index
            %get3A_559 = arith.constant 32 : index
            %get3A_560 = tpu.vector_load %arg10[%get3A_558, %get3A_559] {strides = array<i32>} : memref<128x48xf32, #tpu.memory_space<vmem>>, vector<1x16xf32>,
            %get3A_561 = vector.shape_cast %get3A_560 : vector<1x16xf32> to vector<16xf32>
            %add3A_562 = arith.constant 1 : i32
            %add3A_563 = arith.addi %add3A_437, %add3A_562 : i32
            %get3A_564 = arith.index_cast %add3A_563 : i32 to index
            %get3A_565 = arith.constant 32 : index
            %get3A_566 = tpu.vector_load %arg11[%get3A_564, %get3A_565] {strides = array<i32>} : memref<128x48xf32, #tpu.memory_space<vmem>>, vector<1x16xf32>,
            %get3A_567 = vector.shape_cast %get3A_566 : vector<1x16xf32> to vector<16xf32>
            %add3A_568 = arith.addf %get3A_561, %get3A_567 : vector<16xf32>
            %add3A_569 = arith.constant 1 : i32
            %add3A_570 = arith.addi %add3A_437, %add3A_569 : i32
            %swap3A_571 = arith.constant 0 : i32
            %swap3A_572 = arith.constant 0 : i32
            %swap3A_573 = tpu.memref_slice %run_scoped3A_22[%rem3A_294, %swap3A_571, %swap3A_572] : memref<2x128x128xf32, #tpu.memory_space<vmem>> -> memref<1x128x128xf32, #tpu.memory_space<vmem>>
            %swap3A_574 = tpu.memref_squeeze %swap3A_573 : memref<1x128x128xf32, #tpu.memory_space<vmem>> -> memref<128x128xf32, #tpu.memory_space<vmem>>
            %swap3A_575 = arith.index_cast %add3A_570 : i32 to index
            %swap3A_576 = arith.constant 32 : index
            %swap3A_577 = tpu.vector_load %swap3A_574[%swap3A_575, %swap3A_576] {strides = array<i32>} : memref<128x128xf32, #tpu.memory_space<vmem>>, vector<1x16xf32>,
            %swap3A_578 = vector.shape_cast %swap3A_577 : vector<1x16xf32> to vector<16xf32>
            %swap3A_579 = vector.shape_cast %add3A_568 : vector<16xf32> to vector<1x16xf32>
            tpu.vector_store %swap3A_574[%swap3A_575, %swap3A_576], %swap3A_579 {strides = array<i32>} : memref<128x128xf32, #tpu.memory_space<vmem>>, vector<1x16xf32>,
            %add3A_580 = arith.constant 2 : i32
            %add3A_581 = arith.addi %add3A_437, %add3A_580 : i32
            %get3A_582 = arith.index_cast %add3A_581 : i32 to index
            %get3A_583 = arith.constant 0 : index
            %get3A_584 = tpu.vector_load %arg10[%get3A_582, %get3A_583] {strides = array<i32>} : memref<128x48xf32, #tpu.memory_space<vmem>>, vector<1x16xf32>,
            %get3A_585 = vector.shape_cast %get3A_584 : vector<1x16xf32> to vector<16xf32>
            %add3A_586 = arith.constant 2 : i32
            %add3A_587 = arith.addi %add3A_437, %add3A_586 : i32
            %get3A_588 = arith.index_cast %add3A_587 : i32 to index
            %get3A_589 = arith.constant 0 : index
            %get3A_590 = tpu.vector_load %arg11[%get3A_588, %get3A_589] {strides = array<i32>} : memref<128x48xf32, #tpu.memory_space<vmem>>, vector<1x16xf32>,
            %get3A_591 = vector.shape_cast %get3A_590 : vector<1x16xf32> to vector<16xf32>
            %add3A_592 = arith.addf %get3A_585, %get3A_591 : vector<16xf32>
            %add3A_593 = arith.constant 2 : i32
            %add3A_594 = arith.addi %add3A_437, %add3A_593 : i32
            %swap3A_595 = arith.constant 0 : i32
            %swap3A_596 = arith.constant 0 : i32
            %swap3A_597 = tpu.memref_slice %run_scoped3A_22[%rem3A_294, %swap3A_595, %swap3A_596] : memref<2x128x128xf32, #tpu.memory_space<vmem>> -> memref<1x128x128xf32, #tpu.memory_space<vmem>>
            %swap3A_598 = tpu.memref_squeeze %swap3A_597 : memref<1x128x128xf32, #tpu.memory_space<vmem>> -> memref<128x128xf32, #tpu.memory_space<vmem>>
            %swap3A_599 = arith.index_cast %add3A_594 : i32 to index
            %swap3A_600 = arith.constant 0 : index
            %swap3A_601 = tpu.vector_load %swap3A_598[%swap3A_599, %swap3A_600] {strides = array<i32>} : memref<128x128xf32, #tpu.memory_space<vmem>>, vector<1x16xf32>,
            %swap3A_602 = vector.shape_cast %swap3A_601 : vector<1x16xf32> to vector<16xf32>
            %swap3A_603 = vector.shape_cast %add3A_592 : vector<16xf32> to vector<1x16xf32>
            tpu.vector_store %swap3A_598[%swap3A_599, %swap3A_600], %swap3A_603 {strides = array<i32>} : memref<128x128xf32, #tpu.memory_space<vmem>>, vector<1x16xf32>,
            %add3A_604 = arith.constant 2 : i32
            %add3A_605 = arith.addi %add3A_437, %add3A_604 : i32
            %get3A_606 = arith.index_cast %add3A_605 : i32 to index
            %get3A_607 = arith.constant 16 : index
            %get3A_608 = tpu.vector_load %arg10[%get3A_606, %get3A_607] {strides = array<i32>} : memref<128x48xf32, #tpu.memory_space<vmem>>, vector<1x16xf32>,
            %get3A_609 = vector.shape_cast %get3A_608 : vector<1x16xf32> to vector<16xf32>
            %add3A_610 = arith.constant 2 : i32
            %add3A_611 = arith.addi %add3A_437, %add3A_610 : i32
            %get3A_612 = arith.index_cast %add3A_611 : i32 to index
            %get3A_613 = arith.constant 16 : index
            %get3A_614 = tpu.vector_load %arg11[%get3A_612, %get3A_613] {strides = array<i32>} : memref<128x48xf32, #tpu.memory_space<vmem>>, vector<1x16xf32>,
            %get3A_615 = vector.shape_cast %get3A_614 : vector<1x16xf32> to vector<16xf32>
            %add3A_616 = arith.addf %get3A_609, %get3A_615 : vector<16xf32>
            %add3A_617 = arith.constant 2 : i32
            %add3A_618 = arith.addi %add3A_437, %add3A_617 : i32
            %swap3A_619 = arith.constant 0 : i32
            %swap3A_620 = arith.constant 0 : i32
            %swap3A_621 = tpu.memref_slice %run_scoped3A_22[%rem3A_294, %swap3A_619, %swap3A_620] : memref<2x128x128xf32, #tpu.memory_space<vmem>> -> memref<1x128x128xf32, #tpu.memory_space<vmem>>
            %swap3A_622 = tpu.memref_squeeze %swap3A_621 : memref<1x128x128xf32, #tpu.memory_space<vmem>> -> memref<128x128xf32, #tpu.memory_space<vmem>>
            %swap3A_623 = arith.index_cast %add3A_618 : i32 to index
            %swap3A_624 = arith.constant 16 : index
            %swap3A_625 = tpu.vector_load %swap3A_622[%swap3A_623, %swap3A_624] {strides = array<i32>} : memref<128x128xf32, #tpu.memory_space<vmem>>, vector<1x16xf32>,
            %swap3A_626 = vector.shape_cast %swap3A_625 : vector<1x16xf32> to vector<16xf32>
            %swap3A_627 = vector.shape_cast %add3A_616 : vector<16xf32> to vector<1x16xf32>
            tpu.vector_store %swap3A_622[%swap3A_623, %swap3A_624], %swap3A_627 {strides = array<i32>} : memref<128x128xf32, #tpu.memory_space<vmem>>, vector<1x16xf32>,
            %add3A_628 = arith.constant 2 : i32
            %add3A_629 = arith.addi %add3A_437, %add3A_628 : i32
            %get3A_630 = arith.index_cast %add3A_629 : i32 to index
            %get3A_631 = arith.constant 32 : index
            %get3A_632 = tpu.vector_load %arg10[%get3A_630, %get3A_631] {strides = array<i32>} : memref<128x48xf32, #tpu.memory_space<vmem>>, vector<1x16xf32>,
            %get3A_633 = vector.shape_cast %get3A_632 : vector<1x16xf32> to vector<16xf32>
            %add3A_634 = arith.constant 2 : i32
            %add3A_635 = arith.addi %add3A_437, %add3A_634 : i32
            %get3A_636 = arith.index_cast %add3A_635 : i32 to index
            %get3A_637 = arith.constant 32 : index
            %get3A_638 = tpu.vector_load %arg11[%get3A_636, %get3A_637] {strides = array<i32>} : memref<128x48xf32, #tpu.memory_space<vmem>>, vector<1x16xf32>,
            %get3A_639 = vector.shape_cast %get3A_638 : vector<1x16xf32> to vector<16xf32>
            %add3A_640 = arith.addf %get3A_633, %get3A_639 : vector<16xf32>
            %add3A_641 = arith.constant 2 : i32
            %add3A_642 = arith.addi %add3A_437, %add3A_641 : i32
            %swap3A_643 = arith.constant 0 : i32
            %swap3A_644 = arith.constant 0 : i32
            %swap3A_645 = tpu.memref_slice %run_scoped3A_22[%rem3A_294, %swap3A_643, %swap3A_644] : memref<2x128x128xf32, #tpu.memory_space<vmem>> -> memref<1x128x128xf32, #tpu.memory_space<vmem>>
            %swap3A_646 = tpu.memref_squeeze %swap3A_645 : memref<1x128x128xf32, #tpu.memory_space<vmem>> -> memref<128x128xf32, #tpu.memory_space<vmem>>
            %swap3A_647 = arith.index_cast %add3A_642 : i32 to index
            %swap3A_648 = arith.constant 32 : index
            %swap3A_649 = tpu.vector_load %swap3A_646[%swap3A_647, %swap3A_648] {strides = array<i32>} : memref<128x128xf32, #tpu.memory_space<vmem>>, vector<1x16xf32>,
            %swap3A_650 = vector.shape_cast %swap3A_649 : vector<1x16xf32> to vector<16xf32>
            %swap3A_651 = vector.shape_cast %add3A_640 : vector<16xf32> to vector<1x16xf32>
            tpu.vector_store %swap3A_646[%swap3A_647, %swap3A_648], %swap3A_651 {strides = array<i32>} : memref<128x128xf32, #tpu.memory_space<vmem>>, vector<1x16xf32>,
            %add3A_652 = arith.constant 3 : i32
            %add3A_653 = arith.addi %add3A_437, %add3A_652 : i32
            %get3A_654 = arith.index_cast %add3A_653 : i32 to index
            %get3A_655 = arith.constant 0 : index
            %get3A_656 = tpu.vector_load %arg10[%get3A_654, %get3A_655] {strides = array<i32>} : memref<128x48xf32, #tpu.memory_space<vmem>>, vector<1x16xf32>,
            %get3A_657 = vector.shape_cast %get3A_656 : vector<1x16xf32> to vector<16xf32>
            %add3A_658 = arith.constant 3 : i32
            %add3A_659 = arith.addi %add3A_437, %add3A_658 : i32
            %get3A_660 = arith.index_cast %add3A_659 : i32 to index
            %get3A_661 = arith.constant 0 : index
            %get3A_662 = tpu.vector_load %arg11[%get3A_660, %get3A_661] {strides = array<i32>} : memref<128x48xf32, #tpu.memory_space<vmem>>, vector<1x16xf32>,
            %get3A_663 = vector.shape_cast %get3A_662 : vector<1x16xf32> to vector<16xf32>
            %add3A_664 = arith.addf %get3A_657, %get3A_663 : vector<16xf32>
            %add3A_665 = arith.constant 3 : i32
            %add3A_666 = arith.addi %add3A_437, %add3A_665 : i32
            %swap3A_667 = arith.constant 0 : i32
            %swap3A_668 = arith.constant 0 : i32
            %swap3A_669 = tpu.memref_slice %run_scoped3A_22[%rem3A_294, %swap3A_667, %swap3A_668] : memref<2x128x128xf32, #tpu.memory_space<vmem>> -> memref<1x128x128xf32, #tpu.memory_space<vmem>>
            %swap3A_670 = tpu.memref_squeeze %swap3A_669 : memref<1x128x128xf32, #tpu.memory_space<vmem>> -> memref<128x128xf32, #tpu.memory_space<vmem>>
            %swap3A_671 = arith.index_cast %add3A_666 : i32 to index
            %swap3A_672 = arith.constant 0 : index
            %swap3A_673 = tpu.vector_load %swap3A_670[%swap3A_671, %swap3A_672] {strides = array<i32>} : memref<128x128xf32, #tpu.memory_space<vmem>>, vector<1x16xf32>,
            %swap3A_674 = vector.shape_cast %swap3A_673 : vector<1x16xf32> to vector<16xf32>
            %swap3A_675 = vector.shape_cast %add3A_664 : vector<16xf32> to vector<1x16xf32>
            tpu.vector_store %swap3A_670[%swap3A_671, %swap3A_672], %swap3A_675 {strides = array<i32>} : memref<128x128xf32, #tpu.memory_space<vmem>>, vector<1x16xf32>,
            %add3A_676 = arith.constant 3 : i32
            %add3A_677 = arith.addi %add3A_437, %add3A_676 : i32
            %get3A_678 = arith.index_cast %add3A_677 : i32 to index
            %get3A_679 = arith.constant 16 : index
            %get3A_680 = tpu.vector_load %arg10[%get3A_678, %get3A_679] {strides = array<i32>} : memref<128x48xf32, #tpu.memory_space<vmem>>, vector<1x16xf32>,
            %get3A_681 = vector.shape_cast %get3A_680 : vector<1x16xf32> to vector<16xf32>
            %add3A_682 = arith.constant 3 : i32
            %add3A_683 = arith.addi %add3A_437, %add3A_682 : i32
            %get3A_684 = arith.index_cast %add3A_683 : i32 to index
            %get3A_685 = arith.constant 16 : index
            %get3A_686 = tpu.vector_load %arg11[%get3A_684, %get3A_685] {strides = array<i32>} : memref<128x48xf32, #tpu.memory_space<vmem>>, vector<1x16xf32>,
            %get3A_687 = vector.shape_cast %get3A_686 : vector<1x16xf32> to vector<16xf32>
            %add3A_688 = arith.addf %get3A_681, %get3A_687 : vector<16xf32>
            %add3A_689 = arith.constant 3 : i32
            %add3A_690 = arith.addi %add3A_437, %add3A_689 : i32
            %swap3A_691 = arith.constant 0 : i32
            %swap3A_692 = arith.constant 0 : i32
            %swap3A_693 = tpu.memref_slice %run_scoped3A_22[%rem3A_294, %swap3A_691, %swap3A_692] : memref<2x128x128xf32, #tpu.memory_space<vmem>> -> memref<1x128x128xf32, #tpu.memory_space<vmem>>
            %swap3A_694 = tpu.memref_squeeze %swap3A_693 : memref<1x128x128xf32, #tpu.memory_space<vmem>> -> memref<128x128xf32, #tpu.memory_space<vmem>>
            %swap3A_695 = arith.index_cast %add3A_690 : i32 to index
            %swap3A_696 = arith.constant 16 : index
            %swap3A_697 = tpu.vector_load %swap3A_694[%swap3A_695, %swap3A_696] {strides = array<i32>} : memref<128x128xf32, #tpu.memory_space<vmem>>, vector<1x16xf32>,
            %swap3A_698 = vector.shape_cast %swap3A_697 : vector<1x16xf32> to vector<16xf32>
            %swap3A_699 = vector.shape_cast %add3A_688 : vector<16xf32> to vector<1x16xf32>
            tpu.vector_store %swap3A_694[%swap3A_695, %swap3A_696], %swap3A_699 {strides = array<i32>} : memref<128x128xf32, #tpu.memory_space<vmem>>, vector<1x16xf32>,
            %add3A_700 = arith.constant 3 : i32
            %add3A_701 = arith.addi %add3A_437, %add3A_700 : i32
            %get3A_702 = arith.index_cast %add3A_701 : i32 to index
            %get3A_703 = arith.constant 32 : index
            %get3A_704 = tpu.vector_load %arg10[%get3A_702, %get3A_703] {strides = array<i32>} : memref<128x48xf32, #tpu.memory_space<vmem>>, vector<1x16xf32>,
            %get3A_705 = vector.shape_cast %get3A_704 : vector<1x16xf32> to vector<16xf32>
            %add3A_706 = arith.constant 3 : i32
            %add3A_707 = arith.addi %add3A_437, %add3A_706 : i32
            %get3A_708 = arith.index_cast %add3A_707 : i32 to index
            %get3A_709 = arith.constant 32 : index
            %get3A_710 = tpu.vector_load %arg11[%get3A_708, %get3A_709] {strides = array<i32>} : memref<128x48xf32, #tpu.memory_space<vmem>>, vector<1x16xf32>,
            %get3A_711 = vector.shape_cast %get3A_710 : vector<1x16xf32> to vector<16xf32>
            %add3A_712 = arith.addf %get3A_705, %get3A_711 : vector<16xf32>
            %add3A_713 = arith.constant 3 : i32
            %add3A_714 = arith.addi %add3A_437, %add3A_713 : i32
            %swap3A_715 = arith.constant 0 : i32
            %swap3A_716 = arith.constant 0 : i32
            %swap3A_717 = tpu.memref_slice %run_scoped3A_22[%rem3A_294, %swap3A_715, %swap3A_716] : memref<2x128x128xf32, #tpu.memory_space<vmem>> -> memref<1x128x128xf32, #tpu.memory_space<vmem>>
            %swap3A_718 = tpu.memref_squeeze %swap3A_717 : memref<1x128x128xf32, #tpu.memory_space<vmem>> -> memref<128x128xf32, #tpu.memory_space<vmem>>
            %swap3A_719 = arith.index_cast %add3A_714 : i32 to index
            %swap3A_720 = arith.constant 32 : index
            %swap3A_721 = tpu.vector_load %swap3A_718[%swap3A_719, %swap3A_720] {strides = array<i32>} : memref<128x128xf32, #tpu.memory_space<vmem>>, vector<1x16xf32>,
            %swap3A_722 = vector.shape_cast %swap3A_721 : vector<1x16xf32> to vector<16xf32>
            %swap3A_723 = vector.shape_cast %add3A_712 : vector<16xf32> to vector<1x16xf32>
            tpu.vector_store %swap3A_718[%swap3A_719, %swap3A_720], %swap3A_723 {strides = array<i32>} : memref<128x128xf32, #tpu.memory_space<vmem>>, vector<1x16xf32>,
          }
          %scan3A_341 = arith.constant 32 : i32
          "tpu.trace_stop"() : () -> ()
          %ne3A_342 = arith.cmpi ne, %add3A_193, %add3A_211 : i32
          %or3A_343 = arith.constant false
          %or3A_344 = arith.ori %or3A_343, %ne3A_342 : i1
          %or3A_345 = arith.ori %or3A_344, %eq3A_192 : i1
          %convert_element_type3A_346 = arith.extui %or3A_345 : i1 to i32
          %cond3A_347 = arith.constant 0 : i32
          %cond3A_348 = arith.cmpi ne, %convert_element_type3A_346, %cond3A_347 : i32
          scf.if %cond3A_348 {
          } else {
          }
          %and3A_349 = arith.constant false
          %and3A_350 = arith.andi %or3A_345, %and3A_349 : i1
          %ne3A_351 = arith.cmpi ne, %add3A_193, %add3A_211 : i32
          %or3A_352 = arith.constant false
          %or3A_353 = arith.ori %or3A_352, %ne3A_351 : i1
          %or3A_354 = arith.ori %or3A_353, %eq3A_192 : i1
          %convert_element_type3A_355 = arith.extui %or3A_354 : i1 to i32
          %cond3A_356 = arith.constant 0 : i32
          %cond3A_357 = arith.cmpi ne, %convert_element_type3A_355, %cond3A_356 : i32
          scf.if %cond3A_357 {
          } else {
          }
          %and3A_358 = arith.constant false
          %and3A_359 = arith.andi %or3A_354, %and3A_358 : i1
          %ne3A_360 = arith.cmpi ne, %add3A_193, %add3A_211 : i32
          %or3A_361 = arith.constant false
          %or3A_362 = arith.ori %or3A_361, %ne3A_360 : i1
          %or3A_363 = arith.constant false
          %or3A_364 = arith.ori %or3A_362, %or3A_363 : i1
          %or3A_365 = arith.ori %or3A_364, %eq3A_192 : i1
          %convert_element_type3A_366 = arith.extui %or3A_365 : i1 to i32
          %cond3A_367 = arith.constant 0 : i32
          %cond3A_368 = arith.cmpi ne, %convert_element_type3A_366, %cond3A_367 : i32
          scf.if %cond3A_368 {
            "tpu.trace_start"() <{level = 10 : i32, message = "ep_copy_out"}> : () -> ()
            %rem3A_433 = arith.constant 2 : i32
            %rem3A_434 = arith.remui %while3A_183, %rem3A_433 : i32
            %mul3A_435 = arith.constant 128 : i32
            %mul3A_436 = arith.muli %mul3A_435, %add3A_193 : i32
            %dma_start3A_437 = arith.constant 0 : i32
            %dma_start3A_438 = arith.constant 0 : i32
            %dma_start3A_439 = tpu.memref_slice %run_scoped3A_22[%rem3A_434, %dma_start3A_437, %dma_start3A_438] : memref<2x128x128xf32, #tpu.memory_space<vmem>> -> memref<1x128x128xf32, #tpu.memory_space<vmem>>
            %dma_start3A_440 = tpu.memref_squeeze %dma_start3A_439 : memref<1x128x128xf32, #tpu.memory_space<vmem>> -> memref<128x128xf32, #tpu.memory_space<vmem>>
            %dma_start3A_441 = arith.constant 0 : i32
            %dma_start3A_442 = tpu.memref_slice %arg6[%mul3A_436, %dma_start3A_441] : memref<320000x128xf32, #tpu.memory_space<hbm>> -> memref<128x128xf32, #tpu.memory_space<hbm>>
            %dma_start3A_443 = tpu.memref_slice %run_scoped3A_23[%rem3A_434] : memref<2x!tpu.dma_semaphore, #tpu.memory_space<semaphore_mem>> -> memref<1x!tpu.dma_semaphore, #tpu.memory_space<semaphore_mem>>
            %dma_start3A_444 = tpu.memref_squeeze %dma_start3A_443 : memref<1x!tpu.dma_semaphore, #tpu.memory_space<semaphore_mem>> -> memref<!tpu.dma_semaphore, #tpu.memory_space<semaphore_mem>>
            %dma_start3A_445 = arith.constant 0 : i32
            %dma_start3A_446 = tpu.memref_slice %arg6[%mul3A_436, %dma_start3A_445] : memref<320000x128xf32, #tpu.memory_space<hbm>> -> memref<128x128xf32, #tpu.memory_space<hbm>>
            %dma_start3A_447 = arith.constant 0 : i32
            %dma_start3A_448 = arith.constant 0 : i32
            %dma_start3A_449 = tpu.memref_slice %run_scoped3A_22[%rem3A_434, %dma_start3A_447, %dma_start3A_448] : memref<2x128x128xf32, #tpu.memory_space<vmem>> -> memref<1x128x128xf32, #tpu.memory_space<vmem>>
            %dma_start3A_450 = tpu.memref_squeeze %dma_start3A_449 : memref<1x128x128xf32, #tpu.memory_space<vmem>> -> memref<128x128xf32, #tpu.memory_space<vmem>>
            tpu.enqueue_dma source(%dma_start3A_450 : memref<128x128xf32, #tpu.memory_space<vmem>>) target(%dma_start3A_446 : memref<128x128xf32, #tpu.memory_space<hbm>>) target_semaphore(%dma_start3A_444 : memref<!tpu.dma_semaphore, #tpu.memory_space<semaphore_mem>>)
            "tpu.trace_stop"() : () -> ()
          } else {
          }
          %and3A_369 = arith.constant true
          %and3A_370 = arith.andi %or3A_365, %and3A_369 : i1
          %add3A_371 = arith.constant 1 : i32
          %add3A_372 = arith.addi %while3A_183, %add3A_371 : i32
          %select_n3A_373 = arith.select %and3A_370, %add3A_372, %while3A_183 : i32
          %ne3A_374 = arith.cmpi ne, %add3A_193, %add3A_203 : i32
          %or3A_375 = arith.constant false
          %or3A_376 = arith.ori %or3A_375, %ne3A_374 : i1
          %not3A_377 = arith.constant true
          %not3A_378 = arith.xori %eq3A_189, %not3A_377 : i1
          %and3A_379 = arith.andi %or3A_376, %not3A_378 : i1
          %convert_element_type3A_380 = arith.extui %and3A_379 : i1 to i32
          %cond3A_381 = arith.constant 0 : i32
          %cond3A_382 = arith.cmpi ne, %convert_element_type3A_380, %cond3A_381 : i32
          scf.if %cond3A_382 {
          } else {
          }
          %and3A_383 = arith.constant false
          %and3A_384 = arith.andi %and3A_379, %and3A_383 : i1
          %ne3A_385 = arith.cmpi ne, %add3A_193, %add3A_203 : i32
          %or3A_386 = arith.constant false
          %or3A_387 = arith.ori %or3A_386, %ne3A_385 : i1
          %not3A_388 = arith.constant true
          %not3A_389 = arith.xori %eq3A_189, %not3A_388 : i1
          %and3A_390 = arith.andi %or3A_387, %not3A_389 : i1
          %convert_element_type3A_391 = arith.extui %and3A_390 : i1 to i32
          %cond3A_392 = arith.constant 0 : i32
          %cond3A_393 = arith.cmpi ne, %convert_element_type3A_391, %cond3A_392 : i32
          scf.if %cond3A_393 {
          } else {
          }
          %and3A_394 = arith.constant false
          %and3A_395 = arith.andi %and3A_390, %and3A_394 : i1
          %ne3A_396 = arith.cmpi ne, %add3A_193, %add3A_203 : i32
          %or3A_397 = arith.constant false
          %or3A_398 = arith.ori %or3A_397, %ne3A_396 : i1
          %or3A_399 = arith.constant false
          %or3A_400 = arith.ori %or3A_398, %or3A_399 : i1
          %not3A_401 = arith.constant true
          %not3A_402 = arith.xori %eq3A_189, %not3A_401 : i1
          %and3A_403 = arith.andi %or3A_400, %not3A_402 : i1
          %convert_element_type3A_404 = arith.extui %and3A_403 : i1 to i32
          %cond3A_405 = arith.constant 0 : i32
          %cond3A_406 = arith.cmpi ne, %convert_element_type3A_404, %cond3A_405 : i32
          scf.if %cond3A_406 {
            "tpu.trace_start"() <{level = 10 : i32, message = "ep_wait_out"}> : () -> ()
            %rem3A_433 = arith.constant 2 : i32
            %rem3A_434 = arith.remui %while3A_184, %rem3A_433 : i32
            %mul3A_435 = arith.constant 128 : i32
            %mul3A_436 = arith.muli %mul3A_435, %add3A_203 : i32
            %dma_wait3A_437 = arith.constant 0 : i32
            %dma_wait3A_438 = arith.constant 0 : i32
            %dma_wait3A_439 = tpu.memref_slice %run_scoped3A_22[%rem3A_434, %dma_wait3A_437, %dma_wait3A_438] : memref<2x128x128xf32, #tpu.memory_space<vmem>> -> memref<1x128x128xf32, #tpu.memory_space<vmem>>
            %dma_wait3A_440 = tpu.memref_squeeze %dma_wait3A_439 : memref<1x128x128xf32, #tpu.memory_space<vmem>> -> memref<128x128xf32, #tpu.memory_space<vmem>>
            %dma_wait3A_441 = arith.constant 0 : i32
            %dma_wait3A_442 = tpu.memref_slice %arg6[%mul3A_436, %dma_wait3A_441] : memref<320000x128xf32, #tpu.memory_space<hbm>> -> memref<128x128xf32, #tpu.memory_space<hbm>>
            %dma_wait3A_443 = tpu.memref_slice %run_scoped3A_23[%rem3A_434] : memref<2x!tpu.dma_semaphore, #tpu.memory_space<semaphore_mem>> -> memref<1x!tpu.dma_semaphore, #tpu.memory_space<semaphore_mem>>
            %dma_wait3A_444 = tpu.memref_squeeze %dma_wait3A_443 : memref<1x!tpu.dma_semaphore, #tpu.memory_space<semaphore_mem>> -> memref<!tpu.dma_semaphore, #tpu.memory_space<semaphore_mem>>
            %dma_wait3A_445 = arith.constant 0 : i32
            %dma_wait3A_446 = tpu.memref_slice %arg6[%mul3A_436, %dma_wait3A_445] : memref<320000x128xf32, #tpu.memory_space<hbm>> -> memref<128x128xf32, #tpu.memory_space<hbm>>
            %dma_wait3A_447 = arith.constant 0 : i32
            %dma_wait3A_448 = arith.constant 0 : i32
            %dma_wait3A_449 = tpu.memref_slice %run_scoped3A_22[%rem3A_434, %dma_wait3A_447, %dma_wait3A_448] : memref<2x128x128xf32, #tpu.memory_space<vmem>> -> memref<1x128x128xf32, #tpu.memory_space<vmem>>
            %dma_wait3A_450 = tpu.memref_squeeze %dma_wait3A_449 : memref<1x128x128xf32, #tpu.memory_space<vmem>> -> memref<128x128xf32, #tpu.memory_space<vmem>>
            tpu.wait_dma2 semaphore(%dma_wait3A_444 : memref<!tpu.dma_semaphore, #tpu.memory_space<semaphore_mem>>) src(%dma_wait3A_450 : memref<128x128xf32, #tpu.memory_space<vmem>>) dst(%dma_wait3A_446 : memref<128x128xf32, #tpu.memory_space<hbm>>)
            "tpu.trace_stop"() : () -> ()
          } else {
          }
          %and3A_407 = arith.constant true
          %and3A_408 = arith.andi %and3A_403, %and3A_407 : i1
          %add3A_409 = arith.constant 1 : i32
          %add3A_410 = arith.addi %while3A_184, %add3A_409 : i32
          %select_n3A_411 = arith.select %and3A_408, %add3A_410, %while3A_184 : i32
          %ne3A_412 = arith.cmpi ne, %add3A_193, %add3A_211 : i32
          %or3A_413 = arith.constant false
          %or3A_414 = arith.ori %or3A_413, %ne3A_412 : i1
          %or3A_415 = arith.ori %or3A_414, %eq3A_192 : i1
          %add3A_416 = arith.constant 1 : i32
          %add3A_417 = arith.addi %while3A_180, %add3A_416 : i32
          %select_n3A_418 = arith.select %or3A_415, %add3A_417, %while3A_180 : i32
          %ne3A_419 = arith.cmpi ne, %add3A_193, %add3A_211 : i32
          %or3A_420 = arith.constant false
          %or3A_421 = arith.ori %or3A_420, %ne3A_419 : i1
          %or3A_422 = arith.ori %or3A_421, %eq3A_192 : i1
          %add3A_423 = arith.constant 1 : i32
          %add3A_424 = arith.addi %while3A_182, %add3A_423 : i32
          %select_n3A_425 = arith.select %or3A_422, %add3A_424, %while3A_182 : i32
          %add3A_426 = arith.constant 1 : i32
          %add3A_427 = arith.addi %while3A_185, %add3A_426 : i32
          %select_n3A_428 = arith.constant true
          %select_n3A_429 = arith.select %select_n3A_428, %add3A_427, %while3A_185 : i32
          %eq3A_430 = arith.cmpi eq, %select_n3A_429, %select_n3A : i32
          %select_n3A_431 = arith.constant 0 : i32
          %select_n3A_432 = arith.select %eq3A_430, %select_n3A_431, %select_n3A_429 : i32
          scf.yield %select_n3A_233, %select_n3A_418, %select_n3A_252, %select_n3A_425, %select_n3A_373, %select_n3A_411, %select_n3A_432 : i32, i32, i32, i32, i32, i32, i32
        }
        %while3A_122 = arith.constant 1 : i32
        %while3A_123:7 = scf.for %while3A_178 = %while3A_119 to %while3A_115 step %while3A_122 iter_args(%while3A_179 = %while3A_121#0, %while3A_180 = %while3A_121#1, %while3A_181 = %while3A_121#2, %while3A_182 = %while3A_121#3, %while3A_183 = %while3A_121#4, %while3A_184 = %while3A_121#5, %while3A_185 = %while3A_121#6) -> (i32, i32, i32, i32, i32, i32, i32)  : i32 {
          %mul3A_186 = arith.constant 1 : i32
          %mul3A_187 = arith.muli %mul3A_186, %select_n3A : i32
          %eq3A_188 = arith.constant 0 : i32
          %eq3A_189 = arith.cmpi eq, %while3A_178, %eq3A_188 : i32
          %sub3A_190 = arith.constant 1 : i32
          %sub3A_191 = arith.subi %mul3A_187, %sub3A_190 : i32
          %eq3A_192 = arith.cmpi eq, %while3A_178, %sub3A_191 : i32
          %add3A_193 = arith.addi %while3A_185, %select_n3A_16 : i32
          %sub3A_194 = arith.constant 1 : i32
          %sub3A_195 = arith.subi %while3A_185, %sub3A_194 : i32
          %select_n3A_196 = arith.constant true
          %select_n3A_197 = arith.select %select_n3A_196, %sub3A_195, %while3A_185 : i32
          %eq3A_198 = arith.constant -1 : i32
          %eq3A_199 = arith.cmpi eq, %select_n3A_197, %eq3A_198 : i32
          %sub3A_200 = arith.constant 1 : i32
          %sub3A_201 = arith.subi %select_n3A, %sub3A_200 : i32
          %select_n3A_202 = arith.select %eq3A_199, %sub3A_201, %select_n3A_197 : i32
          %add3A_203 = arith.addi %select_n3A_202, %select_n3A_16 : i32
          %add3A_204 = arith.constant 1 : i32
          %add3A_205 = arith.addi %while3A_185, %add3A_204 : i32
          %select_n3A_206 = arith.constant true
          %select_n3A_207 = arith.select %select_n3A_206, %add3A_205, %while3A_185 : i32
          %eq3A_208 = arith.cmpi eq, %select_n3A_207, %select_n3A : i32
          %select_n3A_209 = arith.constant 0 : i32
          %select_n3A_210 = arith.select %eq3A_208, %select_n3A_209, %select_n3A_207 : i32
          %add3A_211 = arith.addi %select_n3A_210, %select_n3A_16 : i32
          %add3A_212 = arith.constant 1 : i32
          %add3A_213 = arith.addi %select_n3A_210, %add3A_212 : i32
          %select_n3A_214 = arith.constant true
          %select_n3A_215 = arith.select %select_n3A_214, %add3A_213, %select_n3A_210 : i32
          %eq3A_216 = arith.cmpi eq, %select_n3A_215, %select_n3A : i32
          %select_n3A_217 = arith.constant 0 : i32
          %select_n3A_218 = arith.select %eq3A_216, %select_n3A_217, %select_n3A_215 : i32
          %add3A_219 = arith.addi %select_n3A_218, %select_n3A_16 : i32
          %ne3A = arith.cmpi ne, %add3A_193, %add3A_211 : i32
          %or3A = arith.constant false
          %or3A_220 = arith.ori %or3A, %ne3A : i1
          %sub3A_221 = arith.constant 2 : i32
          %sub3A_222 = arith.subi %mul3A_187, %sub3A_221 : i32
          %add3A_223 = arith.constant 1 : i32
          %add3A_224 = arith.addi %sub3A_222, %add3A_223 : i32
          %ge3A = arith.cmpi sge, %while3A_178, %add3A_224 : i32
          %not3A = arith.constant true
          %not3A_225 = arith.xori %ge3A, %not3A : i1
          %and3A = arith.andi %or3A_220, %not3A_225 : i1
          %convert_element_type3A_226 = arith.extui %and3A : i1 to i32
          %cond3A_227 = arith.constant 0 : i32
          %cond3A_228 = arith.cmpi ne, %convert_element_type3A_226, %cond3A_227 : i32
          scf.if %cond3A_228 {
            "tpu.trace_start"() <{level = 10 : i32, message = "ep_copy_in"}> : () -> ()
            %rem3A_433 = arith.constant 2 : i32
            %rem3A_434 = arith.remui %while3A_179, %rem3A_433 : i32
            %mul3A_435 = arith.constant 128 : i32
            %mul3A_436 = arith.muli %mul3A_435, %add3A_211 : i32
            %dma_start3A_437 = arith.constant 0 : i32
            %dma_start3A_438 = arith.constant 0 : i32
            %dma_start3A_439 = tpu.memref_slice %run_scoped3A[%rem3A_434, %dma_start3A_437, %dma_start3A_438] : memref<2x1x128xi32, #tpu.memory_space<vmem>> -> memref<1x1x128xi32, #tpu.memory_space<vmem>>
            %dma_start3A_440 = tpu.memref_squeeze %dma_start3A_439 : memref<1x1x128xi32, #tpu.memory_space<vmem>> -> memref<1x128xi32, #tpu.memory_space<vmem>>
            %dma_start3A_441 = arith.constant 0 : i32
            %dma_start3A_442 = tpu.memref_slice %arg4[%dma_start3A_441, %mul3A_436] : memref<1x320000xi32, #tpu.memory_space<hbm>> -> memref<1x128xi32, #tpu.memory_space<hbm>>
            %dma_start3A_443 = tpu.memref_slice %run_scoped3A_19[%rem3A_434] : memref<2x!tpu.dma_semaphore, #tpu.memory_space<semaphore_mem>> -> memref<1x!tpu.dma_semaphore, #tpu.memory_space<semaphore_mem>>
            %dma_start3A_444 = tpu.memref_squeeze %dma_start3A_443 : memref<1x!tpu.dma_semaphore, #tpu.memory_space<semaphore_mem>> -> memref<!tpu.dma_semaphore, #tpu.memory_space<semaphore_mem>>
            %dma_start3A_445 = arith.constant 0 : i32
            %dma_start3A_446 = arith.constant 0 : i32
            %dma_start3A_447 = tpu.memref_slice %run_scoped3A[%rem3A_434, %dma_start3A_445, %dma_start3A_446] : memref<2x1x128xi32, #tpu.memory_space<vmem>> -> memref<1x1x128xi32, #tpu.memory_space<vmem>>
            %dma_start3A_448 = tpu.memref_squeeze %dma_start3A_447 : memref<1x1x128xi32, #tpu.memory_space<vmem>> -> memref<1x128xi32, #tpu.memory_space<vmem>>
            %dma_start3A_449 = arith.constant 0 : i32
            %dma_start3A_450 = tpu.memref_slice %arg4[%dma_start3A_449, %mul3A_436] : memref<1x320000xi32, #tpu.memory_space<hbm>> -> memref<1x128xi32, #tpu.memory_space<hbm>>
            tpu.enqueue_dma source(%dma_start3A_450 : memref<1x128xi32, #tpu.memory_space<hbm>>) target(%dma_start3A_448 : memref<1x128xi32, #tpu.memory_space<vmem>>) target_semaphore(%dma_start3A_444 : memref<!tpu.dma_semaphore, #tpu.memory_space<semaphore_mem>>)
            "tpu.trace_stop"() : () -> ()
          } else {
          }
          %and3A_229 = arith.constant true
          %and3A_230 = arith.andi %and3A, %and3A_229 : i1
          %add3A_231 = arith.constant 1 : i32
          %add3A_232 = arith.addi %while3A_179, %add3A_231 : i32
          %select_n3A_233 = arith.select %and3A_230, %add3A_232, %while3A_179 : i32
          %ne3A_234 = arith.cmpi ne, %add3A_193, %add3A_211 : i32
          %or3A_235 = arith.constant false
          %or3A_236 = arith.ori %or3A_235, %ne3A_234 : i1
          %sub3A_237 = arith.constant 2 : i32
          %sub3A_238 = arith.subi %mul3A_187, %sub3A_237 : i32
          %add3A_239 = arith.constant 1 : i32
          %add3A_240 = arith.addi %sub3A_238, %add3A_239 : i32
          %ge3A_241 = arith.cmpi sge, %while3A_178, %add3A_240 : i32
          %not3A_242 = arith.constant true
          %not3A_243 = arith.xori %ge3A_241, %not3A_242 : i1
          %and3A_244 = arith.andi %or3A_236, %not3A_243 : i1
          %convert_element_type3A_245 = arith.extui %and3A_244 : i1 to i32
          %cond3A_246 = arith.constant 0 : i32
          %cond3A_247 = arith.cmpi ne, %convert_element_type3A_245, %cond3A_246 : i32
          scf.if %cond3A_247 {
            "tpu.trace_start"() <{level = 10 : i32, message = "ep_copy_in"}> : () -> ()
            %rem3A_433 = arith.constant 2 : i32
            %rem3A_434 = arith.remui %while3A_181, %rem3A_433 : i32
            %mul3A_435 = arith.constant 128 : i32
            %mul3A_436 = arith.muli %mul3A_435, %add3A_211 : i32
            %dma_start3A_437 = arith.constant 0 : i32
            %dma_start3A_438 = arith.constant 0 : i32
            %dma_start3A_439 = tpu.memref_slice %run_scoped3A_20[%rem3A_434, %dma_start3A_437, %dma_start3A_438] : memref<2x1x128xi32, #tpu.memory_space<vmem>> -> memref<1x1x128xi32, #tpu.memory_space<vmem>>
            %dma_start3A_440 = tpu.memref_squeeze %dma_start3A_439 : memref<1x1x128xi32, #tpu.memory_space<vmem>> -> memref<1x128xi32, #tpu.memory_space<vmem>>
            %dma_start3A_441 = arith.constant 0 : i32
            %dma_start3A_442 = tpu.memref_slice %arg5[%dma_start3A_441, %mul3A_436] : memref<1x320000xi32, #tpu.memory_space<hbm>> -> memref<1x128xi32, #tpu.memory_space<hbm>>
            %dma_start3A_443 = tpu.memref_slice %run_scoped3A_21[%rem3A_434] : memref<2x!tpu.dma_semaphore, #tpu.memory_space<semaphore_mem>> -> memref<1x!tpu.dma_semaphore, #tpu.memory_space<semaphore_mem>>
            %dma_start3A_444 = tpu.memref_squeeze %dma_start3A_443 : memref<1x!tpu.dma_semaphore, #tpu.memory_space<semaphore_mem>> -> memref<!tpu.dma_semaphore, #tpu.memory_space<semaphore_mem>>
            %dma_start3A_445 = arith.constant 0 : i32
            %dma_start3A_446 = arith.constant 0 : i32
            %dma_start3A_447 = tpu.memref_slice %run_scoped3A_20[%rem3A_434, %dma_start3A_445, %dma_start3A_446] : memref<2x1x128xi32, #tpu.memory_space<vmem>> -> memref<1x1x128xi32, #tpu.memory_space<vmem>>
            %dma_start3A_448 = tpu.memref_squeeze %dma_start3A_447 : memref<1x1x128xi32, #tpu.memory_space<vmem>> -> memref<1x128xi32, #tpu.memory_space<vmem>>
            %dma_start3A_449 = arith.constant 0 : i32
            %dma_start3A_450 = tpu.memref_slice %arg5[%dma_start3A_449, %mul3A_436] : memref<1x320000xi32, #tpu.memory_space<hbm>> -> memref<1x128xi32, #tpu.memory_space<hbm>>
            tpu.enqueue_dma source(%dma_start3A_450 : memref<1x128xi32, #tpu.memory_space<hbm>>) target(%dma_start3A_448 : memref<1x128xi32, #tpu.memory_space<vmem>>) target_semaphore(%dma_start3A_444 : memref<!tpu.dma_semaphore, #tpu.memory_space<semaphore_mem>>)
            "tpu.trace_stop"() : () -> ()
          } else {
          }
          %and3A_248 = arith.constant true
          %and3A_249 = arith.andi %and3A_244, %and3A_248 : i1
          %add3A_250 = arith.constant 1 : i32
          %add3A_251 = arith.addi %while3A_181, %add3A_250 : i32
          %select_n3A_252 = arith.select %and3A_249, %add3A_251, %while3A_181 : i32
          %ne3A_253 = arith.cmpi ne, %add3A_193, %add3A_211 : i32
          %or3A_254 = arith.constant false
          %or3A_255 = arith.ori %or3A_254, %ne3A_253 : i1
          %or3A_256 = arith.constant false
          %or3A_257 = arith.ori %or3A_255, %or3A_256 : i1
          %sub3A_258 = arith.constant 2 : i32
          %sub3A_259 = arith.subi %mul3A_187, %sub3A_258 : i32
          %add3A_260 = arith.constant 1 : i32
          %add3A_261 = arith.addi %sub3A_259, %add3A_260 : i32
          %ge3A_262 = arith.cmpi sge, %while3A_178, %add3A_261 : i32
          %not3A_263 = arith.constant true
          %not3A_264 = arith.xori %ge3A_262, %not3A_263 : i1
          %and3A_265 = arith.andi %or3A_257, %not3A_264 : i1
          %ne3A_266 = arith.cmpi ne, %add3A_193, %add3A_203 : i32
          %or3A_267 = arith.constant false
          %or3A_268 = arith.ori %or3A_267, %ne3A_266 : i1
          %or3A_269 = arith.ori %or3A_268, %eq3A_189 : i1
          %convert_element_type3A_270 = arith.extui %or3A_269 : i1 to i32
          %cond3A_271 = arith.constant 0 : i32
          %cond3A_272 = arith.cmpi ne, %convert_element_type3A_270, %cond3A_271 : i32
          scf.if %cond3A_272 {
            "tpu.trace_start"() <{level = 10 : i32, message = "ep_wait_in"}> : () -> ()
            %mul3A_433 = arith.constant 128 : i32
            %mul3A_434 = arith.muli %mul3A_433, %add3A_193 : i32
            %rem3A_435 = arith.constant 2 : i32
            %rem3A_436 = arith.remui %while3A_180, %rem3A_435 : i32
            %dma_wait3A_437 = arith.constant 0 : i32
            %dma_wait3A_438 = arith.constant 0 : i32
            %dma_wait3A_439 = tpu.memref_slice %run_scoped3A[%rem3A_436, %dma_wait3A_437, %dma_wait3A_438] : memref<2x1x128xi32, #tpu.memory_space<vmem>> -> memref<1x1x128xi32, #tpu.memory_space<vmem>>
            %dma_wait3A_440 = tpu.memref_squeeze %dma_wait3A_439 : memref<1x1x128xi32, #tpu.memory_space<vmem>> -> memref<1x128xi32, #tpu.memory_space<vmem>>
            %dma_wait3A_441 = arith.constant 0 : i32
            %dma_wait3A_442 = tpu.memref_slice %arg4[%dma_wait3A_441, %mul3A_434] : memref<1x320000xi32, #tpu.memory_space<hbm>> -> memref<1x128xi32, #tpu.memory_space<hbm>>
            %dma_wait3A_443 = tpu.memref_slice %run_scoped3A_19[%rem3A_436] : memref<2x!tpu.dma_semaphore, #tpu.memory_space<semaphore_mem>> -> memref<1x!tpu.dma_semaphore, #tpu.memory_space<semaphore_mem>>
            %dma_wait3A_444 = tpu.memref_squeeze %dma_wait3A_443 : memref<1x!tpu.dma_semaphore, #tpu.memory_space<semaphore_mem>> -> memref<!tpu.dma_semaphore, #tpu.memory_space<semaphore_mem>>
            %dma_wait3A_445 = arith.constant 0 : i32
            %dma_wait3A_446 = arith.constant 0 : i32
            %dma_wait3A_447 = tpu.memref_slice %run_scoped3A[%rem3A_436, %dma_wait3A_445, %dma_wait3A_446] : memref<2x1x128xi32, #tpu.memory_space<vmem>> -> memref<1x1x128xi32, #tpu.memory_space<vmem>>
            %dma_wait3A_448 = tpu.memref_squeeze %dma_wait3A_447 : memref<1x1x128xi32, #tpu.memory_space<vmem>> -> memref<1x128xi32, #tpu.memory_space<vmem>>
            %dma_wait3A_449 = arith.constant 0 : i32
            %dma_wait3A_450 = tpu.memref_slice %arg4[%dma_wait3A_449, %mul3A_434] : memref<1x320000xi32, #tpu.memory_space<hbm>> -> memref<1x128xi32, #tpu.memory_space<hbm>>
            tpu.wait_dma2 semaphore(%dma_wait3A_444 : memref<!tpu.dma_semaphore, #tpu.memory_space<semaphore_mem>>) src(%dma_wait3A_450 : memref<1x128xi32, #tpu.memory_space<hbm>>) dst(%dma_wait3A_448 : memref<1x128xi32, #tpu.memory_space<vmem>>)
            "tpu.trace_stop"() : () -> ()
          } else {
          }
          %ne3A_273 = arith.cmpi ne, %add3A_193, %add3A_203 : i32
          %or3A_274 = arith.constant false
          %or3A_275 = arith.ori %or3A_274, %ne3A_273 : i1
          %or3A_276 = arith.ori %or3A_275, %eq3A_189 : i1
          %convert_element_type3A_277 = arith.extui %or3A_276 : i1 to i32
          %cond3A_278 = arith.constant 0 : i32
          %cond3A_279 = arith.cmpi ne, %convert_element_type3A_277, %cond3A_278 : i32
          scf.if %cond3A_279 {
            "tpu.trace_start"() <{level = 10 : i32, message = "ep_wait_in"}> : () -> ()
            %mul3A_433 = arith.constant 128 : i32
            %mul3A_434 = arith.muli %mul3A_433, %add3A_193 : i32
            %rem3A_435 = arith.constant 2 : i32
            %rem3A_436 = arith.remui %while3A_182, %rem3A_435 : i32
            %dma_wait3A_437 = arith.constant 0 : i32
            %dma_wait3A_438 = arith.constant 0 : i32
            %dma_wait3A_439 = tpu.memref_slice %run_scoped3A_20[%rem3A_436, %dma_wait3A_437, %dma_wait3A_438] : memref<2x1x128xi32, #tpu.memory_space<vmem>> -> memref<1x1x128xi32, #tpu.memory_space<vmem>>
            %dma_wait3A_440 = tpu.memref_squeeze %dma_wait3A_439 : memref<1x1x128xi32, #tpu.memory_space<vmem>> -> memref<1x128xi32, #tpu.memory_space<vmem>>
            %dma_wait3A_441 = arith.constant 0 : i32
            %dma_wait3A_442 = tpu.memref_slice %arg5[%dma_wait3A_441, %mul3A_434] : memref<1x320000xi32, #tpu.memory_space<hbm>> -> memref<1x128xi32, #tpu.memory_space<hbm>>
            %dma_wait3A_443 = tpu.memref_slice %run_scoped3A_21[%rem3A_436] : memref<2x!tpu.dma_semaphore, #tpu.memory_space<semaphore_mem>> -> memref<1x!tpu.dma_semaphore, #tpu.memory_space<semaphore_mem>>
            %dma_wait3A_444 = tpu.memref_squeeze %dma_wait3A_443 : memref<1x!tpu.dma_semaphore, #tpu.memory_space<semaphore_mem>> -> memref<!tpu.dma_semaphore, #tpu.memory_space<semaphore_mem>>
            %dma_wait3A_445 = arith.constant 0 : i32
            %dma_wait3A_446 = arith.constant 0 : i32
            %dma_wait3A_447 = tpu.memref_slice %run_scoped3A_20[%rem3A_436, %dma_wait3A_445, %dma_wait3A_446] : memref<2x1x128xi32, #tpu.memory_space<vmem>> -> memref<1x1x128xi32, #tpu.memory_space<vmem>>
            %dma_wait3A_448 = tpu.memref_squeeze %dma_wait3A_447 : memref<1x1x128xi32, #tpu.memory_space<vmem>> -> memref<1x128xi32, #tpu.memory_space<vmem>>
            %dma_wait3A_449 = arith.constant 0 : i32
            %dma_wait3A_450 = tpu.memref_slice %arg5[%dma_wait3A_449, %mul3A_434] : memref<1x320000xi32, #tpu.memory_space<hbm>> -> memref<1x128xi32, #tpu.memory_space<hbm>>
            tpu.wait_dma2 semaphore(%dma_wait3A_444 : memref<!tpu.dma_semaphore, #tpu.memory_space<semaphore_mem>>) src(%dma_wait3A_450 : memref<1x128xi32, #tpu.memory_space<hbm>>) dst(%dma_wait3A_448 : memref<1x128xi32, #tpu.memory_space<vmem>>)
            "tpu.trace_stop"() : () -> ()
          } else {
          }
          %ne3A_280 = arith.cmpi ne, %add3A_193, %add3A_203 : i32
          %or3A_281 = arith.constant false
          %or3A_282 = arith.ori %or3A_281, %ne3A_280 : i1
          %or3A_283 = arith.constant false
          %or3A_284 = arith.ori %or3A_282, %or3A_283 : i1
          %or3A_285 = arith.ori %or3A_284, %eq3A_189 : i1
          %convert_element_type3A_286 = arith.extui %or3A_285 : i1 to i32
          %cond3A_287 = arith.constant 0 : i32
          %cond3A_288 = arith.cmpi ne, %convert_element_type3A_286, %cond3A_287 : i32
          scf.if %cond3A_288 {
          } else {
          }
          %rem3A_289 = arith.constant 2 : i32
          %rem3A_290 = arith.remui %while3A_180, %rem3A_289 : i32
          %rem3A_291 = arith.constant 2 : i32
          %rem3A_292 = arith.remui %while3A_182, %rem3A_291 : i32
          %rem3A_293 = arith.constant 2 : i32
          %rem3A_294 = arith.remui %while3A_183, %rem3A_293 : i32
          %dma_start3A_295 = arith.constant 0 : i32
          "tpu.trace_start"() <{level = 10 : i32, message = "ep_run_kernel"}> : () -> ()
          %dma_start3A_296 = arith.constant 0 : i32
          %dma_start3A_297 = arith.constant 0 : i32
          %dma_start3A_298 = tpu.memref_slice %run_scoped3A[%rem3A_290, %dma_start3A_296, %dma_start3A_297] : memref<2x1x128xi32, #tpu.memory_space<vmem>> -> memref<1x1x128xi32, #tpu.memory_space<vmem>>
          %dma_start3A_299 = tpu.memref_squeeze %dma_start3A_298 : memref<1x1x128xi32, #tpu.memory_space<vmem>> -> memref<1x128xi32, #tpu.memory_space<vmem>>
          %dma_start3A_300 = arith.constant 0 : i32
          %dma_start3A_301 = tpu.memref_slice %dma_start3A_299[%dma_start3A_295, %dma_start3A_300] : memref<1x128xi32, #tpu.memory_space<vmem>> -> memref<1x128xi32, #tpu.memory_space<vmem>>
          %dma_start3A_302 = tpu.memref_squeeze %dma_start3A_301 : memref<1x128xi32, #tpu.memory_space<vmem>> -> memref<128xi32, #tpu.memory_space<vmem>>
          %dma_start3A_303 = arith.constant 0 : i32
          %dma_start3A_304 = arith.constant 0 : i32
          %dma_start3A_305 = tpu.memref_slice %arg7[%dma_start3A_303, %dma_start3A_304] : memref<10000x48xf32, #tpu.memory_space<vmem_shared>> -> memref<10000x48xf32, #tpu.memory_space<vmem_shared>>
          tpu.enqueue_indirect_dma source(%dma_start3A_305 : memref<10000x48xf32, #tpu.memory_space<vmem_shared>>) target(%arg10 : memref<128x48xf32, #tpu.memory_space<vmem>>) offsets(%dma_start3A_302 : memref<128xi32, #tpu.memory_space<vmem>>) semaphore(%arg12 : memref<!tpu.dma_semaphore, #tpu.memory_space<semaphore_mem>>)
          %dma_start3A_306 = arith.constant 0 : i32
          %dma_start3A_307 = arith.constant 0 : i32
          %dma_start3A_308 = arith.constant 0 : i32
          %dma_start3A_309 = tpu.memref_slice %run_scoped3A_20[%rem3A_292, %dma_start3A_307, %dma_start3A_308] : memref<2x1x128xi32, #tpu.memory_space<vmem>> -> memref<1x1x128xi32, #tpu.memory_space<vmem>>
          %dma_start3A_310 = tpu.memref_squeeze %dma_start3A_309 : memref<1x1x128xi32, #tpu.memory_space<vmem>> -> memref<1x128xi32, #tpu.memory_space<vmem>>
          %dma_start3A_311 = arith.constant 0 : i32
          %dma_start3A_312 = tpu.memref_slice %dma_start3A_310[%dma_start3A_306, %dma_start3A_311] : memref<1x128xi32, #tpu.memory_space<vmem>> -> memref<1x128xi32, #tpu.memory_space<vmem>>
          %dma_start3A_313 = tpu.memref_squeeze %dma_start3A_312 : memref<1x128xi32, #tpu.memory_space<vmem>> -> memref<128xi32, #tpu.memory_space<vmem>>
          %dma_start3A_314 = arith.constant 0 : i32
          %dma_start3A_315 = arith.constant 0 : i32
          %dma_start3A_316 = tpu.memref_slice %arg8[%dma_start3A_314, %dma_start3A_315] : memref<5000x48xf32, #tpu.memory_space<vmem_shared>> -> memref<5000x48xf32, #tpu.memory_space<vmem_shared>>
          tpu.enqueue_indirect_dma source(%dma_start3A_316 : memref<5000x48xf32, #tpu.memory_space<vmem_shared>>) target(%arg11 : memref<128x48xf32, #tpu.memory_space<vmem>>) offsets(%dma_start3A_313 : memref<128xi32, #tpu.memory_space<vmem>>) semaphore(%arg13 : memref<!tpu.dma_semaphore, #tpu.memory_space<semaphore_mem>>)
          %dma_wait3A = arith.constant 0 : i32
          %dma_wait3A_317 = arith.constant 0 : i32
          %dma_wait3A_318 = arith.constant 0 : i32
          %dma_wait3A_319 = tpu.memref_slice %run_scoped3A[%rem3A_290, %dma_wait3A_317, %dma_wait3A_318] : memref<2x1x128xi32, #tpu.memory_space<vmem>> -> memref<1x1x128xi32, #tpu.memory_space<vmem>>
          %dma_wait3A_320 = tpu.memref_squeeze %dma_wait3A_319 : memref<1x1x128xi32, #tpu.memory_space<vmem>> -> memref<1x128xi32, #tpu.memory_space<vmem>>
          %dma_wait3A_321 = arith.constant 0 : i32
          %dma_wait3A_322 = tpu.memref_slice %dma_wait3A_320[%dma_wait3A, %dma_wait3A_321] : memref<1x128xi32, #tpu.memory_space<vmem>> -> memref<1x128xi32, #tpu.memory_space<vmem>>
          %dma_wait3A_323 = tpu.memref_squeeze %dma_wait3A_322 : memref<1x128xi32, #tpu.memory_space<vmem>> -> memref<128xi32, #tpu.memory_space<vmem>>
          %dma_wait3A_324 = arith.constant 0 : i32
          %dma_wait3A_325 = arith.constant 0 : i32
          %dma_wait3A_326 = tpu.memref_slice %arg7[%dma_wait3A_324, %dma_wait3A_325] : memref<10000x48xf32, #tpu.memory_space<vmem_shared>> -> memref<10000x48xf32, #tpu.memory_space<vmem_shared>>
          tpu.wait_indirect_dma semaphore(%arg12 : memref<!tpu.dma_semaphore, #tpu.memory_space<semaphore_mem>>) src(%dma_wait3A_326 : memref<10000x48xf32, #tpu.memory_space<vmem_shared>>) dst(%arg10 : memref<128x48xf32, #tpu.memory_space<vmem>>)
          %dma_wait3A_327 = arith.constant 0 : i32
          %dma_wait3A_328 = arith.constant 0 : i32
          %dma_wait3A_329 = arith.constant 0 : i32
          %dma_wait3A_330 = tpu.memref_slice %run_scoped3A_20[%rem3A_292, %dma_wait3A_328, %dma_wait3A_329] : memref<2x1x128xi32, #tpu.memory_space<vmem>> -> memref<1x1x128xi32, #tpu.memory_space<vmem>>
          %dma_wait3A_331 = tpu.memref_squeeze %dma_wait3A_330 : memref<1x1x128xi32, #tpu.memory_space<vmem>> -> memref<1x128xi32, #tpu.memory_space<vmem>>
          %dma_wait3A_332 = arith.constant 0 : i32
          %dma_wait3A_333 = tpu.memref_slice %dma_wait3A_331[%dma_wait3A_327, %dma_wait3A_332] : memref<1x128xi32, #tpu.memory_space<vmem>> -> memref<1x128xi32, #tpu.memory_space<vmem>>
          %dma_wait3A_334 = tpu.memref_squeeze %dma_wait3A_333 : memref<1x128xi32, #tpu.memory_space<vmem>> -> memref<128xi32, #tpu.memory_space<vmem>>
          %dma_wait3A_335 = arith.constant 0 : i32
          %dma_wait3A_336 = arith.constant 0 : i32
          %dma_wait3A_337 = tpu.memref_slice %arg8[%dma_wait3A_335, %dma_wait3A_336] : memref<5000x48xf32, #tpu.memory_space<vmem_shared>> -> memref<5000x48xf32, #tpu.memory_space<vmem_shared>>
          tpu.wait_indirect_dma semaphore(%arg13 : memref<!tpu.dma_semaphore, #tpu.memory_space<semaphore_mem>>) src(%dma_wait3A_337 : memref<5000x48xf32, #tpu.memory_space<vmem_shared>>) dst(%arg11 : memref<128x48xf32, #tpu.memory_space<vmem>>)
          %scan3A = arith.constant 0 : i32
          %scan3A_338 = arith.constant 32 : i32
          %scan3A_339 = arith.addi %scan3A, %scan3A_338 : i32
          %scan3A_340 = arith.constant 1 : i32
          scf.for %scan3A_433 = %scan3A to %scan3A_339 step %scan3A_340  : i32 {
            %mul3A_434 = arith.constant 4 : i32
            %mul3A_435 = arith.muli %scan3A_433, %mul3A_434 : i32
            %add3A_436 = arith.constant 0 : i32
            %add3A_437 = arith.addi %add3A_436, %mul3A_435 : i32
            %add3A_438 = arith.constant 0 : i32
            %add3A_439 = arith.addi %add3A_437, %add3A_438 : i32
            %get3A = arith.index_cast %add3A_439 : i32 to index
            %get3A_440 = arith.constant 0 : index
            %get3A_441 = tpu.vector_load %arg10[%get3A, %get3A_440] {strides = array<i32>} : memref<128x48xf32, #tpu.memory_space<vmem>>, vector<1x16xf32>,
            %get3A_442 = vector.shape_cast %get3A_441 : vector<1x16xf32> to vector<16xf32>
            %add3A_443 = arith.constant 0 : i32
            %add3A_444 = arith.addi %add3A_437, %add3A_443 : i32
            %get3A_445 = arith.index_cast %add3A_444 : i32 to index
            %get3A_446 = arith.constant 0 : index
            %get3A_447 = tpu.vector_load %arg11[%get3A_445, %get3A_446] {strides = array<i32>} : memref<128x48xf32, #tpu.memory_space<vmem>>, vector<1x16xf32>,
            %get3A_448 = vector.shape_cast %get3A_447 : vector<1x16xf32> to vector<16xf32>
            %add3A_449 = arith.addf %get3A_442, %get3A_448 : vector<16xf32>
            %add3A_450 = arith.constant 0 : i32
            %add3A_451 = arith.addi %add3A_437, %add3A_450 : i32
            %swap3A = arith.constant 0 : i32
            %swap3A_452 = arith.constant 0 : i32
            %swap3A_453 = tpu.memref_slice %run_scoped3A_22[%rem3A_294, %swap3A, %swap3A_452] : memref<2x128x128xf32, #tpu.memory_space<vmem>> -> memref<1x128x128xf32, #tpu.memory_space<vmem>>
            %swap3A_454 = tpu.memref_squeeze %swap3A_453 : memref<1x128x128xf32, #tpu.memory_space<vmem>> -> memref<128x128xf32, #tpu.memory_space<vmem>>
            %swap3A_455 = arith.index_cast %add3A_451 : i32 to index
            %swap3A_456 = arith.constant 0 : index
            %swap3A_457 = tpu.vector_load %swap3A_454[%swap3A_455, %swap3A_456] {strides = array<i32>} : memref<128x128xf32, #tpu.memory_space<vmem>>, vector<1x16xf32>,
            %swap3A_458 = vector.shape_cast %swap3A_457 : vector<1x16xf32> to vector<16xf32>
            %swap3A_459 = vector.shape_cast %add3A_449 : vector<16xf32> to vector<1x16xf32>
            tpu.vector_store %swap3A_454[%swap3A_455, %swap3A_456], %swap3A_459 {strides = array<i32>} : memref<128x128xf32, #tpu.memory_space<vmem>>, vector<1x16xf32>,
            %add3A_460 = arith.constant 0 : i32
            %add3A_461 = arith.addi %add3A_437, %add3A_460 : i32
            %get3A_462 = arith.index_cast %add3A_461 : i32 to index
            %get3A_463 = arith.constant 16 : index
            %get3A_464 = tpu.vector_load %arg10[%get3A_462, %get3A_463] {strides = array<i32>} : memref<128x48xf32, #tpu.memory_space<vmem>>, vector<1x16xf32>,
            %get3A_465 = vector.shape_cast %get3A_464 : vector<1x16xf32> to vector<16xf32>
            %add3A_466 = arith.constant 0 : i32
            %add3A_467 = arith.addi %add3A_437, %add3A_466 : i32
            %get3A_468 = arith.index_cast %add3A_467 : i32 to index
            %get3A_469 = arith.constant 16 : index
            %get3A_470 = tpu.vector_load %arg11[%get3A_468, %get3A_469] {strides = array<i32>} : memref<128x48xf32, #tpu.memory_space<vmem>>, vector<1x16xf32>,
            %get3A_471 = vector.shape_cast %get3A_470 : vector<1x16xf32> to vector<16xf32>
            %add3A_472 = arith.addf %get3A_465, %get3A_471 : vector<16xf32>
            %add3A_473 = arith.constant 0 : i32
            %add3A_474 = arith.addi %add3A_437, %add3A_473 : i32
            %swap3A_475 = arith.constant 0 : i32
            %swap3A_476 = arith.constant 0 : i32
            %swap3A_477 = tpu.memref_slice %run_scoped3A_22[%rem3A_294, %swap3A_475, %swap3A_476] : memref<2x128x128xf32, #tpu.memory_space<vmem>> -> memref<1x128x128xf32, #tpu.memory_space<vmem>>
            %swap3A_478 = tpu.memref_squeeze %swap3A_477 : memref<1x128x128xf32, #tpu.memory_space<vmem>> -> memref<128x128xf32, #tpu.memory_space<vmem>>
            %swap3A_479 = arith.index_cast %add3A_474 : i32 to index
            %swap3A_480 = arith.constant 16 : index
            %swap3A_481 = tpu.vector_load %swap3A_478[%swap3A_479, %swap3A_480] {strides = array<i32>} : memref<128x128xf32, #tpu.memory_space<vmem>>, vector<1x16xf32>,
            %swap3A_482 = vector.shape_cast %swap3A_481 : vector<1x16xf32> to vector<16xf32>
            %swap3A_483 = vector.shape_cast %add3A_472 : vector<16xf32> to vector<1x16xf32>
            tpu.vector_store %swap3A_478[%swap3A_479, %swap3A_480], %swap3A_483 {strides = array<i32>} : memref<128x128xf32, #tpu.memory_space<vmem>>, vector<1x16xf32>,
            %add3A_484 = arith.constant 0 : i32
            %add3A_485 = arith.addi %add3A_437, %add3A_484 : i32
            %get3A_486 = arith.index_cast %add3A_485 : i32 to index
            %get3A_487 = arith.constant 32 : index
            %get3A_488 = tpu.vector_load %arg10[%get3A_486, %get3A_487] {strides = array<i32>} : memref<128x48xf32, #tpu.memory_space<vmem>>, vector<1x16xf32>,
            %get3A_489 = vector.shape_cast %get3A_488 : vector<1x16xf32> to vector<16xf32>
            %add3A_490 = arith.constant 0 : i32
            %add3A_491 = arith.addi %add3A_437, %add3A_490 : i32
            %get3A_492 = arith.index_cast %add3A_491 : i32 to index
            %get3A_493 = arith.constant 32 : index
            %get3A_494 = tpu.vector_load %arg11[%get3A_492, %get3A_493] {strides = array<i32>} : memref<128x48xf32, #tpu.memory_space<vmem>>, vector<1x16xf32>,
            %get3A_495 = vector.shape_cast %get3A_494 : vector<1x16xf32> to vector<16xf32>
            %add3A_496 = arith.addf %get3A_489, %get3A_495 : vector<16xf32>
            %add3A_497 = arith.constant 0 : i32
            %add3A_498 = arith.addi %add3A_437, %add3A_497 : i32
            %swap3A_499 = arith.constant 0 : i32
            %swap3A_500 = arith.constant 0 : i32
            %swap3A_501 = tpu.memref_slice %run_scoped3A_22[%rem3A_294, %swap3A_499, %swap3A_500] : memref<2x128x128xf32, #tpu.memory_space<vmem>> -> memref<1x128x128xf32, #tpu.memory_space<vmem>>
            %swap3A_502 = tpu.memref_squeeze %swap3A_501 : memref<1x128x128xf32, #tpu.memory_space<vmem>> -> memref<128x128xf32, #tpu.memory_space<vmem>>
            %swap3A_503 = arith.index_cast %add3A_498 : i32 to index
            %swap3A_504 = arith.constant 32 : index
            %swap3A_505 = tpu.vector_load %swap3A_502[%swap3A_503, %swap3A_504] {strides = array<i32>} : memref<128x128xf32, #tpu.memory_space<vmem>>, vector<1x16xf32>,
            %swap3A_506 = vector.shape_cast %swap3A_505 : vector<1x16xf32> to vector<16xf32>
            %swap3A_507 = vector.shape_cast %add3A_496 : vector<16xf32> to vector<1x16xf32>
            tpu.vector_store %swap3A_502[%swap3A_503, %swap3A_504], %swap3A_507 {strides = array<i32>} : memref<128x128xf32, #tpu.memory_space<vmem>>, vector<1x16xf32>,
            %add3A_508 = arith.constant 1 : i32
            %add3A_509 = arith.addi %add3A_437, %add3A_508 : i32
            %get3A_510 = arith.index_cast %add3A_509 : i32 to index
            %get3A_511 = arith.constant 0 : index
            %get3A_512 = tpu.vector_load %arg10[%get3A_510, %get3A_511] {strides = array<i32>} : memref<128x48xf32, #tpu.memory_space<vmem>>, vector<1x16xf32>,
            %get3A_513 = vector.shape_cast %get3A_512 : vector<1x16xf32> to vector<16xf32>
            %add3A_514 = arith.constant 1 : i32
            %add3A_515 = arith.addi %add3A_437, %add3A_514 : i32
            %get3A_516 = arith.index_cast %add3A_515 : i32 to index
            %get3A_517 = arith.constant 0 : index
            %get3A_518 = tpu.vector_load %arg11[%get3A_516, %get3A_517] {strides = array<i32>} : memref<128x48xf32, #tpu.memory_space<vmem>>, vector<1x16xf32>,
            %get3A_519 = vector.shape_cast %get3A_518 : vector<1x16xf32> to vector<16xf32>
            %add3A_520 = arith.addf %get3A_513, %get3A_519 : vector<16xf32>
            %add3A_521 = arith.constant 1 : i32
            %add3A_522 = arith.addi %add3A_437, %add3A_521 : i32
            %swap3A_523 = arith.constant 0 : i32
            %swap3A_524 = arith.constant 0 : i32
            %swap3A_525 = tpu.memref_slice %run_scoped3A_22[%rem3A_294, %swap3A_523, %swap3A_524] : memref<2x128x128xf32, #tpu.memory_space<vmem>> -> memref<1x128x128xf32, #tpu.memory_space<vmem>>
            %swap3A_526 = tpu.memref_squeeze %swap3A_525 : memref<1x128x128xf32, #tpu.memory_space<vmem>> -> memref<128x128xf32, #tpu.memory_space<vmem>>
            %swap3A_527 = arith.index_cast %add3A_522 : i32 to index
            %swap3A_528 = arith.constant 0 : index
            %swap3A_529 = tpu.vector_load %swap3A_526[%swap3A_527, %swap3A_528] {strides = array<i32>} : memref<128x128xf32, #tpu.memory_space<vmem>>, vector<1x16xf32>,
            %swap3A_530 = vector.shape_cast %swap3A_529 : vector<1x16xf32> to vector<16xf32>
            %swap3A_531 = vector.shape_cast %add3A_520 : vector<16xf32> to vector<1x16xf32>
            tpu.vector_store %swap3A_526[%swap3A_527, %swap3A_528], %swap3A_531 {strides = array<i32>} : memref<128x128xf32, #tpu.memory_space<vmem>>, vector<1x16xf32>,
            %add3A_532 = arith.constant 1 : i32
            %add3A_533 = arith.addi %add3A_437, %add3A_532 : i32
            %get3A_534 = arith.index_cast %add3A_533 : i32 to index
            %get3A_535 = arith.constant 16 : index
            %get3A_536 = tpu.vector_load %arg10[%get3A_534, %get3A_535] {strides = array<i32>} : memref<128x48xf32, #tpu.memory_space<vmem>>, vector<1x16xf32>,
            %get3A_537 = vector.shape_cast %get3A_536 : vector<1x16xf32> to vector<16xf32>
            %add3A_538 = arith.constant 1 : i32
            %add3A_539 = arith.addi %add3A_437, %add3A_538 : i32
            %get3A_540 = arith.index_cast %add3A_539 : i32 to index
            %get3A_541 = arith.constant 16 : index
            %get3A_542 = tpu.vector_load %arg11[%get3A_540, %get3A_541] {strides = array<i32>} : memref<128x48xf32, #tpu.memory_space<vmem>>, vector<1x16xf32>,
            %get3A_543 = vector.shape_cast %get3A_542 : vector<1x16xf32> to vector<16xf32>
            %add3A_544 = arith.addf %get3A_537, %get3A_543 : vector<16xf32>
            %add3A_545 = arith.constant 1 : i32
            %add3A_546 = arith.addi %add3A_437, %add3A_545 : i32
            %swap3A_547 = arith.constant 0 : i32
            %swap3A_548 = arith.constant 0 : i32
            %swap3A_549 = tpu.memref_slice %run_scoped3A_22[%rem3A_294, %swap3A_547, %swap3A_548] : memref<2x128x128xf32, #tpu.memory_space<vmem>> -> memref<1x128x128xf32, #tpu.memory_space<vmem>>
            %swap3A_550 = tpu.memref_squeeze %swap3A_549 : memref<1x128x128xf32, #tpu.memory_space<vmem>> -> memref<128x128xf32, #tpu.memory_space<vmem>>
            %swap3A_551 = arith.index_cast %add3A_546 : i32 to index
            %swap3A_552 = arith.constant 16 : index
            %swap3A_553 = tpu.vector_load %swap3A_550[%swap3A_551, %swap3A_552] {strides = array<i32>} : memref<128x128xf32, #tpu.memory_space<vmem>>, vector<1x16xf32>,
            %swap3A_554 = vector.shape_cast %swap3A_553 : vector<1x16xf32> to vector<16xf32>
            %swap3A_555 = vector.shape_cast %add3A_544 : vector<16xf32> to vector<1x16xf32>
            tpu.vector_store %swap3A_550[%swap3A_551, %swap3A_552], %swap3A_555 {strides = array<i32>} : memref<128x128xf32, #tpu.memory_space<vmem>>, vector<1x16xf32>,
            %add3A_556 = arith.constant 1 : i32
            %add3A_557 = arith.addi %add3A_437, %add3A_556 : i32
            %get3A_558 = arith.index_cast %add3A_557 : i32 to index
            %get3A_559 = arith.constant 32 : index
            %get3A_560 = tpu.vector_load %arg10[%get3A_558, %get3A_559] {strides = array<i32>} : memref<128x48xf32, #tpu.memory_space<vmem>>, vector<1x16xf32>,
            %get3A_561 = vector.shape_cast %get3A_560 : vector<1x16xf32> to vector<16xf32>
            %add3A_562 = arith.constant 1 : i32
            %add3A_563 = arith.addi %add3A_437, %add3A_562 : i32
            %get3A_564 = arith.index_cast %add3A_563 : i32 to index
            %get3A_565 = arith.constant 32 : index
            %get3A_566 = tpu.vector_load %arg11[%get3A_564, %get3A_565] {strides = array<i32>} : memref<128x48xf32, #tpu.memory_space<vmem>>, vector<1x16xf32>,
            %get3A_567 = vector.shape_cast %get3A_566 : vector<1x16xf32> to vector<16xf32>
            %add3A_568 = arith.addf %get3A_561, %get3A_567 : vector<16xf32>
            %add3A_569 = arith.constant 1 : i32
            %add3A_570 = arith.addi %add3A_437, %add3A_569 : i32
            %swap3A_571 = arith.constant 0 : i32
            %swap3A_572 = arith.constant 0 : i32
            %swap3A_573 = tpu.memref_slice %run_scoped3A_22[%rem3A_294, %swap3A_571, %swap3A_572] : memref<2x128x128xf32, #tpu.memory_space<vmem>> -> memref<1x128x128xf32, #tpu.memory_space<vmem>>
            %swap3A_574 = tpu.memref_squeeze %swap3A_573 : memref<1x128x128xf32, #tpu.memory_space<vmem>> -> memref<128x128xf32, #tpu.memory_space<vmem>>
            %swap3A_575 = arith.index_cast %add3A_570 : i32 to index
            %swap3A_576 = arith.constant 32 : index
            %swap3A_577 = tpu.vector_load %swap3A_574[%swap3A_575, %swap3A_576] {strides = array<i32>} : memref<128x128xf32, #tpu.memory_space<vmem>>, vector<1x16xf32>,
            %swap3A_578 = vector.shape_cast %swap3A_577 : vector<1x16xf32> to vector<16xf32>
            %swap3A_579 = vector.shape_cast %add3A_568 : vector<16xf32> to vector<1x16xf32>
            tpu.vector_store %swap3A_574[%swap3A_575, %swap3A_576], %swap3A_579 {strides = array<i32>} : memref<128x128xf32, #tpu.memory_space<vmem>>, vector<1x16xf32>,
            %add3A_580 = arith.constant 2 : i32
            %add3A_581 = arith.addi %add3A_437, %add3A_580 : i32
            %get3A_582 = arith.index_cast %add3A_581 : i32 to index
            %get3A_583 = arith.constant 0 : index
            %get3A_584 = tpu.vector_load %arg10[%get3A_582, %get3A_583] {strides = array<i32>} : memref<128x48xf32, #tpu.memory_space<vmem>>, vector<1x16xf32>,
            %get3A_585 = vector.shape_cast %get3A_584 : vector<1x16xf32> to vector<16xf32>
            %add3A_586 = arith.constant 2 : i32
            %add3A_587 = arith.addi %add3A_437, %add3A_586 : i32
            %get3A_588 = arith.index_cast %add3A_587 : i32 to index
            %get3A_589 = arith.constant 0 : index
            %get3A_590 = tpu.vector_load %arg11[%get3A_588, %get3A_589] {strides = array<i32>} : memref<128x48xf32, #tpu.memory_space<vmem>>, vector<1x16xf32>,
            %get3A_591 = vector.shape_cast %get3A_590 : vector<1x16xf32> to vector<16xf32>
            %add3A_592 = arith.addf %get3A_585, %get3A_591 : vector<16xf32>
            %add3A_593 = arith.constant 2 : i32
            %add3A_594 = arith.addi %add3A_437, %add3A_593 : i32
            %swap3A_595 = arith.constant 0 : i32
            %swap3A_596 = arith.constant 0 : i32
            %swap3A_597 = tpu.memref_slice %run_scoped3A_22[%rem3A_294, %swap3A_595, %swap3A_596] : memref<2x128x128xf32, #tpu.memory_space<vmem>> -> memref<1x128x128xf32, #tpu.memory_space<vmem>>
            %swap3A_598 = tpu.memref_squeeze %swap3A_597 : memref<1x128x128xf32, #tpu.memory_space<vmem>> -> memref<128x128xf32, #tpu.memory_space<vmem>>
            %swap3A_599 = arith.index_cast %add3A_594 : i32 to index
            %swap3A_600 = arith.constant 0 : index
            %swap3A_601 = tpu.vector_load %swap3A_598[%swap3A_599, %swap3A_600] {strides = array<i32>} : memref<128x128xf32, #tpu.memory_space<vmem>>, vector<1x16xf32>,
            %swap3A_602 = vector.shape_cast %swap3A_601 : vector<1x16xf32> to vector<16xf32>
            %swap3A_603 = vector.shape_cast %add3A_592 : vector<16xf32> to vector<1x16xf32>
            tpu.vector_store %swap3A_598[%swap3A_599, %swap3A_600], %swap3A_603 {strides = array<i32>} : memref<128x128xf32, #tpu.memory_space<vmem>>, vector<1x16xf32>,
            %add3A_604 = arith.constant 2 : i32
            %add3A_605 = arith.addi %add3A_437, %add3A_604 : i32
            %get3A_606 = arith.index_cast %add3A_605 : i32 to index
            %get3A_607 = arith.constant 16 : index
            %get3A_608 = tpu.vector_load %arg10[%get3A_606, %get3A_607] {strides = array<i32>} : memref<128x48xf32, #tpu.memory_space<vmem>>, vector<1x16xf32>,
            %get3A_609 = vector.shape_cast %get3A_608 : vector<1x16xf32> to vector<16xf32>
            %add3A_610 = arith.constant 2 : i32
            %add3A_611 = arith.addi %add3A_437, %add3A_610 : i32
            %get3A_612 = arith.index_cast %add3A_611 : i32 to index
            %get3A_613 = arith.constant 16 : index
            %get3A_614 = tpu.vector_load %arg11[%get3A_612, %get3A_613] {strides = array<i32>} : memref<128x48xf32, #tpu.memory_space<vmem>>, vector<1x16xf32>,
            %get3A_615 = vector.shape_cast %get3A_614 : vector<1x16xf32> to vector<16xf32>
            %add3A_616 = arith.addf %get3A_609, %get3A_615 : vector<16xf32>
            %add3A_617 = arith.constant 2 : i32
            %add3A_618 = arith.addi %add3A_437, %add3A_617 : i32
            %swap3A_619 = arith.constant 0 : i32
            %swap3A_620 = arith.constant 0 : i32
            %swap3A_621 = tpu.memref_slice %run_scoped3A_22[%rem3A_294, %swap3A_619, %swap3A_620] : memref<2x128x128xf32, #tpu.memory_space<vmem>> -> memref<1x128x128xf32, #tpu.memory_space<vmem>>
            %swap3A_622 = tpu.memref_squeeze %swap3A_621 : memref<1x128x128xf32, #tpu.memory_space<vmem>> -> memref<128x128xf32, #tpu.memory_space<vmem>>
            %swap3A_623 = arith.index_cast %add3A_618 : i32 to index
            %swap3A_624 = arith.constant 16 : index
            %swap3A_625 = tpu.vector_load %swap3A_622[%swap3A_623, %swap3A_624] {strides = array<i32>} : memref<128x128xf32, #tpu.memory_space<vmem>>, vector<1x16xf32>,
            %swap3A_626 = vector.shape_cast %swap3A_625 : vector<1x16xf32> to vector<16xf32>
            %swap3A_627 = vector.shape_cast %add3A_616 : vector<16xf32> to vector<1x16xf32>
            tpu.vector_store %swap3A_622[%swap3A_623, %swap3A_624], %swap3A_627 {strides = array<i32>} : memref<128x128xf32, #tpu.memory_space<vmem>>, vector<1x16xf32>,
            %add3A_628 = arith.constant 2 : i32
            %add3A_629 = arith.addi %add3A_437, %add3A_628 : i32
            %get3A_630 = arith.index_cast %add3A_629 : i32 to index
            %get3A_631 = arith.constant 32 : index
            %get3A_632 = tpu.vector_load %arg10[%get3A_630, %get3A_631] {strides = array<i32>} : memref<128x48xf32, #tpu.memory_space<vmem>>, vector<1x16xf32>,
            %get3A_633 = vector.shape_cast %get3A_632 : vector<1x16xf32> to vector<16xf32>
            %add3A_634 = arith.constant 2 : i32
            %add3A_635 = arith.addi %add3A_437, %add3A_634 : i32
            %get3A_636 = arith.index_cast %add3A_635 : i32 to index
            %get3A_637 = arith.constant 32 : index
            %get3A_638 = tpu.vector_load %arg11[%get3A_636, %get3A_637] {strides = array<i32>} : memref<128x48xf32, #tpu.memory_space<vmem>>, vector<1x16xf32>,
            %get3A_639 = vector.shape_cast %get3A_638 : vector<1x16xf32> to vector<16xf32>
            %add3A_640 = arith.addf %get3A_633, %get3A_639 : vector<16xf32>
            %add3A_641 = arith.constant 2 : i32
            %add3A_642 = arith.addi %add3A_437, %add3A_641 : i32
            %swap3A_643 = arith.constant 0 : i32
            %swap3A_644 = arith.constant 0 : i32
            %swap3A_645 = tpu.memref_slice %run_scoped3A_22[%rem3A_294, %swap3A_643, %swap3A_644] : memref<2x128x128xf32, #tpu.memory_space<vmem>> -> memref<1x128x128xf32, #tpu.memory_space<vmem>>
            %swap3A_646 = tpu.memref_squeeze %swap3A_645 : memref<1x128x128xf32, #tpu.memory_space<vmem>> -> memref<128x128xf32, #tpu.memory_space<vmem>>
            %swap3A_647 = arith.index_cast %add3A_642 : i32 to index
            %swap3A_648 = arith.constant 32 : index
            %swap3A_649 = tpu.vector_load %swap3A_646[%swap3A_647, %swap3A_648] {strides = array<i32>} : memref<128x128xf32, #tpu.memory_space<vmem>>, vector<1x16xf32>,
            %swap3A_650 = vector.shape_cast %swap3A_649 : vector<1x16xf32> to vector<16xf32>
            %swap3A_651 = vector.shape_cast %add3A_640 : vector<16xf32> to vector<1x16xf32>
            tpu.vector_store %swap3A_646[%swap3A_647, %swap3A_648], %swap3A_651 {strides = array<i32>} : memref<128x128xf32, #tpu.memory_space<vmem>>, vector<1x16xf32>,
            %add3A_652 = arith.constant 3 : i32
            %add3A_653 = arith.addi %add3A_437, %add3A_652 : i32
            %get3A_654 = arith.index_cast %add3A_653 : i32 to index
            %get3A_655 = arith.constant 0 : index
            %get3A_656 = tpu.vector_load %arg10[%get3A_654, %get3A_655] {strides = array<i32>} : memref<128x48xf32, #tpu.memory_space<vmem>>, vector<1x16xf32>,
            %get3A_657 = vector.shape_cast %get3A_656 : vector<1x16xf32> to vector<16xf32>
            %add3A_658 = arith.constant 3 : i32
            %add3A_659 = arith.addi %add3A_437, %add3A_658 : i32
            %get3A_660 = arith.index_cast %add3A_659 : i32 to index
            %get3A_661 = arith.constant 0 : index
            %get3A_662 = tpu.vector_load %arg11[%get3A_660, %get3A_661] {strides = array<i32>} : memref<128x48xf32, #tpu.memory_space<vmem>>, vector<1x16xf32>,
            %get3A_663 = vector.shape_cast %get3A_662 : vector<1x16xf32> to vector<16xf32>
            %add3A_664 = arith.addf %get3A_657, %get3A_663 : vector<16xf32>
            %add3A_665 = arith.constant 3 : i32
            %add3A_666 = arith.addi %add3A_437, %add3A_665 : i32
            %swap3A_667 = arith.constant 0 : i32
            %swap3A_668 = arith.constant 0 : i32
            %swap3A_669 = tpu.memref_slice %run_scoped3A_22[%rem3A_294, %swap3A_667, %swap3A_668] : memref<2x128x128xf32, #tpu.memory_space<vmem>> -> memref<1x128x128xf32, #tpu.memory_space<vmem>>
            %swap3A_670 = tpu.memref_squeeze %swap3A_669 : memref<1x128x128xf32, #tpu.memory_space<vmem>> -> memref<128x128xf32, #tpu.memory_space<vmem>>
            %swap3A_671 = arith.index_cast %add3A_666 : i32 to index
            %swap3A_672 = arith.constant 0 : index
            %swap3A_673 = tpu.vector_load %swap3A_670[%swap3A_671, %swap3A_672] {strides = array<i32>} : memref<128x128xf32, #tpu.memory_space<vmem>>, vector<1x16xf32>,
            %swap3A_674 = vector.shape_cast %swap3A_673 : vector<1x16xf32> to vector<16xf32>
            %swap3A_675 = vector.shape_cast %add3A_664 : vector<16xf32> to vector<1x16xf32>
            tpu.vector_store %swap3A_670[%swap3A_671, %swap3A_672], %swap3A_675 {strides = array<i32>} : memref<128x128xf32, #tpu.memory_space<vmem>>, vector<1x16xf32>,
            %add3A_676 = arith.constant 3 : i32
            %add3A_677 = arith.addi %add3A_437, %add3A_676 : i32
            %get3A_678 = arith.index_cast %add3A_677 : i32 to index
            %get3A_679 = arith.constant 16 : index
            %get3A_680 = tpu.vector_load %arg10[%get3A_678, %get3A_679] {strides = array<i32>} : memref<128x48xf32, #tpu.memory_space<vmem>>, vector<1x16xf32>,
            %get3A_681 = vector.shape_cast %get3A_680 : vector<1x16xf32> to vector<16xf32>
            %add3A_682 = arith.constant 3 : i32
            %add3A_683 = arith.addi %add3A_437, %add3A_682 : i32
            %get3A_684 = arith.index_cast %add3A_683 : i32 to index
            %get3A_685 = arith.constant 16 : index
            %get3A_686 = tpu.vector_load %arg11[%get3A_684, %get3A_685] {strides = array<i32>} : memref<128x48xf32, #tpu.memory_space<vmem>>, vector<1x16xf32>,
            %get3A_687 = vector.shape_cast %get3A_686 : vector<1x16xf32> to vector<16xf32>
            %add3A_688 = arith.addf %get3A_681, %get3A_687 : vector<16xf32>
            %add3A_689 = arith.constant 3 : i32
            %add3A_690 = arith.addi %add3A_437, %add3A_689 : i32
            %swap3A_691 = arith.constant 0 : i32
            %swap3A_692 = arith.constant 0 : i32
            %swap3A_693 = tpu.memref_slice %run_scoped3A_22[%rem3A_294, %swap3A_691, %swap3A_692] : memref<2x128x128xf32, #tpu.memory_space<vmem>> -> memref<1x128x128xf32, #tpu.memory_space<vmem>>
            %swap3A_694 = tpu.memref_squeeze %swap3A_693 : memref<1x128x128xf32, #tpu.memory_space<vmem>> -> memref<128x128xf32, #tpu.memory_space<vmem>>
            %swap3A_695 = arith.index_cast %add3A_690 : i32 to index
            %swap3A_696 = arith.constant 16 : index
            %swap3A_697 = tpu.vector_load %swap3A_694[%swap3A_695, %swap3A_696] {strides = array<i32>} : memref<128x128xf32, #tpu.memory_space<vmem>>, vector<1x16xf32>,
            %swap3A_698 = vector.shape_cast %swap3A_697 : vector<1x16xf32> to vector<16xf32>
            %swap3A_699 = vector.shape_cast %add3A_688 : vector<16xf32> to vector<1x16xf32>
            tpu.vector_store %swap3A_694[%swap3A_695, %swap3A_696], %swap3A_699 {strides = array<i32>} : memref<128x128xf32, #tpu.memory_space<vmem>>, vector<1x16xf32>,
            %add3A_700 = arith.constant 3 : i32
            %add3A_701 = arith.addi %add3A_437, %add3A_700 : i32
            %get3A_702 = arith.index_cast %add3A_701 : i32 to index
            %get3A_703 = arith.constant 32 : index
            %get3A_704 = tpu.vector_load %arg10[%get3A_702, %get3A_703] {strides = array<i32>} : memref<128x48xf32, #tpu.memory_space<vmem>>, vector<1x16xf32>,
            %get3A_705 = vector.shape_cast %get3A_704 : vector<1x16xf32> to vector<16xf32>
            %add3A_706 = arith.constant 3 : i32
            %add3A_707 = arith.addi %add3A_437, %add3A_706 : i32
            %get3A_708 = arith.index_cast %add3A_707 : i32 to index
            %get3A_709 = arith.constant 32 : index
            %get3A_710 = tpu.vector_load %arg11[%get3A_708, %get3A_709] {strides = array<i32>} : memref<128x48xf32, #tpu.memory_space<vmem>>, vector<1x16xf32>,
            %get3A_711 = vector.shape_cast %get3A_710 : vector<1x16xf32> to vector<16xf32>
            %add3A_712 = arith.addf %get3A_705, %get3A_711 : vector<16xf32>
            %add3A_713 = arith.constant 3 : i32
            %add3A_714 = arith.addi %add3A_437, %add3A_713 : i32
            %swap3A_715 = arith.constant 0 : i32
            %swap3A_716 = arith.constant 0 : i32
            %swap3A_717 = tpu.memref_slice %run_scoped3A_22[%rem3A_294, %swap3A_715, %swap3A_716] : memref<2x128x128xf32, #tpu.memory_space<vmem>> -> memref<1x128x128xf32, #tpu.memory_space<vmem>>
            %swap3A_718 = tpu.memref_squeeze %swap3A_717 : memref<1x128x128xf32, #tpu.memory_space<vmem>> -> memref<128x128xf32, #tpu.memory_space<vmem>>
            %swap3A_719 = arith.index_cast %add3A_714 : i32 to index
            %swap3A_720 = arith.constant 32 : index
            %swap3A_721 = tpu.vector_load %swap3A_718[%swap3A_719, %swap3A_720] {strides = array<i32>} : memref<128x128xf32, #tpu.memory_space<vmem>>, vector<1x16xf32>,
            %swap3A_722 = vector.shape_cast %swap3A_721 : vector<1x16xf32> to vector<16xf32>
            %swap3A_723 = vector.shape_cast %add3A_712 : vector<16xf32> to vector<1x16xf32>
            tpu.vector_store %swap3A_718[%swap3A_719, %swap3A_720], %swap3A_723 {strides = array<i32>} : memref<128x128xf32, #tpu.memory_space<vmem>>, vector<1x16xf32>,
          }
          %scan3A_341 = arith.constant 32 : i32
          "tpu.trace_stop"() : () -> ()
          %ne3A_342 = arith.cmpi ne, %add3A_193, %add3A_211 : i32
          %or3A_343 = arith.constant false
          %or3A_344 = arith.ori %or3A_343, %ne3A_342 : i1
          %or3A_345 = arith.ori %or3A_344, %eq3A_192 : i1
          %convert_element_type3A_346 = arith.extui %or3A_345 : i1 to i32
          %cond3A_347 = arith.constant 0 : i32
          %cond3A_348 = arith.cmpi ne, %convert_element_type3A_346, %cond3A_347 : i32
          scf.if %cond3A_348 {
          } else {
          }
          %and3A_349 = arith.constant false
          %and3A_350 = arith.andi %or3A_345, %and3A_349 : i1
          %ne3A_351 = arith.cmpi ne, %add3A_193, %add3A_211 : i32
          %or3A_352 = arith.constant false
          %or3A_353 = arith.ori %or3A_352, %ne3A_351 : i1
          %or3A_354 = arith.ori %or3A_353, %eq3A_192 : i1
          %convert_element_type3A_355 = arith.extui %or3A_354 : i1 to i32
          %cond3A_356 = arith.constant 0 : i32
          %cond3A_357 = arith.cmpi ne, %convert_element_type3A_355, %cond3A_356 : i32
          scf.if %cond3A_357 {
          } else {
          }
          %and3A_358 = arith.constant false
          %and3A_359 = arith.andi %or3A_354, %and3A_358 : i1
          %ne3A_360 = arith.cmpi ne, %add3A_193, %add3A_211 : i32
          %or3A_361 = arith.constant false
          %or3A_362 = arith.ori %or3A_361, %ne3A_360 : i1
          %or3A_363 = arith.constant false
          %or3A_364 = arith.ori %or3A_362, %or3A_363 : i1
          %or3A_365 = arith.ori %or3A_364, %eq3A_192 : i1
          %convert_element_type3A_366 = arith.extui %or3A_365 : i1 to i32
          %cond3A_367 = arith.constant 0 : i32
          %cond3A_368 = arith.cmpi ne, %convert_element_type3A_366, %cond3A_367 : i32
          scf.if %cond3A_368 {
            "tpu.trace_start"() <{level = 10 : i32, message = "ep_copy_out"}> : () -> ()
            %rem3A_433 = arith.constant 2 : i32
            %rem3A_434 = arith.remui %while3A_183, %rem3A_433 : i32
            %mul3A_435 = arith.constant 128 : i32
            %mul3A_436 = arith.muli %mul3A_435, %add3A_193 : i32
            %dma_start3A_437 = arith.constant 0 : i32
            %dma_start3A_438 = arith.constant 0 : i32
            %dma_start3A_439 = tpu.memref_slice %run_scoped3A_22[%rem3A_434, %dma_start3A_437, %dma_start3A_438] : memref<2x128x128xf32, #tpu.memory_space<vmem>> -> memref<1x128x128xf32, #tpu.memory_space<vmem>>
            %dma_start3A_440 = tpu.memref_squeeze %dma_start3A_439 : memref<1x128x128xf32, #tpu.memory_space<vmem>> -> memref<128x128xf32, #tpu.memory_space<vmem>>
            %dma_start3A_441 = arith.constant 0 : i32
            %dma_start3A_442 = tpu.memref_slice %arg6[%mul3A_436, %dma_start3A_441] : memref<320000x128xf32, #tpu.memory_space<hbm>> -> memref<128x128xf32, #tpu.memory_space<hbm>>
            %dma_start3A_443 = tpu.memref_slice %run_scoped3A_23[%rem3A_434] : memref<2x!tpu.dma_semaphore, #tpu.memory_space<semaphore_mem>> -> memref<1x!tpu.dma_semaphore, #tpu.memory_space<semaphore_mem>>
            %dma_start3A_444 = tpu.memref_squeeze %dma_start3A_443 : memref<1x!tpu.dma_semaphore, #tpu.memory_space<semaphore_mem>> -> memref<!tpu.dma_semaphore, #tpu.memory_space<semaphore_mem>>
            %dma_start3A_445 = arith.constant 0 : i32
            %dma_start3A_446 = tpu.memref_slice %arg6[%mul3A_436, %dma_start3A_445] : memref<320000x128xf32, #tpu.memory_space<hbm>> -> memref<128x128xf32, #tpu.memory_space<hbm>>
            %dma_start3A_447 = arith.constant 0 : i32
            %dma_start3A_448 = arith.constant 0 : i32
            %dma_start3A_449 = tpu.memref_slice %run_scoped3A_22[%rem3A_434, %dma_start3A_447, %dma_start3A_448] : memref<2x128x128xf32, #tpu.memory_space<vmem>> -> memref<1x128x128xf32, #tpu.memory_space<vmem>>
            %dma_start3A_450 = tpu.memref_squeeze %dma_start3A_449 : memref<1x128x128xf32, #tpu.memory_space<vmem>> -> memref<128x128xf32, #tpu.memory_space<vmem>>
            tpu.enqueue_dma source(%dma_start3A_450 : memref<128x128xf32, #tpu.memory_space<vmem>>) target(%dma_start3A_446 : memref<128x128xf32, #tpu.memory_space<hbm>>) target_semaphore(%dma_start3A_444 : memref<!tpu.dma_semaphore, #tpu.memory_space<semaphore_mem>>)
            "tpu.trace_stop"() : () -> ()
          } else {
          }
          %and3A_369 = arith.constant true
          %and3A_370 = arith.andi %or3A_365, %and3A_369 : i1
          %add3A_371 = arith.constant 1 : i32
          %add3A_372 = arith.addi %while3A_183, %add3A_371 : i32
          %select_n3A_373 = arith.select %and3A_370, %add3A_372, %while3A_183 : i32
          %ne3A_374 = arith.cmpi ne, %add3A_193, %add3A_203 : i32
          %or3A_375 = arith.constant false
          %or3A_376 = arith.ori %or3A_375, %ne3A_374 : i1
          %not3A_377 = arith.constant true
          %not3A_378 = arith.xori %eq3A_189, %not3A_377 : i1
          %and3A_379 = arith.andi %or3A_376, %not3A_378 : i1
          %convert_element_type3A_380 = arith.extui %and3A_379 : i1 to i32
          %cond3A_381 = arith.constant 0 : i32
          %cond3A_382 = arith.cmpi ne, %convert_element_type3A_380, %cond3A_381 : i32
          scf.if %cond3A_382 {
          } else {
          }
          %and3A_383 = arith.constant false
          %and3A_384 = arith.andi %and3A_379, %and3A_383 : i1
          %ne3A_385 = arith.cmpi ne, %add3A_193, %add3A_203 : i32
          %or3A_386 = arith.constant false
          %or3A_387 = arith.ori %or3A_386, %ne3A_385 : i1
          %not3A_388 = arith.constant true
          %not3A_389 = arith.xori %eq3A_189, %not3A_388 : i1
          %and3A_390 = arith.andi %or3A_387, %not3A_389 : i1
          %convert_element_type3A_391 = arith.extui %and3A_390 : i1 to i32
          %cond3A_392 = arith.constant 0 : i32
          %cond3A_393 = arith.cmpi ne, %convert_element_type3A_391, %cond3A_392 : i32
          scf.if %cond3A_393 {
          } else {
          }
          %and3A_394 = arith.constant false
          %and3A_395 = arith.andi %and3A_390, %and3A_394 : i1
          %ne3A_396 = arith.cmpi ne, %add3A_193, %add3A_203 : i32
          %or3A_397 = arith.constant false
          %or3A_398 = arith.ori %or3A_397, %ne3A_396 : i1
          %or3A_399 = arith.constant false
          %or3A_400 = arith.ori %or3A_398, %or3A_399 : i1
          %not3A_401 = arith.constant true
          %not3A_402 = arith.xori %eq3A_189, %not3A_401 : i1
          %and3A_403 = arith.andi %or3A_400, %not3A_402 : i1
          %convert_element_type3A_404 = arith.extui %and3A_403 : i1 to i32
          %cond3A_405 = arith.constant 0 : i32
          %cond3A_406 = arith.cmpi ne, %convert_element_type3A_404, %cond3A_405 : i32
          scf.if %cond3A_406 {
            "tpu.trace_start"() <{level = 10 : i32, message = "ep_wait_out"}> : () -> ()
            %rem3A_433 = arith.constant 2 : i32
            %rem3A_434 = arith.remui %while3A_184, %rem3A_433 : i32
            %mul3A_435 = arith.constant 128 : i32
            %mul3A_436 = arith.muli %mul3A_435, %add3A_203 : i32
            %dma_wait3A_437 = arith.constant 0 : i32
            %dma_wait3A_438 = arith.constant 0 : i32
            %dma_wait3A_439 = tpu.memref_slice %run_scoped3A_22[%rem3A_434, %dma_wait3A_437, %dma_wait3A_438] : memref<2x128x128xf32, #tpu.memory_space<vmem>> -> memref<1x128x128xf32, #tpu.memory_space<vmem>>
            %dma_wait3A_440 = tpu.memref_squeeze %dma_wait3A_439 : memref<1x128x128xf32, #tpu.memory_space<vmem>> -> memref<128x128xf32, #tpu.memory_space<vmem>>
            %dma_wait3A_441 = arith.constant 0 : i32
            %dma_wait3A_442 = tpu.memref_slice %arg6[%mul3A_436, %dma_wait3A_441] : memref<320000x128xf32, #tpu.memory_space<hbm>> -> memref<128x128xf32, #tpu.memory_space<hbm>>
            %dma_wait3A_443 = tpu.memref_slice %run_scoped3A_23[%rem3A_434] : memref<2x!tpu.dma_semaphore, #tpu.memory_space<semaphore_mem>> -> memref<1x!tpu.dma_semaphore, #tpu.memory_space<semaphore_mem>>
            %dma_wait3A_444 = tpu.memref_squeeze %dma_wait3A_443 : memref<1x!tpu.dma_semaphore, #tpu.memory_space<semaphore_mem>> -> memref<!tpu.dma_semaphore, #tpu.memory_space<semaphore_mem>>
            %dma_wait3A_445 = arith.constant 0 : i32
            %dma_wait3A_446 = tpu.memref_slice %arg6[%mul3A_436, %dma_wait3A_445] : memref<320000x128xf32, #tpu.memory_space<hbm>> -> memref<128x128xf32, #tpu.memory_space<hbm>>
            %dma_wait3A_447 = arith.constant 0 : i32
            %dma_wait3A_448 = arith.constant 0 : i32
            %dma_wait3A_449 = tpu.memref_slice %run_scoped3A_22[%rem3A_434, %dma_wait3A_447, %dma_wait3A_448] : memref<2x128x128xf32, #tpu.memory_space<vmem>> -> memref<1x128x128xf32, #tpu.memory_space<vmem>>
            %dma_wait3A_450 = tpu.memref_squeeze %dma_wait3A_449 : memref<1x128x128xf32, #tpu.memory_space<vmem>> -> memref<128x128xf32, #tpu.memory_space<vmem>>
            tpu.wait_dma2 semaphore(%dma_wait3A_444 : memref<!tpu.dma_semaphore, #tpu.memory_space<semaphore_mem>>) src(%dma_wait3A_450 : memref<128x128xf32, #tpu.memory_space<vmem>>) dst(%dma_wait3A_446 : memref<128x128xf32, #tpu.memory_space<hbm>>)
            "tpu.trace_stop"() : () -> ()
          } else {
          }
          %and3A_407 = arith.constant true
          %and3A_408 = arith.andi %and3A_403, %and3A_407 : i1
          %add3A_409 = arith.constant 1 : i32
          %add3A_410 = arith.addi %while3A_184, %add3A_409 : i32
          %select_n3A_411 = arith.select %and3A_408, %add3A_410, %while3A_184 : i32
          %ne3A_412 = arith.cmpi ne, %add3A_193, %add3A_211 : i32
          %or3A_413 = arith.constant false
          %or3A_414 = arith.ori %or3A_413, %ne3A_412 : i1
          %or3A_415 = arith.ori %or3A_414, %eq3A_192 : i1
          %add3A_416 = arith.constant 1 : i32
          %add3A_417 = arith.addi %while3A_180, %add3A_416 : i32
          %select_n3A_418 = arith.select %or3A_415, %add3A_417, %while3A_180 : i32
          %ne3A_419 = arith.cmpi ne, %add3A_193, %add3A_211 : i32
          %or3A_420 = arith.constant false
          %or3A_421 = arith.ori %or3A_420, %ne3A_419 : i1
          %or3A_422 = arith.ori %or3A_421, %eq3A_192 : i1
          %add3A_423 = arith.constant 1 : i32
          %add3A_424 = arith.addi %while3A_182, %add3A_423 : i32
          %select_n3A_425 = arith.select %or3A_422, %add3A_424, %while3A_182 : i32
          %add3A_426 = arith.constant 1 : i32
          %add3A_427 = arith.addi %while3A_185, %add3A_426 : i32
          %select_n3A_428 = arith.constant true
          %select_n3A_429 = arith.select %select_n3A_428, %add3A_427, %while3A_185 : i32
          %eq3A_430 = arith.cmpi eq, %select_n3A_429, %select_n3A : i32
          %select_n3A_431 = arith.constant 0 : i32
          %select_n3A_432 = arith.select %eq3A_430, %select_n3A_431, %select_n3A_429 : i32
          scf.yield %select_n3A_233, %select_n3A_418, %select_n3A_252, %select_n3A_425, %select_n3A_373, %select_n3A_411, %select_n3A_432 : i32, i32, i32, i32, i32, i32, i32
        }
        %sub3A_124 = arith.constant 1 : i32
        %sub3A_125 = arith.subi %while3A_123#6, %sub3A_124 : i32
        %select_n3A_126 = arith.constant true
        %select_n3A_127 = arith.select %select_n3A_126, %sub3A_125, %while3A_123#6 : i32
        %eq3A_128 = arith.constant -1 : i32
        %eq3A_129 = arith.cmpi eq, %select_n3A_127, %eq3A_128 : i32
        %sub3A_130 = arith.constant 1 : i32
        %sub3A_131 = arith.subi %select_n3A, %sub3A_130 : i32
        %select_n3A_132 = arith.select %eq3A_129, %sub3A_131, %select_n3A_127 : i32
        %sub3A_133 = arith.constant 1 : i32
        %sub3A_134 = arith.subi %mul3A_18, %sub3A_133 : i32
        %mul3A_135 = arith.constant 1 : i32
        %mul3A_136 = arith.muli %mul3A_135, %select_n3A : i32
        %eq3A_137 = arith.constant 0 : i32
        %eq3A_138 = arith.cmpi eq, %sub3A_134, %eq3A_137 : i32
        %sub3A_139 = arith.constant 1 : i32
        %sub3A_140 = arith.subi %mul3A_136, %sub3A_139 : i32
        %eq3A_141 = arith.cmpi eq, %sub3A_134, %sub3A_140 : i32
        %add3A_142 = arith.addi %select_n3A_132, %select_n3A_16 : i32
        %sub3A_143 = arith.constant 1 : i32
        %sub3A_144 = arith.subi %select_n3A_132, %sub3A_143 : i32
        %select_n3A_145 = arith.constant true
        %select_n3A_146 = arith.select %select_n3A_145, %sub3A_144, %select_n3A_132 : i32
        %eq3A_147 = arith.constant -1 : i32
        %eq3A_148 = arith.cmpi eq, %select_n3A_146, %eq3A_147 : i32
        %sub3A_149 = arith.constant 1 : i32
        %sub3A_150 = arith.subi %select_n3A, %sub3A_149 : i32
        %select_n3A_151 = arith.select %eq3A_148, %sub3A_150, %select_n3A_146 : i32
        %add3A_152 = arith.addi %select_n3A_151, %select_n3A_16 : i32
        %add3A_153 = arith.constant 1 : i32
        %add3A_154 = arith.addi %select_n3A_132, %add3A_153 : i32
        %select_n3A_155 = arith.constant true
        %select_n3A_156 = arith.select %select_n3A_155, %add3A_154, %select_n3A_132 : i32
        %eq3A_157 = arith.cmpi eq, %select_n3A_156, %select_n3A : i32
        %select_n3A_158 = arith.constant 0 : i32
        %select_n3A_159 = arith.select %eq3A_157, %select_n3A_158, %select_n3A_156 : i32
        %add3A_160 = arith.addi %select_n3A_159, %select_n3A_16 : i32
        %add3A_161 = arith.constant 1 : i32
        %add3A_162 = arith.addi %select_n3A_159, %add3A_161 : i32
        %select_n3A_163 = arith.constant true
        %select_n3A_164 = arith.select %select_n3A_163, %add3A_162, %select_n3A_159 : i32
        %eq3A_165 = arith.cmpi eq, %select_n3A_164, %select_n3A : i32
        %select_n3A_166 = arith.constant 0 : i32
        %select_n3A_167 = arith.select %eq3A_165, %select_n3A_166, %select_n3A_164 : i32
        %add3A_168 = arith.addi %select_n3A_167, %select_n3A_16 : i32
        %convert_element_type3A_169 = arith.extui %eq3A_141 : i1 to i32
        %cond3A_170 = arith.constant 0 : i32
        %cond3A_171 = arith.cmpi ne, %convert_element_type3A_169, %cond3A_170 : i32
        scf.if %cond3A_171 {
        } else {
        }
        %convert_element_type3A_172 = arith.extui %eq3A_141 : i1 to i32
        %cond3A_173 = arith.constant 0 : i32
        %cond3A_174 = arith.cmpi ne, %convert_element_type3A_172, %cond3A_173 : i32
        scf.if %cond3A_174 {
        } else {
        }
        %convert_element_type3A_175 = arith.extui %eq3A_141 : i1 to i32
        %cond3A_176 = arith.constant 0 : i32
        %cond3A_177 = arith.cmpi ne, %convert_element_type3A_175, %cond3A_176 : i32
        scf.if %cond3A_177 {
          "tpu.trace_start"() <{level = 10 : i32, message = "ep_finalize"}> : () -> ()
          %rem3A_178 = arith.constant 2 : i32
          %rem3A_179 = arith.remui %while3A_123#5, %rem3A_178 : i32
          %mul3A_180 = arith.constant 128 : i32
          %mul3A_181 = arith.muli %mul3A_180, %add3A_142 : i32
          %dma_wait3A = arith.constant 0 : i32
          %dma_wait3A_182 = arith.constant 0 : i32
          %dma_wait3A_183 = tpu.memref_slice %run_scoped3A_22[%rem3A_179, %dma_wait3A, %dma_wait3A_182] : memref<2x128x128xf32, #tpu.memory_space<vmem>> -> memref<1x128x128xf32, #tpu.memory_space<vmem>>
          %dma_wait3A_184 = tpu.memref_squeeze %dma_wait3A_183 : memref<1x128x128xf32, #tpu.memory_space<vmem>> -> memref<128x128xf32, #tpu.memory_space<vmem>>
          %dma_wait3A_185 = arith.constant 0 : i32
          %dma_wait3A_186 = tpu.memref_slice %arg6[%mul3A_181, %dma_wait3A_185] : memref<320000x128xf32, #tpu.memory_space<hbm>> -> memref<128x128xf32, #tpu.memory_space<hbm>>
          %dma_wait3A_187 = tpu.memref_slice %run_scoped3A_23[%rem3A_179] : memref<2x!tpu.dma_semaphore, #tpu.memory_space<semaphore_mem>> -> memref<1x!tpu.dma_semaphore, #tpu.memory_space<semaphore_mem>>
          %dma_wait3A_188 = tpu.memref_squeeze %dma_wait3A_187 : memref<1x!tpu.dma_semaphore, #tpu.memory_space<semaphore_mem>> -> memref<!tpu.dma_semaphore, #tpu.memory_space<semaphore_mem>>
          %dma_wait3A_189 = arith.constant 0 : i32
          %dma_wait3A_190 = tpu.memref_slice %arg6[%mul3A_181, %dma_wait3A_189] : memref<320000x128xf32, #tpu.memory_space<hbm>> -> memref<128x128xf32, #tpu.memory_space<hbm>>
          %dma_wait3A_191 = arith.constant 0 : i32
          %dma_wait3A_192 = arith.constant 0 : i32
          %dma_wait3A_193 = tpu.memref_slice %run_scoped3A_22[%rem3A_179, %dma_wait3A_191, %dma_wait3A_192] : memref<2x128x128xf32, #tpu.memory_space<vmem>> -> memref<1x128x128xf32, #tpu.memory_space<vmem>>
          %dma_wait3A_194 = tpu.memref_squeeze %dma_wait3A_193 : memref<1x128x128xf32, #tpu.memory_space<vmem>> -> memref<128x128xf32, #tpu.memory_space<vmem>>
          tpu.wait_dma2 semaphore(%dma_wait3A_188 : memref<!tpu.dma_semaphore, #tpu.memory_space<semaphore_mem>>) src(%dma_wait3A_194 : memref<128x128xf32, #tpu.memory_space<vmem>>) dst(%dma_wait3A_190 : memref<128x128xf32, #tpu.memory_space<hbm>>)
          "tpu.trace_stop"() : () -> ()
        } else {
        }
      } else {
      }
      tpu.yield
    }) : () -> ()
    return
  }
}

module attributes {stable_mosaic.version = 14 : i64} {
  func.func @_table_body(%arg0: i32, %arg1: memref<6000x128xf32, #tpu.memory_space<vmem>>, %arg2: memref<1x128xf32, #tpu.memory_space<vmem>>, %arg3: memref<128x48xf32, #tpu.memory_space<vmem>>, %arg4: memref<1000x48xf32, #tpu.memory_space<vmem>>) attributes {dimension_semantics = [#tpu.dimension_semantics<parallel>], iteration_bounds = array<i64: 10>, scalar_prefetch = 0 : i64, scratch_operands = 0 : i64, tpu.core_type = #tpu.core_type<tc>, window_params = [{transform_indices = @transform_0, window_bounds = array<i64: 6000, 128>}, {pipeline_mode = #tpu.pipeline_mode<synchronous>, transform_indices = @transform_1, window_bounds = array<i64: 1, 128>}, {pipeline_mode = #tpu.pipeline_mode<synchronous>, transform_indices = @transform_2, window_bounds = array<i64: 128, 48>}, {transform_indices = @transform_3, window_bounds = array<i64: 1000, 48>}]} {
    %get3A = arith.constant 0 : index
    %get3A_0 = arith.constant 0 : index
    %get3A_1 = vector.load %arg1[%get3A, %get3A_0] : memref<6000x128xf32, #tpu.memory_space<vmem>>, vector<6000x128xf32>
    %reshape3A = vector.shape_cast %get3A_1 : vector<6000x128xf32> to vector<1000x6x128xf32>
    %reduce_sum3A = arith.constant dense<0.000000e+00> : vector<1000x128xf32>
    %reduce_sum3A_2 = vector.multi_reduction <add>, %reshape3A, %reduce_sum3A [1] : vector<1000x6x128xf32> to vector<1000x128xf32>
    %div3A = arith.constant 6.000000e+00 : f32
    %div3A_3 = vector.broadcast %div3A : f32 to vector<1000x128xf32>
    %div3A_4 = arith.divf %reduce_sum3A_2, %div3A_3 : vector<1000x128xf32>
    %reduce_sum3A_5 = arith.constant dense<0.000000e+00> : vector<1000xf32>
    %reduce_sum3A_6 = vector.multi_reduction <add>, %div3A_4, %reduce_sum3A_5 [1] : vector<1000x128xf32> to vector<1000xf32>
    %broadcast_in_dim3A = vector.shape_cast %reduce_sum3A_6 : vector<1000xf32> to vector<1000x1xf32>
    %mul3A = arith.mulf %div3A_4, %div3A_4 : vector<1000x128xf32>
    %reduce_sum3A_7 = arith.constant dense<0.000000e+00> : vector<1000xf32>
    %reduce_sum3A_8 = vector.multi_reduction <add>, %mul3A, %reduce_sum3A_7 [1] : vector<1000x128xf32> to vector<1000xf32>
    %broadcast_in_dim3A_9 = vector.shape_cast %reduce_sum3A_8 : vector<1000xf32> to vector<1000x1xf32>
    %get3A_10 = arith.constant 0 : index
    %get3A_11 = arith.constant 0 : index
    %get3A_12 = vector.load %arg2[%get3A_10, %get3A_11] : memref<1x128xf32, #tpu.memory_space<vmem>>, vector<1x128xf32>
    %mul3A_13 = vector.broadcast %get3A_12 : vector<1x128xf32> to vector<1000x128xf32>
    %mul3A_14 = arith.mulf %div3A_4, %mul3A_13 : vector<1000x128xf32>
    %get3A_15 = arith.constant 0 : index
    %get3A_16 = arith.constant 0 : index
    %get3A_17 = vector.load %arg3[%get3A_15, %get3A_16] : memref<128x48xf32, #tpu.memory_space<vmem>>, vector<128x48xf32>
    %dot_general3A = arith.constant dense<0.000000e+00> : vector<1000x48xf32>
    %dot_general3A_18 = tpu.matmul %mul3A_14, %get3A_17, %dot_general3A {dimension_numbers = #tpu.dot_dimension_numbers<[1], [0], [0], [1], [0, 0, 1, 1], [], []>, transpose_lhs_hint = false} : vector<1000x128xf32>, vector<128x48xf32>, vector<1000x48xf32> -> vector<1000x48xf32>
    %iota3A = tpu.iota {dimensions = array<i32: 1>} : vector<1x48xi32>
    %eq3A = arith.constant 32 : i32
    %eq3A_19 = vector.broadcast %eq3A : i32 to vector<1x48xi32>
    %eq3A_20 = arith.cmpi eq, %iota3A, %eq3A_19 : vector<1x48xi32>
    %jit3A = arith.constant 0.000000e+00 : f32
    %broadcast_in_dim3A_21 = vector.shape_cast %eq3A_20 : vector<1x48xi1> to vector<1x48xi1>
    %broadcast_in_dim3A_22 = vector.broadcast %broadcast_in_dim3A_21 : vector<1x48xi1> to vector<1000x48xi1>
    %broadcast_in_dim3A_23 = vector.shape_cast %broadcast_in_dim3A : vector<1000x1xf32> to vector<1000x1xf32>
    %broadcast_in_dim3A_24 = vector.broadcast %broadcast_in_dim3A_23 : vector<1000x1xf32> to vector<1000x48xf32>
    %broadcast_in_dim3A_25 = vector.broadcast %jit3A : f32 to vector<1000x48xf32>
    %select_n3A = arith.select %broadcast_in_dim3A_22, %broadcast_in_dim3A_24, %broadcast_in_dim3A_25 : vector<1000x48xi1>, vector<1000x48xf32>
    %add3A = arith.addf %dot_general3A_18, %select_n3A : vector<1000x48xf32>
    %eq3A_26 = arith.constant 33 : i32
    %eq3A_27 = vector.broadcast %eq3A_26 : i32 to vector<1x48xi32>
    %eq3A_28 = arith.cmpi eq, %iota3A, %eq3A_27 : vector<1x48xi32>
    %jit3A_29 = arith.constant 0.000000e+00 : f32
    %broadcast_in_dim3A_30 = vector.shape_cast %eq3A_28 : vector<1x48xi1> to vector<1x48xi1>
    %broadcast_in_dim3A_31 = vector.broadcast %broadcast_in_dim3A_30 : vector<1x48xi1> to vector<1000x48xi1>
    %broadcast_in_dim3A_32 = vector.shape_cast %broadcast_in_dim3A_9 : vector<1000x1xf32> to vector<1000x1xf32>
    %broadcast_in_dim3A_33 = vector.broadcast %broadcast_in_dim3A_32 : vector<1000x1xf32> to vector<1000x48xf32>
    %broadcast_in_dim3A_34 = vector.broadcast %jit3A_29 : f32 to vector<1000x48xf32>
    %select_n3A_35 = arith.select %broadcast_in_dim3A_31, %broadcast_in_dim3A_33, %broadcast_in_dim3A_34 : vector<1000x48xi1>, vector<1000x48xf32>
    %add3A_36 = arith.addf %add3A, %select_n3A_35 : vector<1000x48xf32>
    %swap3A = arith.constant 0 : index
    %swap3A_37 = arith.constant 0 : index
    %swap3A_38 = vector.load %arg4[%swap3A, %swap3A_37] : memref<1000x48xf32, #tpu.memory_space<vmem>>, vector<1000x48xf32>
    tpu.vector_store %arg4[%swap3A, %swap3A_37], %add3A_36 {strides = array<i32>} : memref<1000x48xf32, #tpu.memory_space<vmem>>, vector<1000x48xf32>,
    return
  }
  func.func @transform_0(%arg0: i32) -> (i32, i32) {
    %c0_i32 = arith.constant 0 : i32
    %c0_i32_0 = arith.constant 0 : i32
    return %arg0, %c0_i32 : i32, i32
  }
  func.func @transform_1(%arg0: i32) -> (i32, i32) {
    %c0_i32 = arith.constant 0 : i32
    %c0_i32_0 = arith.constant 0 : i32
    %c0_i32_1 = arith.constant 0 : i32
    return %c0_i32, %c0_i32_0 : i32, i32
  }
  func.func @transform_2(%arg0: i32) -> (i32, i32) {
    %c0_i32 = arith.constant 0 : i32
    %c0_i32_0 = arith.constant 0 : i32
    %c0_i32_1 = arith.constant 0 : i32
    return %c0_i32, %c0_i32_0 : i32, i32
  }
  func.func @transform_3(%arg0: i32) -> (i32, i32) {
    %c0_i32 = arith.constant 0 : i32
    %c0_i32_0 = arith.constant 0 : i32
    return %arg0, %c0_i32 : i32, i32
  }
}

module attributes {stable_mosaic.version = 14 : i64} {
  func.func @_table_body(%arg0: i32, %arg1: memref<6000x128xf32, #tpu.memory_space<vmem>>, %arg2: memref<1x128xf32, #tpu.memory_space<vmem>>, %arg3: memref<128x48xf32, #tpu.memory_space<vmem>>, %arg4: memref<1000x48xf32, #tpu.memory_space<vmem>>) attributes {dimension_semantics = [#tpu.dimension_semantics<parallel>], iteration_bounds = array<i64: 5>, scalar_prefetch = 0 : i64, scratch_operands = 0 : i64, tpu.core_type = #tpu.core_type<tc>, window_params = [{transform_indices = @transform_0, window_bounds = array<i64: 6000, 128>}, {pipeline_mode = #tpu.pipeline_mode<synchronous>, transform_indices = @transform_1, window_bounds = array<i64: 1, 128>}, {pipeline_mode = #tpu.pipeline_mode<synchronous>, transform_indices = @transform_2, window_bounds = array<i64: 128, 48>}, {transform_indices = @transform_3, window_bounds = array<i64: 1000, 48>}]} {
    %get3A = arith.constant 0 : index
    %get3A_0 = arith.constant 0 : index
    %get3A_1 = vector.load %arg1[%get3A, %get3A_0] : memref<6000x128xf32, #tpu.memory_space<vmem>>, vector<6000x128xf32>
    %reshape3A = vector.shape_cast %get3A_1 : vector<6000x128xf32> to vector<1000x6x128xf32>
    %reduce_sum3A = arith.constant dense<0.000000e+00> : vector<1000x128xf32>
    %reduce_sum3A_2 = vector.multi_reduction <add>, %reshape3A, %reduce_sum3A [1] : vector<1000x6x128xf32> to vector<1000x128xf32>
    %div3A = arith.constant 6.000000e+00 : f32
    %div3A_3 = vector.broadcast %div3A : f32 to vector<1000x128xf32>
    %div3A_4 = arith.divf %reduce_sum3A_2, %div3A_3 : vector<1000x128xf32>
    %reduce_sum3A_5 = arith.constant dense<0.000000e+00> : vector<1000xf32>
    %reduce_sum3A_6 = vector.multi_reduction <add>, %div3A_4, %reduce_sum3A_5 [1] : vector<1000x128xf32> to vector<1000xf32>
    %broadcast_in_dim3A = vector.shape_cast %reduce_sum3A_6 : vector<1000xf32> to vector<1000x1xf32>
    %mul3A = arith.mulf %div3A_4, %div3A_4 : vector<1000x128xf32>
    %reduce_sum3A_7 = arith.constant dense<0.000000e+00> : vector<1000xf32>
    %reduce_sum3A_8 = vector.multi_reduction <add>, %mul3A, %reduce_sum3A_7 [1] : vector<1000x128xf32> to vector<1000xf32>
    %broadcast_in_dim3A_9 = vector.shape_cast %reduce_sum3A_8 : vector<1000xf32> to vector<1000x1xf32>
    %get3A_10 = arith.constant 0 : index
    %get3A_11 = arith.constant 0 : index
    %get3A_12 = vector.load %arg2[%get3A_10, %get3A_11] : memref<1x128xf32, #tpu.memory_space<vmem>>, vector<1x128xf32>
    %mul3A_13 = vector.broadcast %get3A_12 : vector<1x128xf32> to vector<1000x128xf32>
    %mul3A_14 = arith.mulf %div3A_4, %mul3A_13 : vector<1000x128xf32>
    %get3A_15 = arith.constant 0 : index
    %get3A_16 = arith.constant 0 : index
    %get3A_17 = vector.load %arg3[%get3A_15, %get3A_16] : memref<128x48xf32, #tpu.memory_space<vmem>>, vector<128x48xf32>
    %dot_general3A = arith.constant dense<0.000000e+00> : vector<1000x48xf32>
    %dot_general3A_18 = tpu.matmul %mul3A_14, %get3A_17, %dot_general3A {dimension_numbers = #tpu.dot_dimension_numbers<[1], [0], [0], [1], [0, 0, 1, 1], [], []>, transpose_lhs_hint = false} : vector<1000x128xf32>, vector<128x48xf32>, vector<1000x48xf32> -> vector<1000x48xf32>
    %iota3A = tpu.iota {dimensions = array<i32: 1>} : vector<1x48xi32>
    %eq3A = arith.constant 32 : i32
    %eq3A_19 = vector.broadcast %eq3A : i32 to vector<1x48xi32>
    %eq3A_20 = arith.cmpi eq, %iota3A, %eq3A_19 : vector<1x48xi32>
    %jit3A = arith.constant 0.000000e+00 : f32
    %broadcast_in_dim3A_21 = vector.shape_cast %eq3A_20 : vector<1x48xi1> to vector<1x48xi1>
    %broadcast_in_dim3A_22 = vector.broadcast %broadcast_in_dim3A_21 : vector<1x48xi1> to vector<1000x48xi1>
    %broadcast_in_dim3A_23 = vector.shape_cast %broadcast_in_dim3A : vector<1000x1xf32> to vector<1000x1xf32>
    %broadcast_in_dim3A_24 = vector.broadcast %broadcast_in_dim3A_23 : vector<1000x1xf32> to vector<1000x48xf32>
    %broadcast_in_dim3A_25 = vector.broadcast %jit3A : f32 to vector<1000x48xf32>
    %select_n3A = arith.select %broadcast_in_dim3A_22, %broadcast_in_dim3A_24, %broadcast_in_dim3A_25 : vector<1000x48xi1>, vector<1000x48xf32>
    %add3A = arith.addf %dot_general3A_18, %select_n3A : vector<1000x48xf32>
    %eq3A_26 = arith.constant 33 : i32
    %eq3A_27 = vector.broadcast %eq3A_26 : i32 to vector<1x48xi32>
    %eq3A_28 = arith.cmpi eq, %iota3A, %eq3A_27 : vector<1x48xi32>
    %jit3A_29 = arith.constant 0.000000e+00 : f32
    %broadcast_in_dim3A_30 = vector.shape_cast %eq3A_28 : vector<1x48xi1> to vector<1x48xi1>
    %broadcast_in_dim3A_31 = vector.broadcast %broadcast_in_dim3A_30 : vector<1x48xi1> to vector<1000x48xi1>
    %broadcast_in_dim3A_32 = vector.shape_cast %broadcast_in_dim3A_9 : vector<1000x1xf32> to vector<1000x1xf32>
    %broadcast_in_dim3A_33 = vector.broadcast %broadcast_in_dim3A_32 : vector<1000x1xf32> to vector<1000x48xf32>
    %broadcast_in_dim3A_34 = vector.broadcast %jit3A_29 : f32 to vector<1000x48xf32>
    %select_n3A_35 = arith.select %broadcast_in_dim3A_31, %broadcast_in_dim3A_33, %broadcast_in_dim3A_34 : vector<1000x48xi1>, vector<1000x48xf32>
    %add3A_36 = arith.addf %add3A, %select_n3A_35 : vector<1000x48xf32>
    %swap3A = arith.constant 0 : index
    %swap3A_37 = arith.constant 0 : index
    %swap3A_38 = vector.load %arg4[%swap3A, %swap3A_37] : memref<1000x48xf32, #tpu.memory_space<vmem>>, vector<1000x48xf32>
    tpu.vector_store %arg4[%swap3A, %swap3A_37], %add3A_36 {strides = array<i32>} : memref<1000x48xf32, #tpu.memory_space<vmem>>, vector<1000x48xf32>,
    return
  }
  func.func @transform_0(%arg0: i32) -> (i32, i32) {
    %c0_i32 = arith.constant 0 : i32
    %c0_i32_0 = arith.constant 0 : i32
    return %arg0, %c0_i32 : i32, i32
  }
  func.func @transform_1(%arg0: i32) -> (i32, i32) {
    %c0_i32 = arith.constant 0 : i32
    %c0_i32_0 = arith.constant 0 : i32
    %c0_i32_1 = arith.constant 0 : i32
    return %c0_i32, %c0_i32_0 : i32, i32
  }
  func.func @transform_2(%arg0: i32) -> (i32, i32) {
    %c0_i32 = arith.constant 0 : i32
    %c0_i32_0 = arith.constant 0 : i32
    %c0_i32_1 = arith.constant 0 : i32
    return %c0_i32, %c0_i32_0 : i32, i32
  }
  func.func @transform_3(%arg0: i32) -> (i32, i32) {
    %c0_i32 = arith.constant 0 : i32
    %c0_i32_0 = arith.constant 0 : i32
    return %arg0, %c0_i32 : i32, i32
  }
}

module attributes {stable_mosaic.version = 14 : i64} {
  func.func @_idx_body(%arg0: i32, %arg1: memref<10x1x256xi32, #tpu.memory_space<vmem>>, %arg2: memref<10x1x256xi32, #tpu.memory_space<vmem>>, %arg3: memref<1440x128xi32, #tpu.memory_space<vmem>>) attributes {dimension_semantics = [#tpu.dimension_semantics<parallel>], iteration_bounds = array<i64: 125>, scalar_prefetch = 0 : i64, scratch_operands = 0 : i64, tpu.core_type = #tpu.core_type<tc>, window_params = [{transform_indices = @transform_0, window_bounds = array<i64: 10, 1, 256>}, {transform_indices = @transform_1, window_bounds = array<i64: 10, 1, 256>}, {transform_indices = @transform_2, window_bounds = array<i64: 1440, 128>}]} {
    %iota3A = tpu.iota {dimensions = array<i32: 0>} : vector<144x128xi32>
    %iota3A_0 = tpu.iota {dimensions = array<i32: 1>} : vector<144x128xi32>
    %shift_right_arithmetic3A = arith.constant 1 : i32
    %shift_right_arithmetic3A_1 = vector.broadcast %shift_right_arithmetic3A : i32 to vector<144x128xi32>
    %shift_right_arithmetic3A_2 = arith.shrsi %iota3A, %shift_right_arithmetic3A_1 : vector<144x128xi32>
    %and3A = arith.constant 1 : i32
    %and3A_3 = vector.broadcast %and3A : i32 to vector<144x128xi32>
    %and3A_4 = arith.andi %iota3A, %and3A_3 : vector<144x128xi32>
    %eq3A = arith.constant 0 : i32
    %eq3A_5 = vector.broadcast %eq3A : i32 to vector<144x128xi32>
    %eq3A_6 = arith.cmpi eq, %and3A_4, %eq3A_5 : vector<144x128xi32>
    %mul3A = arith.constant 128 : i32
    %mul3A_7 = vector.broadcast %mul3A : i32 to vector<144x128xi32>
    %mul3A_8 = arith.muli %mul3A_7, %shift_right_arithmetic3A_2 : vector<144x128xi32>
    %add3A = arith.addi %mul3A_8, %iota3A_0 : vector<144x128xi32>
    %mul3A_9 = arith.constant 58255 : i32
    %mul3A_10 = vector.broadcast %mul3A_9 : i32 to vector<144x128xi32>
    %mul3A_11 = arith.muli %add3A, %mul3A_10 : vector<144x128xi32>
    %shift_right_arithmetic3A_12 = arith.constant 21 : i32
    %shift_right_arithmetic3A_13 = vector.broadcast %shift_right_arithmetic3A_12 : i32 to vector<144x128xi32>
    %shift_right_arithmetic3A_14 = arith.shrsi %mul3A_11, %shift_right_arithmetic3A_13 : vector<144x128xi32>
    %mul3A_15 = arith.constant 36 : i32
    %mul3A_16 = vector.broadcast %mul3A_15 : i32 to vector<144x128xi32>
    %mul3A_17 = arith.muli %mul3A_16, %shift_right_arithmetic3A_14 : vector<144x128xi32>
    %sub3A = arith.subi %add3A, %mul3A_17 : vector<144x128xi32>
    %mul3A_18 = arith.constant 43691 : i32
    %mul3A_19 = vector.broadcast %mul3A_18 : i32 to vector<144x128xi32>
    %mul3A_20 = arith.muli %sub3A, %mul3A_19 : vector<144x128xi32>
    %shift_right_arithmetic3A_21 = arith.constant 18 : i32
    %shift_right_arithmetic3A_22 = vector.broadcast %shift_right_arithmetic3A_21 : i32 to vector<144x128xi32>
    %shift_right_arithmetic3A_23 = arith.shrsi %mul3A_20, %shift_right_arithmetic3A_22 : vector<144x128xi32>
    %mul3A_24 = arith.constant 6 : i32
    %mul3A_25 = vector.broadcast %mul3A_24 : i32 to vector<144x128xi32>
    %mul3A_26 = arith.muli %mul3A_25, %shift_right_arithmetic3A_23 : vector<144x128xi32>
    %sub3A_27 = arith.subi %sub3A, %mul3A_26 : vector<144x128xi32>
    %select_n3A = arith.select %eq3A_6, %shift_right_arithmetic3A_23, %sub3A_27 : vector<144x128xi1>, vector<144x128xi32>
    %convert_element_type3A = arith.sitofp %select_n3A : vector<144x128xi32> to vector<144x128xf32>
    %iota3A_28 = tpu.iota {dimensions = array<i32: 0>} : vector<144x256xi32>
    %iota3A_29 = tpu.iota {dimensions = array<i32: 1>} : vector<144x256xi32>
    %shift_right_arithmetic3A_30 = arith.constant 1 : i32
    %shift_right_arithmetic3A_31 = vector.broadcast %shift_right_arithmetic3A_30 : i32 to vector<144x256xi32>
    %shift_right_arithmetic3A_32 = arith.shrsi %iota3A_28, %shift_right_arithmetic3A_31 : vector<144x256xi32>
    %and3A_33 = arith.constant 1 : i32
    %and3A_34 = vector.broadcast %and3A_33 : i32 to vector<144x256xi32>
    %and3A_35 = arith.andi %iota3A_28, %and3A_34 : vector<144x256xi32>
    %eq3A_36 = arith.constant 0 : i32
    %eq3A_37 = vector.broadcast %eq3A_36 : i32 to vector<144x256xi32>
    %eq3A_38 = arith.cmpi eq, %and3A_35, %eq3A_37 : vector<144x256xi32>
    %mul3A_39 = arith.constant 36 : i32
    %mul3A_40 = vector.broadcast %mul3A_39 : i32 to vector<144x256xi32>
    %mul3A_41 = arith.muli %mul3A_40, %iota3A_29 : vector<144x256xi32>
    %shift_right_arithmetic3A_42 = arith.constant 7 : i32
    %shift_right_arithmetic3A_43 = vector.broadcast %shift_right_arithmetic3A_42 : i32 to vector<144x256xi32>
    %shift_right_arithmetic3A_44 = arith.shrsi %mul3A_41, %shift_right_arithmetic3A_43 : vector<144x256xi32>
    %eq3A_45 = arith.cmpi eq, %shift_right_arithmetic3A_32, %shift_right_arithmetic3A_44 : vector<144x256xi32>
    %add3A_46 = arith.constant 1 : i32
    %add3A_47 = vector.broadcast %add3A_46 : i32 to vector<144x256xi32>
    %add3A_48 = arith.addi %shift_right_arithmetic3A_44, %add3A_47 : vector<144x256xi32>
    %eq3A_49 = arith.cmpi eq, %shift_right_arithmetic3A_32, %add3A_48 : vector<144x256xi32>
    %convert_element_type3A_50 = arith.extui %eq3A_45 : vector<144x256xi1> to vector<144x256xi32>
    %convert_element_type3A_51 = arith.sitofp %convert_element_type3A_50 : vector<144x256xi32> to vector<144x256xf32>
    %convert_element_type3A_52 = arith.truncf %convert_element_type3A_51 : vector<144x256xf32> to vector<144x256xbf16>
    %convert_element_type3A_53 = arith.extui %eq3A_49 : vector<144x256xi1> to vector<144x256xi32>
    %convert_element_type3A_54 = arith.sitofp %convert_element_type3A_53 : vector<144x256xi32> to vector<144x256xf32>
    %convert_element_type3A_55 = arith.truncf %convert_element_type3A_54 : vector<144x256xf32> to vector<144x256xbf16>
    %iota3A_56 = tpu.iota {dimensions = array<i32: 0>} : vector<256x128xi32>
    %iota3A_57 = tpu.iota {dimensions = array<i32: 1>} : vector<256x128xi32>
    %mul3A_58 = arith.constant 36 : i32
    %mul3A_59 = vector.broadcast %mul3A_58 : i32 to vector<256x128xi32>
    %mul3A_60 = arith.muli %mul3A_59, %iota3A_56 : vector<256x128xi32>
    %and3A_61 = arith.constant 127 : i32
    %and3A_62 = vector.broadcast %and3A_61 : i32 to vector<256x128xi32>
    %and3A_63 = arith.andi %mul3A_60, %and3A_62 : vector<256x128xi32>
    %ge3A = arith.cmpi sge, %iota3A_57, %and3A_63 : vector<256x128xi32>
    %add3A_64 = arith.constant 36 : i32
    %add3A_65 = vector.broadcast %add3A_64 : i32 to vector<256x128xi32>
    %add3A_66 = arith.addi %and3A_63, %add3A_65 : vector<256x128xi32>
    %lt3A = arith.cmpi slt, %iota3A_57, %add3A_66 : vector<256x128xi32>
    %and3A_67 = arith.andi %ge3A, %lt3A : vector<256x128xi1>
    %convert_element_type3A_68 = arith.extui %and3A_67 : vector<256x128xi1> to vector<256x128xi32>
    %convert_element_type3A_69 = arith.sitofp %convert_element_type3A_68 : vector<256x128xi32> to vector<256x128xf32>
    %convert_element_type3A_70 = arith.truncf %convert_element_type3A_69 : vector<256x128xf32> to vector<256x128xbf16>
    %sub3A_71 = arith.constant 92 : i32
    %sub3A_72 = vector.broadcast %sub3A_71 : i32 to vector<256x128xi32>
    %sub3A_73 = arith.subi %and3A_63, %sub3A_72 : vector<256x128xi32>
    %lt3A_74 = arith.cmpi slt, %iota3A_57, %sub3A_73 : vector<256x128xi32>
    %convert_element_type3A_75 = arith.extui %lt3A_74 : vector<256x128xi1> to vector<256x128xi32>
    %convert_element_type3A_76 = arith.sitofp %convert_element_type3A_75 : vector<256x128xi32> to vector<256x128xf32>
    %convert_element_type3A_77 = arith.truncf %convert_element_type3A_76 : vector<256x128xf32> to vector<256x128xbf16>
    %get3A = arith.constant 0 : index
    %get3A_78 = arith.constant 0 : index
    %get3A_79 = arith.constant 0 : index
    %get3A_80 = vector.load %arg1[%get3A, %get3A_78, %get3A_79] : memref<10x1x256xi32, #tpu.memory_space<vmem>>, vector<1x1x256xi32>
    %get3A_81 = vector.shape_cast %get3A_80 : vector<1x1x256xi32> to vector<1x256xi32>
    %get3A_82 = arith.constant 0 : index
    %get3A_83 = arith.constant 0 : index
    %get3A_84 = arith.constant 0 : index
    %get3A_85 = vector.load %arg2[%get3A_82, %get3A_83, %get3A_84] : memref<10x1x256xi32, #tpu.memory_space<vmem>>, vector<1x1x256xi32>
    %get3A_86 = vector.shape_cast %get3A_85 : vector<1x1x256xi32> to vector<1x256xi32>
    %shift_right_arithmetic3A_87 = arith.constant 7 : i32
    %shift_right_arithmetic3A_88 = vector.broadcast %shift_right_arithmetic3A_87 : i32 to vector<1x256xi32>
    %shift_right_arithmetic3A_89 = arith.shrsi %get3A_81, %shift_right_arithmetic3A_88 : vector<1x256xi32>
    %shift_right_arithmetic3A_90 = arith.constant 7 : i32
    %shift_right_arithmetic3A_91 = vector.broadcast %shift_right_arithmetic3A_90 : i32 to vector<1x256xi32>
    %shift_right_arithmetic3A_92 = arith.shrsi %get3A_86, %shift_right_arithmetic3A_91 : vector<1x256xi32>
    %broadcast_in_dim3A = vector.shape_cast %shift_right_arithmetic3A_89 : vector<1x256xi32> to vector<1x256xi32>
    %broadcast_in_dim3A_93 = vector.broadcast %broadcast_in_dim3A : vector<1x256xi32> to vector<144x256xi32>
    %broadcast_in_dim3A_94 = vector.shape_cast %shift_right_arithmetic3A_92 : vector<1x256xi32> to vector<1x256xi32>
    %broadcast_in_dim3A_95 = vector.broadcast %broadcast_in_dim3A_94 : vector<1x256xi32> to vector<144x256xi32>
    %select_n3A_96 = arith.select %eq3A_38, %broadcast_in_dim3A_93, %broadcast_in_dim3A_95 : vector<144x256xi1>, vector<144x256xi32>
    %convert_element_type3A_97 = arith.sitofp %select_n3A_96 : vector<144x256xi32> to vector<144x256xbf16>
    %and3A_98 = arith.constant 127 : i32
    %and3A_99 = vector.broadcast %and3A_98 : i32 to vector<1x256xi32>
    %and3A_100 = arith.andi %get3A_81, %and3A_99 : vector<1x256xi32>
    %and3A_101 = arith.constant 127 : i32
    %and3A_102 = vector.broadcast %and3A_101 : i32 to vector<1x256xi32>
    %and3A_103 = arith.andi %get3A_86, %and3A_102 : vector<1x256xi32>
    %broadcast_in_dim3A_104 = vector.shape_cast %and3A_100 : vector<1x256xi32> to vector<1x256xi32>
    %broadcast_in_dim3A_105 = vector.broadcast %broadcast_in_dim3A_104 : vector<1x256xi32> to vector<144x256xi32>
    %broadcast_in_dim3A_106 = vector.shape_cast %and3A_103 : vector<1x256xi32> to vector<1x256xi32>
    %broadcast_in_dim3A_107 = vector.broadcast %broadcast_in_dim3A_106 : vector<1x256xi32> to vector<144x256xi32>
    %select_n3A_108 = arith.select %eq3A_38, %broadcast_in_dim3A_105, %broadcast_in_dim3A_107 : vector<144x256xi1>, vector<144x256xi32>
    %convert_element_type3A_109 = arith.sitofp %select_n3A_108 : vector<144x256xi32> to vector<144x256xbf16>
    %mul3A_110 = arith.mulf %convert_element_type3A_52, %convert_element_type3A_97 : vector<144x256xbf16>
    %dot_general3A = arith.constant dense<0.000000e+00> : vector<144x128xf32>
    %dot_general3A_111 = tpu.matmul %mul3A_110, %convert_element_type3A_70, %dot_general3A {dimension_numbers = #tpu.dot_dimension_numbers<[1], [0], [0], [1], [0, 0, 1, 1], [], []>, transpose_lhs_hint = false} : vector<144x256xbf16>, vector<256x128xbf16>, vector<144x128xf32> -> vector<144x128xf32>
    %mul3A_112 = arith.mulf %convert_element_type3A_55, %convert_element_type3A_97 : vector<144x256xbf16>
    %dot_general3A_113 = arith.constant dense<0.000000e+00> : vector<144x128xf32>
    %dot_general3A_114 = tpu.matmul %mul3A_112, %convert_element_type3A_77, %dot_general3A_113 {dimension_numbers = #tpu.dot_dimension_numbers<[1], [0], [0], [1], [0, 0, 1, 1], [], []>, transpose_lhs_hint = false} : vector<144x256xbf16>, vector<256x128xbf16>, vector<144x128xf32> -> vector<144x128xf32>
    %add3A_115 = arith.addf %dot_general3A_111, %dot_general3A_114 : vector<144x128xf32>
    %mul3A_116 = arith.constant 7.680000e+02 : f32
    %mul3A_117 = vector.broadcast %mul3A_116 : f32 to vector<144x128xf32>
    %mul3A_118 = arith.mulf %mul3A_117, %add3A_115 : vector<144x128xf32>
    %mul3A_119 = arith.mulf %convert_element_type3A_52, %convert_element_type3A_109 : vector<144x256xbf16>
    %dot_general3A_120 = arith.constant dense<0.000000e+00> : vector<144x128xf32>
    %dot_general3A_121 = tpu.matmul %mul3A_119, %convert_element_type3A_70, %dot_general3A_120 {dimension_numbers = #tpu.dot_dimension_numbers<[1], [0], [0], [1], [0, 0, 1, 1], [], []>, transpose_lhs_hint = false} : vector<144x256xbf16>, vector<256x128xbf16>, vector<144x128xf32> -> vector<144x128xf32>
    %mul3A_122 = arith.mulf %convert_element_type3A_55, %convert_element_type3A_109 : vector<144x256xbf16>
    %dot_general3A_123 = arith.constant dense<0.000000e+00> : vector<144x128xf32>
    %dot_general3A_124 = tpu.matmul %mul3A_122, %convert_element_type3A_77, %dot_general3A_123 {dimension_numbers = #tpu.dot_dimension_numbers<[1], [0], [0], [1], [0, 0, 1, 1], [], []>, transpose_lhs_hint = false} : vector<144x256xbf16>, vector<256x128xbf16>, vector<144x128xf32> -> vector<144x128xf32>
    %add3A_125 = arith.addf %dot_general3A_121, %dot_general3A_124 : vector<144x128xf32>
    %mul3A_126 = arith.constant 6.000000e+00 : f32
    %mul3A_127 = vector.broadcast %mul3A_126 : f32 to vector<144x128xf32>
    %mul3A_128 = arith.mulf %mul3A_127, %add3A_125 : vector<144x128xf32>
    %add3A_129 = arith.addf %mul3A_118, %mul3A_128 : vector<144x128xf32>
    %add3A_130 = arith.addf %add3A_129, %convert_element_type3A : vector<144x128xf32>
    %convert_element_type3A_131 = arith.fptosi %add3A_130 : vector<144x128xf32> to vector<144x128xi32>
    %swap3A = arith.constant 0 : index
    %swap3A_132 = arith.constant 0 : index
    %swap3A_133 = vector.load %arg3[%swap3A, %swap3A_132] : memref<1440x128xi32, #tpu.memory_space<vmem>>, vector<144x128xi32>
    tpu.vector_store %arg3[%swap3A, %swap3A_132], %convert_element_type3A_131 {strides = array<i32>} : memref<1440x128xi32, #tpu.memory_space<vmem>>, vector<144x128xi32>,
    %get3A_134 = arith.constant 1 : index
    %get3A_135 = arith.constant 0 : index
    %get3A_136 = arith.constant 0 : index
    %get3A_137 = vector.load %arg1[%get3A_134, %get3A_135, %get3A_136] : memref<10x1x256xi32, #tpu.memory_space<vmem>>, vector<1x1x256xi32>
    %get3A_138 = vector.shape_cast %get3A_137 : vector<1x1x256xi32> to vector<1x256xi32>
    %get3A_139 = arith.constant 1 : index
    %get3A_140 = arith.constant 0 : index
    %get3A_141 = arith.constant 0 : index
    %get3A_142 = vector.load %arg2[%get3A_139, %get3A_140, %get3A_141] : memref<10x1x256xi32, #tpu.memory_space<vmem>>, vector<1x1x256xi32>
    %get3A_143 = vector.shape_cast %get3A_142 : vector<1x1x256xi32> to vector<1x256xi32>
    %shift_right_arithmetic3A_144 = arith.constant 7 : i32
    %shift_right_arithmetic3A_145 = vector.broadcast %shift_right_arithmetic3A_144 : i32 to vector<1x256xi32>
    %shift_right_arithmetic3A_146 = arith.shrsi %get3A_138, %shift_right_arithmetic3A_145 : vector<1x256xi32>
    %shift_right_arithmetic3A_147 = arith.constant 7 : i32
    %shift_right_arithmetic3A_148 = vector.broadcast %shift_right_arithmetic3A_147 : i32 to vector<1x256xi32>
    %shift_right_arithmetic3A_149 = arith.shrsi %get3A_143, %shift_right_arithmetic3A_148 : vector<1x256xi32>
    %broadcast_in_dim3A_150 = vector.shape_cast %shift_right_arithmetic3A_146 : vector<1x256xi32> to vector<1x256xi32>
    %broadcast_in_dim3A_151 = vector.broadcast %broadcast_in_dim3A_150 : vector<1x256xi32> to vector<144x256xi32>
    %broadcast_in_dim3A_152 = vector.shape_cast %shift_right_arithmetic3A_149 : vector<1x256xi32> to vector<1x256xi32>
    %broadcast_in_dim3A_153 = vector.broadcast %broadcast_in_dim3A_152 : vector<1x256xi32> to vector<144x256xi32>
    %select_n3A_154 = arith.select %eq3A_38, %broadcast_in_dim3A_151, %broadcast_in_dim3A_153 : vector<144x256xi1>, vector<144x256xi32>
    %convert_element_type3A_155 = arith.sitofp %select_n3A_154 : vector<144x256xi32> to vector<144x256xbf16>
    %and3A_156 = arith.constant 127 : i32
    %and3A_157 = vector.broadcast %and3A_156 : i32 to vector<1x256xi32>
    %and3A_158 = arith.andi %get3A_138, %and3A_157 : vector<1x256xi32>
    %and3A_159 = arith.constant 127 : i32
    %and3A_160 = vector.broadcast %and3A_159 : i32 to vector<1x256xi32>
    %and3A_161 = arith.andi %get3A_143, %and3A_160 : vector<1x256xi32>
    %broadcast_in_dim3A_162 = vector.shape_cast %and3A_158 : vector<1x256xi32> to vector<1x256xi32>
    %broadcast_in_dim3A_163 = vector.broadcast %broadcast_in_dim3A_162 : vector<1x256xi32> to vector<144x256xi32>
    %broadcast_in_dim3A_164 = vector.shape_cast %and3A_161 : vector<1x256xi32> to vector<1x256xi32>
    %broadcast_in_dim3A_165 = vector.broadcast %broadcast_in_dim3A_164 : vector<1x256xi32> to vector<144x256xi32>
    %select_n3A_166 = arith.select %eq3A_38, %broadcast_in_dim3A_163, %broadcast_in_dim3A_165 : vector<144x256xi1>, vector<144x256xi32>
    %convert_element_type3A_167 = arith.sitofp %select_n3A_166 : vector<144x256xi32> to vector<144x256xbf16>
    %mul3A_168 = arith.mulf %convert_element_type3A_52, %convert_element_type3A_155 : vector<144x256xbf16>
    %dot_general3A_169 = arith.constant dense<0.000000e+00> : vector<144x128xf32>
    %dot_general3A_170 = tpu.matmul %mul3A_168, %convert_element_type3A_70, %dot_general3A_169 {dimension_numbers = #tpu.dot_dimension_numbers<[1], [0], [0], [1], [0, 0, 1, 1], [], []>, transpose_lhs_hint = false} : vector<144x256xbf16>, vector<256x128xbf16>, vector<144x128xf32> -> vector<144x128xf32>
    %mul3A_171 = arith.mulf %convert_element_type3A_55, %convert_element_type3A_155 : vector<144x256xbf16>
    %dot_general3A_172 = arith.constant dense<0.000000e+00> : vector<144x128xf32>
    %dot_general3A_173 = tpu.matmul %mul3A_171, %convert_element_type3A_77, %dot_general3A_172 {dimension_numbers = #tpu.dot_dimension_numbers<[1], [0], [0], [1], [0, 0, 1, 1], [], []>, transpose_lhs_hint = false} : vector<144x256xbf16>, vector<256x128xbf16>, vector<144x128xf32> -> vector<144x128xf32>
    %add3A_174 = arith.addf %dot_general3A_170, %dot_general3A_173 : vector<144x128xf32>
    %mul3A_175 = arith.constant 7.680000e+02 : f32
    %mul3A_176 = vector.broadcast %mul3A_175 : f32 to vector<144x128xf32>
    %mul3A_177 = arith.mulf %mul3A_176, %add3A_174 : vector<144x128xf32>
    %mul3A_178 = arith.mulf %convert_element_type3A_52, %convert_element_type3A_167 : vector<144x256xbf16>
    %dot_general3A_179 = arith.constant dense<0.000000e+00> : vector<144x128xf32>
    %dot_general3A_180 = tpu.matmul %mul3A_178, %convert_element_type3A_70, %dot_general3A_179 {dimension_numbers = #tpu.dot_dimension_numbers<[1], [0], [0], [1], [0, 0, 1, 1], [], []>, transpose_lhs_hint = false} : vector<144x256xbf16>, vector<256x128xbf16>, vector<144x128xf32> -> vector<144x128xf32>
    %mul3A_181 = arith.mulf %convert_element_type3A_55, %convert_element_type3A_167 : vector<144x256xbf16>
    %dot_general3A_182 = arith.constant dense<0.000000e+00> : vector<144x128xf32>
    %dot_general3A_183 = tpu.matmul %mul3A_181, %convert_element_type3A_77, %dot_general3A_182 {dimension_numbers = #tpu.dot_dimension_numbers<[1], [0], [0], [1], [0, 0, 1, 1], [], []>, transpose_lhs_hint = false} : vector<144x256xbf16>, vector<256x128xbf16>, vector<144x128xf32> -> vector<144x128xf32>
    %add3A_184 = arith.addf %dot_general3A_180, %dot_general3A_183 : vector<144x128xf32>
    %mul3A_185 = arith.constant 6.000000e+00 : f32
    %mul3A_186 = vector.broadcast %mul3A_185 : f32 to vector<144x128xf32>
    %mul3A_187 = arith.mulf %mul3A_186, %add3A_184 : vector<144x128xf32>
    %add3A_188 = arith.addf %mul3A_177, %mul3A_187 : vector<144x128xf32>
    %add3A_189 = arith.addf %add3A_188, %convert_element_type3A : vector<144x128xf32>
    %convert_element_type3A_190 = arith.fptosi %add3A_189 : vector<144x128xf32> to vector<144x128xi32>
    %swap3A_191 = arith.constant 144 : index
    %swap3A_192 = arith.constant 0 : index
    %swap3A_193 = vector.load %arg3[%swap3A_191, %swap3A_192] : memref<1440x128xi32, #tpu.memory_space<vmem>>, vector<144x128xi32>
    tpu.vector_store %arg3[%swap3A_191, %swap3A_192], %convert_element_type3A_190 {strides = array<i32>} : memref<1440x128xi32, #tpu.memory_space<vmem>>, vector<144x128xi32>,
    %get3A_194 = arith.constant 2 : index
    %get3A_195 = arith.constant 0 : index
    %get3A_196 = arith.constant 0 : index
    %get3A_197 = vector.load %arg1[%get3A_194, %get3A_195, %get3A_196] : memref<10x1x256xi32, #tpu.memory_space<vmem>>, vector<1x1x256xi32>
    %get3A_198 = vector.shape_cast %get3A_197 : vector<1x1x256xi32> to vector<1x256xi32>
    %get3A_199 = arith.constant 2 : index
    %get3A_200 = arith.constant 0 : index
    %get3A_201 = arith.constant 0 : index
    %get3A_202 = vector.load %arg2[%get3A_199, %get3A_200, %get3A_201] : memref<10x1x256xi32, #tpu.memory_space<vmem>>, vector<1x1x256xi32>
    %get3A_203 = vector.shape_cast %get3A_202 : vector<1x1x256xi32> to vector<1x256xi32>
    %shift_right_arithmetic3A_204 = arith.constant 7 : i32
    %shift_right_arithmetic3A_205 = vector.broadcast %shift_right_arithmetic3A_204 : i32 to vector<1x256xi32>
    %shift_right_arithmetic3A_206 = arith.shrsi %get3A_198, %shift_right_arithmetic3A_205 : vector<1x256xi32>
    %shift_right_arithmetic3A_207 = arith.constant 7 : i32
    %shift_right_arithmetic3A_208 = vector.broadcast %shift_right_arithmetic3A_207 : i32 to vector<1x256xi32>
    %shift_right_arithmetic3A_209 = arith.shrsi %get3A_203, %shift_right_arithmetic3A_208 : vector<1x256xi32>
    %broadcast_in_dim3A_210 = vector.shape_cast %shift_right_arithmetic3A_206 : vector<1x256xi32> to vector<1x256xi32>
    %broadcast_in_dim3A_211 = vector.broadcast %broadcast_in_dim3A_210 : vector<1x256xi32> to vector<144x256xi32>
    %broadcast_in_dim3A_212 = vector.shape_cast %shift_right_arithmetic3A_209 : vector<1x256xi32> to vector<1x256xi32>
    %broadcast_in_dim3A_213 = vector.broadcast %broadcast_in_dim3A_212 : vector<1x256xi32> to vector<144x256xi32>
    %select_n3A_214 = arith.select %eq3A_38, %broadcast_in_dim3A_211, %broadcast_in_dim3A_213 : vector<144x256xi1>, vector<144x256xi32>
    %convert_element_type3A_215 = arith.sitofp %select_n3A_214 : vector<144x256xi32> to vector<144x256xbf16>
    %and3A_216 = arith.constant 127 : i32
    %and3A_217 = vector.broadcast %and3A_216 : i32 to vector<1x256xi32>
    %and3A_218 = arith.andi %get3A_198, %and3A_217 : vector<1x256xi32>
    %and3A_219 = arith.constant 127 : i32
    %and3A_220 = vector.broadcast %and3A_219 : i32 to vector<1x256xi32>
    %and3A_221 = arith.andi %get3A_203, %and3A_220 : vector<1x256xi32>
    %broadcast_in_dim3A_222 = vector.shape_cast %and3A_218 : vector<1x256xi32> to vector<1x256xi32>
    %broadcast_in_dim3A_223 = vector.broadcast %broadcast_in_dim3A_222 : vector<1x256xi32> to vector<144x256xi32>
    %broadcast_in_dim3A_224 = vector.shape_cast %and3A_221 : vector<1x256xi32> to vector<1x256xi32>
    %broadcast_in_dim3A_225 = vector.broadcast %broadcast_in_dim3A_224 : vector<1x256xi32> to vector<144x256xi32>
    %select_n3A_226 = arith.select %eq3A_38, %broadcast_in_dim3A_223, %broadcast_in_dim3A_225 : vector<144x256xi1>, vector<144x256xi32>
    %convert_element_type3A_227 = arith.sitofp %select_n3A_226 : vector<144x256xi32> to vector<144x256xbf16>
    %mul3A_228 = arith.mulf %convert_element_type3A_52, %convert_element_type3A_215 : vector<144x256xbf16>
    %dot_general3A_229 = arith.constant dense<0.000000e+00> : vector<144x128xf32>
    %dot_general3A_230 = tpu.matmul %mul3A_228, %convert_element_type3A_70, %dot_general3A_229 {dimension_numbers = #tpu.dot_dimension_numbers<[1], [0], [0], [1], [0, 0, 1, 1], [], []>, transpose_lhs_hint = false} : vector<144x256xbf16>, vector<256x128xbf16>, vector<144x128xf32> -> vector<144x128xf32>
    %mul3A_231 = arith.mulf %convert_element_type3A_55, %convert_element_type3A_215 : vector<144x256xbf16>
    %dot_general3A_232 = arith.constant dense<0.000000e+00> : vector<144x128xf32>
    %dot_general3A_233 = tpu.matmul %mul3A_231, %convert_element_type3A_77, %dot_general3A_232 {dimension_numbers = #tpu.dot_dimension_numbers<[1], [0], [0], [1], [0, 0, 1, 1], [], []>, transpose_lhs_hint = false} : vector<144x256xbf16>, vector<256x128xbf16>, vector<144x128xf32> -> vector<144x128xf32>
    %add3A_234 = arith.addf %dot_general3A_230, %dot_general3A_233 : vector<144x128xf32>
    %mul3A_235 = arith.constant 7.680000e+02 : f32
    %mul3A_236 = vector.broadcast %mul3A_235 : f32 to vector<144x128xf32>
    %mul3A_237 = arith.mulf %mul3A_236, %add3A_234 : vector<144x128xf32>
    %mul3A_238 = arith.mulf %convert_element_type3A_52, %convert_element_type3A_227 : vector<144x256xbf16>
    %dot_general3A_239 = arith.constant dense<0.000000e+00> : vector<144x128xf32>
    %dot_general3A_240 = tpu.matmul %mul3A_238, %convert_element_type3A_70, %dot_general3A_239 {dimension_numbers = #tpu.dot_dimension_numbers<[1], [0], [0], [1], [0, 0, 1, 1], [], []>, transpose_lhs_hint = false} : vector<144x256xbf16>, vector<256x128xbf16>, vector<144x128xf32> -> vector<144x128xf32>
    %mul3A_241 = arith.mulf %convert_element_type3A_55, %convert_element_type3A_227 : vector<144x256xbf16>
    %dot_general3A_242 = arith.constant dense<0.000000e+00> : vector<144x128xf32>
    %dot_general3A_243 = tpu.matmul %mul3A_241, %convert_element_type3A_77, %dot_general3A_242 {dimension_numbers = #tpu.dot_dimension_numbers<[1], [0], [0], [1], [0, 0, 1, 1], [], []>, transpose_lhs_hint = false} : vector<144x256xbf16>, vector<256x128xbf16>, vector<144x128xf32> -> vector<144x128xf32>
    %add3A_244 = arith.addf %dot_general3A_240, %dot_general3A_243 : vector<144x128xf32>
    %mul3A_245 = arith.constant 6.000000e+00 : f32
    %mul3A_246 = vector.broadcast %mul3A_245 : f32 to vector<144x128xf32>
    %mul3A_247 = arith.mulf %mul3A_246, %add3A_244 : vector<144x128xf32>
    %add3A_248 = arith.addf %mul3A_237, %mul3A_247 : vector<144x128xf32>
    %add3A_249 = arith.addf %add3A_248, %convert_element_type3A : vector<144x128xf32>
    %convert_element_type3A_250 = arith.fptosi %add3A_249 : vector<144x128xf32> to vector<144x128xi32>
    %swap3A_251 = arith.constant 288 : index
    %swap3A_252 = arith.constant 0 : index
    %swap3A_253 = vector.load %arg3[%swap3A_251, %swap3A_252] : memref<1440x128xi32, #tpu.memory_space<vmem>>, vector<144x128xi32>
    tpu.vector_store %arg3[%swap3A_251, %swap3A_252], %convert_element_type3A_250 {strides = array<i32>} : memref<1440x128xi32, #tpu.memory_space<vmem>>, vector<144x128xi32>,
    %get3A_254 = arith.constant 3 : index
    %get3A_255 = arith.constant 0 : index
    %get3A_256 = arith.constant 0 : index
    %get3A_257 = vector.load %arg1[%get3A_254, %get3A_255, %get3A_256] : memref<10x1x256xi32, #tpu.memory_space<vmem>>, vector<1x1x256xi32>
    %get3A_258 = vector.shape_cast %get3A_257 : vector<1x1x256xi32> to vector<1x256xi32>
    %get3A_259 = arith.constant 3 : index
    %get3A_260 = arith.constant 0 : index
    %get3A_261 = arith.constant 0 : index
    %get3A_262 = vector.load %arg2[%get3A_259, %get3A_260, %get3A_261] : memref<10x1x256xi32, #tpu.memory_space<vmem>>, vector<1x1x256xi32>
    %get3A_263 = vector.shape_cast %get3A_262 : vector<1x1x256xi32> to vector<1x256xi32>
    %shift_right_arithmetic3A_264 = arith.constant 7 : i32
    %shift_right_arithmetic3A_265 = vector.broadcast %shift_right_arithmetic3A_264 : i32 to vector<1x256xi32>
    %shift_right_arithmetic3A_266 = arith.shrsi %get3A_258, %shift_right_arithmetic3A_265 : vector<1x256xi32>
    %shift_right_arithmetic3A_267 = arith.constant 7 : i32
    %shift_right_arithmetic3A_268 = vector.broadcast %shift_right_arithmetic3A_267 : i32 to vector<1x256xi32>
    %shift_right_arithmetic3A_269 = arith.shrsi %get3A_263, %shift_right_arithmetic3A_268 : vector<1x256xi32>
    %broadcast_in_dim3A_270 = vector.shape_cast %shift_right_arithmetic3A_266 : vector<1x256xi32> to vector<1x256xi32>
    %broadcast_in_dim3A_271 = vector.broadcast %broadcast_in_dim3A_270 : vector<1x256xi32> to vector<144x256xi32>
    %broadcast_in_dim3A_272 = vector.shape_cast %shift_right_arithmetic3A_269 : vector<1x256xi32> to vector<1x256xi32>
    %broadcast_in_dim3A_273 = vector.broadcast %broadcast_in_dim3A_272 : vector<1x256xi32> to vector<144x256xi32>
    %select_n3A_274 = arith.select %eq3A_38, %broadcast_in_dim3A_271, %broadcast_in_dim3A_273 : vector<144x256xi1>, vector<144x256xi32>
    %convert_element_type3A_275 = arith.sitofp %select_n3A_274 : vector<144x256xi32> to vector<144x256xbf16>
    %and3A_276 = arith.constant 127 : i32
    %and3A_277 = vector.broadcast %and3A_276 : i32 to vector<1x256xi32>
    %and3A_278 = arith.andi %get3A_258, %and3A_277 : vector<1x256xi32>
    %and3A_279 = arith.constant 127 : i32
    %and3A_280 = vector.broadcast %and3A_279 : i32 to vector<1x256xi32>
    %and3A_281 = arith.andi %get3A_263, %and3A_280 : vector<1x256xi32>
    %broadcast_in_dim3A_282 = vector.shape_cast %and3A_278 : vector<1x256xi32> to vector<1x256xi32>
    %broadcast_in_dim3A_283 = vector.broadcast %broadcast_in_dim3A_282 : vector<1x256xi32> to vector<144x256xi32>
    %broadcast_in_dim3A_284 = vector.shape_cast %and3A_281 : vector<1x256xi32> to vector<1x256xi32>
    %broadcast_in_dim3A_285 = vector.broadcast %broadcast_in_dim3A_284 : vector<1x256xi32> to vector<144x256xi32>
    %select_n3A_286 = arith.select %eq3A_38, %broadcast_in_dim3A_283, %broadcast_in_dim3A_285 : vector<144x256xi1>, vector<144x256xi32>
    %convert_element_type3A_287 = arith.sitofp %select_n3A_286 : vector<144x256xi32> to vector<144x256xbf16>
    %mul3A_288 = arith.mulf %convert_element_type3A_52, %convert_element_type3A_275 : vector<144x256xbf16>
    %dot_general3A_289 = arith.constant dense<0.000000e+00> : vector<144x128xf32>
    %dot_general3A_290 = tpu.matmul %mul3A_288, %convert_element_type3A_70, %dot_general3A_289 {dimension_numbers = #tpu.dot_dimension_numbers<[1], [0], [0], [1], [0, 0, 1, 1], [], []>, transpose_lhs_hint = false} : vector<144x256xbf16>, vector<256x128xbf16>, vector<144x128xf32> -> vector<144x128xf32>
    %mul3A_291 = arith.mulf %convert_element_type3A_55, %convert_element_type3A_275 : vector<144x256xbf16>
    %dot_general3A_292 = arith.constant dense<0.000000e+00> : vector<144x128xf32>
    %dot_general3A_293 = tpu.matmul %mul3A_291, %convert_element_type3A_77, %dot_general3A_292 {dimension_numbers = #tpu.dot_dimension_numbers<[1], [0], [0], [1], [0, 0, 1, 1], [], []>, transpose_lhs_hint = false} : vector<144x256xbf16>, vector<256x128xbf16>, vector<144x128xf32> -> vector<144x128xf32>
    %add3A_294 = arith.addf %dot_general3A_290, %dot_general3A_293 : vector<144x128xf32>
    %mul3A_295 = arith.constant 7.680000e+02 : f32
    %mul3A_296 = vector.broadcast %mul3A_295 : f32 to vector<144x128xf32>
    %mul3A_297 = arith.mulf %mul3A_296, %add3A_294 : vector<144x128xf32>
    %mul3A_298 = arith.mulf %convert_element_type3A_52, %convert_element_type3A_287 : vector<144x256xbf16>
    %dot_general3A_299 = arith.constant dense<0.000000e+00> : vector<144x128xf32>
    %dot_general3A_300 = tpu.matmul %mul3A_298, %convert_element_type3A_70, %dot_general3A_299 {dimension_numbers = #tpu.dot_dimension_numbers<[1], [0], [0], [1], [0, 0, 1, 1], [], []>, transpose_lhs_hint = false} : vector<144x256xbf16>, vector<256x128xbf16>, vector<144x128xf32> -> vector<144x128xf32>
    %mul3A_301 = arith.mulf %convert_element_type3A_55, %convert_element_type3A_287 : vector<144x256xbf16>
    %dot_general3A_302 = arith.constant dense<0.000000e+00> : vector<144x128xf32>
    %dot_general3A_303 = tpu.matmul %mul3A_301, %convert_element_type3A_77, %dot_general3A_302 {dimension_numbers = #tpu.dot_dimension_numbers<[1], [0], [0], [1], [0, 0, 1, 1], [], []>, transpose_lhs_hint = false} : vector<144x256xbf16>, vector<256x128xbf16>, vector<144x128xf32> -> vector<144x128xf32>
    %add3A_304 = arith.addf %dot_general3A_300, %dot_general3A_303 : vector<144x128xf32>
    %mul3A_305 = arith.constant 6.000000e+00 : f32
    %mul3A_306 = vector.broadcast %mul3A_305 : f32 to vector<144x128xf32>
    %mul3A_307 = arith.mulf %mul3A_306, %add3A_304 : vector<144x128xf32>
    %add3A_308 = arith.addf %mul3A_297, %mul3A_307 : vector<144x128xf32>
    %add3A_309 = arith.addf %add3A_308, %convert_element_type3A : vector<144x128xf32>
    %convert_element_type3A_310 = arith.fptosi %add3A_309 : vector<144x128xf32> to vector<144x128xi32>
    %swap3A_311 = arith.constant 432 : index
    %swap3A_312 = arith.constant 0 : index
    %swap3A_313 = vector.load %arg3[%swap3A_311, %swap3A_312] : memref<1440x128xi32, #tpu.memory_space<vmem>>, vector<144x128xi32>
    tpu.vector_store %arg3[%swap3A_311, %swap3A_312], %convert_element_type3A_310 {strides = array<i32>} : memref<1440x128xi32, #tpu.memory_space<vmem>>, vector<144x128xi32>,
    %get3A_314 = arith.constant 4 : index
    %get3A_315 = arith.constant 0 : index
    %get3A_316 = arith.constant 0 : index
    %get3A_317 = vector.load %arg1[%get3A_314, %get3A_315, %get3A_316] : memref<10x1x256xi32, #tpu.memory_space<vmem>>, vector<1x1x256xi32>
    %get3A_318 = vector.shape_cast %get3A_317 : vector<1x1x256xi32> to vector<1x256xi32>
    %get3A_319 = arith.constant 4 : index
    %get3A_320 = arith.constant 0 : index
    %get3A_321 = arith.constant 0 : index
    %get3A_322 = vector.load %arg2[%get3A_319, %get3A_320, %get3A_321] : memref<10x1x256xi32, #tpu.memory_space<vmem>>, vector<1x1x256xi32>
    %get3A_323 = vector.shape_cast %get3A_322 : vector<1x1x256xi32> to vector<1x256xi32>
    %shift_right_arithmetic3A_324 = arith.constant 7 : i32
    %shift_right_arithmetic3A_325 = vector.broadcast %shift_right_arithmetic3A_324 : i32 to vector<1x256xi32>
    %shift_right_arithmetic3A_326 = arith.shrsi %get3A_318, %shift_right_arithmetic3A_325 : vector<1x256xi32>
    %shift_right_arithmetic3A_327 = arith.constant 7 : i32
    %shift_right_arithmetic3A_328 = vector.broadcast %shift_right_arithmetic3A_327 : i32 to vector<1x256xi32>
    %shift_right_arithmetic3A_329 = arith.shrsi %get3A_323, %shift_right_arithmetic3A_328 : vector<1x256xi32>
    %broadcast_in_dim3A_330 = vector.shape_cast %shift_right_arithmetic3A_326 : vector<1x256xi32> to vector<1x256xi32>
    %broadcast_in_dim3A_331 = vector.broadcast %broadcast_in_dim3A_330 : vector<1x256xi32> to vector<144x256xi32>
    %broadcast_in_dim3A_332 = vector.shape_cast %shift_right_arithmetic3A_329 : vector<1x256xi32> to vector<1x256xi32>
    %broadcast_in_dim3A_333 = vector.broadcast %broadcast_in_dim3A_332 : vector<1x256xi32> to vector<144x256xi32>
    %select_n3A_334 = arith.select %eq3A_38, %broadcast_in_dim3A_331, %broadcast_in_dim3A_333 : vector<144x256xi1>, vector<144x256xi32>
    %convert_element_type3A_335 = arith.sitofp %select_n3A_334 : vector<144x256xi32> to vector<144x256xbf16>
    %and3A_336 = arith.constant 127 : i32
    %and3A_337 = vector.broadcast %and3A_336 : i32 to vector<1x256xi32>
    %and3A_338 = arith.andi %get3A_318, %and3A_337 : vector<1x256xi32>
    %and3A_339 = arith.constant 127 : i32
    %and3A_340 = vector.broadcast %and3A_339 : i32 to vector<1x256xi32>
    %and3A_341 = arith.andi %get3A_323, %and3A_340 : vector<1x256xi32>
    %broadcast_in_dim3A_342 = vector.shape_cast %and3A_338 : vector<1x256xi32> to vector<1x256xi32>
    %broadcast_in_dim3A_343 = vector.broadcast %broadcast_in_dim3A_342 : vector<1x256xi32> to vector<144x256xi32>
    %broadcast_in_dim3A_344 = vector.shape_cast %and3A_341 : vector<1x256xi32> to vector<1x256xi32>
    %broadcast_in_dim3A_345 = vector.broadcast %broadcast_in_dim3A_344 : vector<1x256xi32> to vector<144x256xi32>
    %select_n3A_346 = arith.select %eq3A_38, %broadcast_in_dim3A_343, %broadcast_in_dim3A_345 : vector<144x256xi1>, vector<144x256xi32>
    %convert_element_type3A_347 = arith.sitofp %select_n3A_346 : vector<144x256xi32> to vector<144x256xbf16>
    %mul3A_348 = arith.mulf %convert_element_type3A_52, %convert_element_type3A_335 : vector<144x256xbf16>
    %dot_general3A_349 = arith.constant dense<0.000000e+00> : vector<144x128xf32>
    %dot_general3A_350 = tpu.matmul %mul3A_348, %convert_element_type3A_70, %dot_general3A_349 {dimension_numbers = #tpu.dot_dimension_numbers<[1], [0], [0], [1], [0, 0, 1, 1], [], []>, transpose_lhs_hint = false} : vector<144x256xbf16>, vector<256x128xbf16>, vector<144x128xf32> -> vector<144x128xf32>
    %mul3A_351 = arith.mulf %convert_element_type3A_55, %convert_element_type3A_335 : vector<144x256xbf16>
    %dot_general3A_352 = arith.constant dense<0.000000e+00> : vector<144x128xf32>
    %dot_general3A_353 = tpu.matmul %mul3A_351, %convert_element_type3A_77, %dot_general3A_352 {dimension_numbers = #tpu.dot_dimension_numbers<[1], [0], [0], [1], [0, 0, 1, 1], [], []>, transpose_lhs_hint = false} : vector<144x256xbf16>, vector<256x128xbf16>, vector<144x128xf32> -> vector<144x128xf32>
    %add3A_354 = arith.addf %dot_general3A_350, %dot_general3A_353 : vector<144x128xf32>
    %mul3A_355 = arith.constant 7.680000e+02 : f32
    %mul3A_356 = vector.broadcast %mul3A_355 : f32 to vector<144x128xf32>
    %mul3A_357 = arith.mulf %mul3A_356, %add3A_354 : vector<144x128xf32>
    %mul3A_358 = arith.mulf %convert_element_type3A_52, %convert_element_type3A_347 : vector<144x256xbf16>
    %dot_general3A_359 = arith.constant dense<0.000000e+00> : vector<144x128xf32>
    %dot_general3A_360 = tpu.matmul %mul3A_358, %convert_element_type3A_70, %dot_general3A_359 {dimension_numbers = #tpu.dot_dimension_numbers<[1], [0], [0], [1], [0, 0, 1, 1], [], []>, transpose_lhs_hint = false} : vector<144x256xbf16>, vector<256x128xbf16>, vector<144x128xf32> -> vector<144x128xf32>
    %mul3A_361 = arith.mulf %convert_element_type3A_55, %convert_element_type3A_347 : vector<144x256xbf16>
    %dot_general3A_362 = arith.constant dense<0.000000e+00> : vector<144x128xf32>
    %dot_general3A_363 = tpu.matmul %mul3A_361, %convert_element_type3A_77, %dot_general3A_362 {dimension_numbers = #tpu.dot_dimension_numbers<[1], [0], [0], [1], [0, 0, 1, 1], [], []>, transpose_lhs_hint = false} : vector<144x256xbf16>, vector<256x128xbf16>, vector<144x128xf32> -> vector<144x128xf32>
    %add3A_364 = arith.addf %dot_general3A_360, %dot_general3A_363 : vector<144x128xf32>
    %mul3A_365 = arith.constant 6.000000e+00 : f32
    %mul3A_366 = vector.broadcast %mul3A_365 : f32 to vector<144x128xf32>
    %mul3A_367 = arith.mulf %mul3A_366, %add3A_364 : vector<144x128xf32>
    %add3A_368 = arith.addf %mul3A_357, %mul3A_367 : vector<144x128xf32>
    %add3A_369 = arith.addf %add3A_368, %convert_element_type3A : vector<144x128xf32>
    %convert_element_type3A_370 = arith.fptosi %add3A_369 : vector<144x128xf32> to vector<144x128xi32>
    %swap3A_371 = arith.constant 576 : index
    %swap3A_372 = arith.constant 0 : index
    %swap3A_373 = vector.load %arg3[%swap3A_371, %swap3A_372] : memref<1440x128xi32, #tpu.memory_space<vmem>>, vector<144x128xi32>
    tpu.vector_store %arg3[%swap3A_371, %swap3A_372], %convert_element_type3A_370 {strides = array<i32>} : memref<1440x128xi32, #tpu.memory_space<vmem>>, vector<144x128xi32>,
    %get3A_374 = arith.constant 5 : index
    %get3A_375 = arith.constant 0 : index
    %get3A_376 = arith.constant 0 : index
    %get3A_377 = vector.load %arg1[%get3A_374, %get3A_375, %get3A_376] : memref<10x1x256xi32, #tpu.memory_space<vmem>>, vector<1x1x256xi32>
    %get3A_378 = vector.shape_cast %get3A_377 : vector<1x1x256xi32> to vector<1x256xi32>
    %get3A_379 = arith.constant 5 : index
    %get3A_380 = arith.constant 0 : index
    %get3A_381 = arith.constant 0 : index
    %get3A_382 = vector.load %arg2[%get3A_379, %get3A_380, %get3A_381] : memref<10x1x256xi32, #tpu.memory_space<vmem>>, vector<1x1x256xi32>
    %get3A_383 = vector.shape_cast %get3A_382 : vector<1x1x256xi32> to vector<1x256xi32>
    %shift_right_arithmetic3A_384 = arith.constant 7 : i32
    %shift_right_arithmetic3A_385 = vector.broadcast %shift_right_arithmetic3A_384 : i32 to vector<1x256xi32>
    %shift_right_arithmetic3A_386 = arith.shrsi %get3A_378, %shift_right_arithmetic3A_385 : vector<1x256xi32>
    %shift_right_arithmetic3A_387 = arith.constant 7 : i32
    %shift_right_arithmetic3A_388 = vector.broadcast %shift_right_arithmetic3A_387 : i32 to vector<1x256xi32>
    %shift_right_arithmetic3A_389 = arith.shrsi %get3A_383, %shift_right_arithmetic3A_388 : vector<1x256xi32>
    %broadcast_in_dim3A_390 = vector.shape_cast %shift_right_arithmetic3A_386 : vector<1x256xi32> to vector<1x256xi32>
    %broadcast_in_dim3A_391 = vector.broadcast %broadcast_in_dim3A_390 : vector<1x256xi32> to vector<144x256xi32>
    %broadcast_in_dim3A_392 = vector.shape_cast %shift_right_arithmetic3A_389 : vector<1x256xi32> to vector<1x256xi32>
    %broadcast_in_dim3A_393 = vector.broadcast %broadcast_in_dim3A_392 : vector<1x256xi32> to vector<144x256xi32>
    %select_n3A_394 = arith.select %eq3A_38, %broadcast_in_dim3A_391, %broadcast_in_dim3A_393 : vector<144x256xi1>, vector<144x256xi32>
    %convert_element_type3A_395 = arith.sitofp %select_n3A_394 : vector<144x256xi32> to vector<144x256xbf16>
    %and3A_396 = arith.constant 127 : i32
    %and3A_397 = vector.broadcast %and3A_396 : i32 to vector<1x256xi32>
    %and3A_398 = arith.andi %get3A_378, %and3A_397 : vector<1x256xi32>
    %and3A_399 = arith.constant 127 : i32
    %and3A_400 = vector.broadcast %and3A_399 : i32 to vector<1x256xi32>
    %and3A_401 = arith.andi %get3A_383, %and3A_400 : vector<1x256xi32>
    %broadcast_in_dim3A_402 = vector.shape_cast %and3A_398 : vector<1x256xi32> to vector<1x256xi32>
    %broadcast_in_dim3A_403 = vector.broadcast %broadcast_in_dim3A_402 : vector<1x256xi32> to vector<144x256xi32>
    %broadcast_in_dim3A_404 = vector.shape_cast %and3A_401 : vector<1x256xi32> to vector<1x256xi32>
    %broadcast_in_dim3A_405 = vector.broadcast %broadcast_in_dim3A_404 : vector<1x256xi32> to vector<144x256xi32>
    %select_n3A_406 = arith.select %eq3A_38, %broadcast_in_dim3A_403, %broadcast_in_dim3A_405 : vector<144x256xi1>, vector<144x256xi32>
    %convert_element_type3A_407 = arith.sitofp %select_n3A_406 : vector<144x256xi32> to vector<144x256xbf16>
    %mul3A_408 = arith.mulf %convert_element_type3A_52, %convert_element_type3A_395 : vector<144x256xbf16>
    %dot_general3A_409 = arith.constant dense<0.000000e+00> : vector<144x128xf32>
    %dot_general3A_410 = tpu.matmul %mul3A_408, %convert_element_type3A_70, %dot_general3A_409 {dimension_numbers = #tpu.dot_dimension_numbers<[1], [0], [0], [1], [0, 0, 1, 1], [], []>, transpose_lhs_hint = false} : vector<144x256xbf16>, vector<256x128xbf16>, vector<144x128xf32> -> vector<144x128xf32>
    %mul3A_411 = arith.mulf %convert_element_type3A_55, %convert_element_type3A_395 : vector<144x256xbf16>
    %dot_general3A_412 = arith.constant dense<0.000000e+00> : vector<144x128xf32>
    %dot_general3A_413 = tpu.matmul %mul3A_411, %convert_element_type3A_77, %dot_general3A_412 {dimension_numbers = #tpu.dot_dimension_numbers<[1], [0], [0], [1], [0, 0, 1, 1], [], []>, transpose_lhs_hint = false} : vector<144x256xbf16>, vector<256x128xbf16>, vector<144x128xf32> -> vector<144x128xf32>
    %add3A_414 = arith.addf %dot_general3A_410, %dot_general3A_413 : vector<144x128xf32>
    %mul3A_415 = arith.constant 7.680000e+02 : f32
    %mul3A_416 = vector.broadcast %mul3A_415 : f32 to vector<144x128xf32>
    %mul3A_417 = arith.mulf %mul3A_416, %add3A_414 : vector<144x128xf32>
    %mul3A_418 = arith.mulf %convert_element_type3A_52, %convert_element_type3A_407 : vector<144x256xbf16>
    %dot_general3A_419 = arith.constant dense<0.000000e+00> : vector<144x128xf32>
    %dot_general3A_420 = tpu.matmul %mul3A_418, %convert_element_type3A_70, %dot_general3A_419 {dimension_numbers = #tpu.dot_dimension_numbers<[1], [0], [0], [1], [0, 0, 1, 1], [], []>, transpose_lhs_hint = false} : vector<144x256xbf16>, vector<256x128xbf16>, vector<144x128xf32> -> vector<144x128xf32>
    %mul3A_421 = arith.mulf %convert_element_type3A_55, %convert_element_type3A_407 : vector<144x256xbf16>
    %dot_general3A_422 = arith.constant dense<0.000000e+00> : vector<144x128xf32>
    %dot_general3A_423 = tpu.matmul %mul3A_421, %convert_element_type3A_77, %dot_general3A_422 {dimension_numbers = #tpu.dot_dimension_numbers<[1], [0], [0], [1], [0, 0, 1, 1], [], []>, transpose_lhs_hint = false} : vector<144x256xbf16>, vector<256x128xbf16>, vector<144x128xf32> -> vector<144x128xf32>
    %add3A_424 = arith.addf %dot_general3A_420, %dot_general3A_423 : vector<144x128xf32>
    %mul3A_425 = arith.constant 6.000000e+00 : f32
    %mul3A_426 = vector.broadcast %mul3A_425 : f32 to vector<144x128xf32>
    %mul3A_427 = arith.mulf %mul3A_426, %add3A_424 : vector<144x128xf32>
    %add3A_428 = arith.addf %mul3A_417, %mul3A_427 : vector<144x128xf32>
    %add3A_429 = arith.addf %add3A_428, %convert_element_type3A : vector<144x128xf32>
    %convert_element_type3A_430 = arith.fptosi %add3A_429 : vector<144x128xf32> to vector<144x128xi32>
    %swap3A_431 = arith.constant 720 : index
    %swap3A_432 = arith.constant 0 : index
    %swap3A_433 = vector.load %arg3[%swap3A_431, %swap3A_432] : memref<1440x128xi32, #tpu.memory_space<vmem>>, vector<144x128xi32>
    tpu.vector_store %arg3[%swap3A_431, %swap3A_432], %convert_element_type3A_430 {strides = array<i32>} : memref<1440x128xi32, #tpu.memory_space<vmem>>, vector<144x128xi32>,
    %get3A_434 = arith.constant 6 : index
    %get3A_435 = arith.constant 0 : index
    %get3A_436 = arith.constant 0 : index
    %get3A_437 = vector.load %arg1[%get3A_434, %get3A_435, %get3A_436] : memref<10x1x256xi32, #tpu.memory_space<vmem>>, vector<1x1x256xi32>
    %get3A_438 = vector.shape_cast %get3A_437 : vector<1x1x256xi32> to vector<1x256xi32>
    %get3A_439 = arith.constant 6 : index
    %get3A_440 = arith.constant 0 : index
    %get3A_441 = arith.constant 0 : index
    %get3A_442 = vector.load %arg2[%get3A_439, %get3A_440, %get3A_441] : memref<10x1x256xi32, #tpu.memory_space<vmem>>, vector<1x1x256xi32>
    %get3A_443 = vector.shape_cast %get3A_442 : vector<1x1x256xi32> to vector<1x256xi32>
    %shift_right_arithmetic3A_444 = arith.constant 7 : i32
    %shift_right_arithmetic3A_445 = vector.broadcast %shift_right_arithmetic3A_444 : i32 to vector<1x256xi32>
    %shift_right_arithmetic3A_446 = arith.shrsi %get3A_438, %shift_right_arithmetic3A_445 : vector<1x256xi32>
    %shift_right_arithmetic3A_447 = arith.constant 7 : i32
    %shift_right_arithmetic3A_448 = vector.broadcast %shift_right_arithmetic3A_447 : i32 to vector<1x256xi32>
    %shift_right_arithmetic3A_449 = arith.shrsi %get3A_443, %shift_right_arithmetic3A_448 : vector<1x256xi32>
    %broadcast_in_dim3A_450 = vector.shape_cast %shift_right_arithmetic3A_446 : vector<1x256xi32> to vector<1x256xi32>
    %broadcast_in_dim3A_451 = vector.broadcast %broadcast_in_dim3A_450 : vector<1x256xi32> to vector<144x256xi32>
    %broadcast_in_dim3A_452 = vector.shape_cast %shift_right_arithmetic3A_449 : vector<1x256xi32> to vector<1x256xi32>
    %broadcast_in_dim3A_453 = vector.broadcast %broadcast_in_dim3A_452 : vector<1x256xi32> to vector<144x256xi32>
    %select_n3A_454 = arith.select %eq3A_38, %broadcast_in_dim3A_451, %broadcast_in_dim3A_453 : vector<144x256xi1>, vector<144x256xi32>
    %convert_element_type3A_455 = arith.sitofp %select_n3A_454 : vector<144x256xi32> to vector<144x256xbf16>
    %and3A_456 = arith.constant 127 : i32
    %and3A_457 = vector.broadcast %and3A_456 : i32 to vector<1x256xi32>
    %and3A_458 = arith.andi %get3A_438, %and3A_457 : vector<1x256xi32>
    %and3A_459 = arith.constant 127 : i32
    %and3A_460 = vector.broadcast %and3A_459 : i32 to vector<1x256xi32>
    %and3A_461 = arith.andi %get3A_443, %and3A_460 : vector<1x256xi32>
    %broadcast_in_dim3A_462 = vector.shape_cast %and3A_458 : vector<1x256xi32> to vector<1x256xi32>
    %broadcast_in_dim3A_463 = vector.broadcast %broadcast_in_dim3A_462 : vector<1x256xi32> to vector<144x256xi32>
    %broadcast_in_dim3A_464 = vector.shape_cast %and3A_461 : vector<1x256xi32> to vector<1x256xi32>
    %broadcast_in_dim3A_465 = vector.broadcast %broadcast_in_dim3A_464 : vector<1x256xi32> to vector<144x256xi32>
    %select_n3A_466 = arith.select %eq3A_38, %broadcast_in_dim3A_463, %broadcast_in_dim3A_465 : vector<144x256xi1>, vector<144x256xi32>
    %convert_element_type3A_467 = arith.sitofp %select_n3A_466 : vector<144x256xi32> to vector<144x256xbf16>
    %mul3A_468 = arith.mulf %convert_element_type3A_52, %convert_element_type3A_455 : vector<144x256xbf16>
    %dot_general3A_469 = arith.constant dense<0.000000e+00> : vector<144x128xf32>
    %dot_general3A_470 = tpu.matmul %mul3A_468, %convert_element_type3A_70, %dot_general3A_469 {dimension_numbers = #tpu.dot_dimension_numbers<[1], [0], [0], [1], [0, 0, 1, 1], [], []>, transpose_lhs_hint = false} : vector<144x256xbf16>, vector<256x128xbf16>, vector<144x128xf32> -> vector<144x128xf32>
    %mul3A_471 = arith.mulf %convert_element_type3A_55, %convert_element_type3A_455 : vector<144x256xbf16>
    %dot_general3A_472 = arith.constant dense<0.000000e+00> : vector<144x128xf32>
    %dot_general3A_473 = tpu.matmul %mul3A_471, %convert_element_type3A_77, %dot_general3A_472 {dimension_numbers = #tpu.dot_dimension_numbers<[1], [0], [0], [1], [0, 0, 1, 1], [], []>, transpose_lhs_hint = false} : vector<144x256xbf16>, vector<256x128xbf16>, vector<144x128xf32> -> vector<144x128xf32>
    %add3A_474 = arith.addf %dot_general3A_470, %dot_general3A_473 : vector<144x128xf32>
    %mul3A_475 = arith.constant 7.680000e+02 : f32
    %mul3A_476 = vector.broadcast %mul3A_475 : f32 to vector<144x128xf32>
    %mul3A_477 = arith.mulf %mul3A_476, %add3A_474 : vector<144x128xf32>
    %mul3A_478 = arith.mulf %convert_element_type3A_52, %convert_element_type3A_467 : vector<144x256xbf16>
    %dot_general3A_479 = arith.constant dense<0.000000e+00> : vector<144x128xf32>
    %dot_general3A_480 = tpu.matmul %mul3A_478, %convert_element_type3A_70, %dot_general3A_479 {dimension_numbers = #tpu.dot_dimension_numbers<[1], [0], [0], [1], [0, 0, 1, 1], [], []>, transpose_lhs_hint = false} : vector<144x256xbf16>, vector<256x128xbf16>, vector<144x128xf32> -> vector<144x128xf32>
    %mul3A_481 = arith.mulf %convert_element_type3A_55, %convert_element_type3A_467 : vector<144x256xbf16>
    %dot_general3A_482 = arith.constant dense<0.000000e+00> : vector<144x128xf32>
    %dot_general3A_483 = tpu.matmul %mul3A_481, %convert_element_type3A_77, %dot_general3A_482 {dimension_numbers = #tpu.dot_dimension_numbers<[1], [0], [0], [1], [0, 0, 1, 1], [], []>, transpose_lhs_hint = false} : vector<144x256xbf16>, vector<256x128xbf16>, vector<144x128xf32> -> vector<144x128xf32>
    %add3A_484 = arith.addf %dot_general3A_480, %dot_general3A_483 : vector<144x128xf32>
    %mul3A_485 = arith.constant 6.000000e+00 : f32
    %mul3A_486 = vector.broadcast %mul3A_485 : f32 to vector<144x128xf32>
    %mul3A_487 = arith.mulf %mul3A_486, %add3A_484 : vector<144x128xf32>
    %add3A_488 = arith.addf %mul3A_477, %mul3A_487 : vector<144x128xf32>
    %add3A_489 = arith.addf %add3A_488, %convert_element_type3A : vector<144x128xf32>
    %convert_element_type3A_490 = arith.fptosi %add3A_489 : vector<144x128xf32> to vector<144x128xi32>
    %swap3A_491 = arith.constant 864 : index
    %swap3A_492 = arith.constant 0 : index
    %swap3A_493 = vector.load %arg3[%swap3A_491, %swap3A_492] : memref<1440x128xi32, #tpu.memory_space<vmem>>, vector<144x128xi32>
    tpu.vector_store %arg3[%swap3A_491, %swap3A_492], %convert_element_type3A_490 {strides = array<i32>} : memref<1440x128xi32, #tpu.memory_space<vmem>>, vector<144x128xi32>,
    %get3A_494 = arith.constant 7 : index
    %get3A_495 = arith.constant 0 : index
    %get3A_496 = arith.constant 0 : index
    %get3A_497 = vector.load %arg1[%get3A_494, %get3A_495, %get3A_496] : memref<10x1x256xi32, #tpu.memory_space<vmem>>, vector<1x1x256xi32>
    %get3A_498 = vector.shape_cast %get3A_497 : vector<1x1x256xi32> to vector<1x256xi32>
    %get3A_499 = arith.constant 7 : index
    %get3A_500 = arith.constant 0 : index
    %get3A_501 = arith.constant 0 : index
    %get3A_502 = vector.load %arg2[%get3A_499, %get3A_500, %get3A_501] : memref<10x1x256xi32, #tpu.memory_space<vmem>>, vector<1x1x256xi32>
    %get3A_503 = vector.shape_cast %get3A_502 : vector<1x1x256xi32> to vector<1x256xi32>
    %shift_right_arithmetic3A_504 = arith.constant 7 : i32
    %shift_right_arithmetic3A_505 = vector.broadcast %shift_right_arithmetic3A_504 : i32 to vector<1x256xi32>
    %shift_right_arithmetic3A_506 = arith.shrsi %get3A_498, %shift_right_arithmetic3A_505 : vector<1x256xi32>
    %shift_right_arithmetic3A_507 = arith.constant 7 : i32
    %shift_right_arithmetic3A_508 = vector.broadcast %shift_right_arithmetic3A_507 : i32 to vector<1x256xi32>
    %shift_right_arithmetic3A_509 = arith.shrsi %get3A_503, %shift_right_arithmetic3A_508 : vector<1x256xi32>
    %broadcast_in_dim3A_510 = vector.shape_cast %shift_right_arithmetic3A_506 : vector<1x256xi32> to vector<1x256xi32>
    %broadcast_in_dim3A_511 = vector.broadcast %broadcast_in_dim3A_510 : vector<1x256xi32> to vector<144x256xi32>
    %broadcast_in_dim3A_512 = vector.shape_cast %shift_right_arithmetic3A_509 : vector<1x256xi32> to vector<1x256xi32>
    %broadcast_in_dim3A_513 = vector.broadcast %broadcast_in_dim3A_512 : vector<1x256xi32> to vector<144x256xi32>
    %select_n3A_514 = arith.select %eq3A_38, %broadcast_in_dim3A_511, %broadcast_in_dim3A_513 : vector<144x256xi1>, vector<144x256xi32>
    %convert_element_type3A_515 = arith.sitofp %select_n3A_514 : vector<144x256xi32> to vector<144x256xbf16>
    %and3A_516 = arith.constant 127 : i32
    %and3A_517 = vector.broadcast %and3A_516 : i32 to vector<1x256xi32>
    %and3A_518 = arith.andi %get3A_498, %and3A_517 : vector<1x256xi32>
    %and3A_519 = arith.constant 127 : i32
    %and3A_520 = vector.broadcast %and3A_519 : i32 to vector<1x256xi32>
    %and3A_521 = arith.andi %get3A_503, %and3A_520 : vector<1x256xi32>
    %broadcast_in_dim3A_522 = vector.shape_cast %and3A_518 : vector<1x256xi32> to vector<1x256xi32>
    %broadcast_in_dim3A_523 = vector.broadcast %broadcast_in_dim3A_522 : vector<1x256xi32> to vector<144x256xi32>
    %broadcast_in_dim3A_524 = vector.shape_cast %and3A_521 : vector<1x256xi32> to vector<1x256xi32>
    %broadcast_in_dim3A_525 = vector.broadcast %broadcast_in_dim3A_524 : vector<1x256xi32> to vector<144x256xi32>
    %select_n3A_526 = arith.select %eq3A_38, %broadcast_in_dim3A_523, %broadcast_in_dim3A_525 : vector<144x256xi1>, vector<144x256xi32>
    %convert_element_type3A_527 = arith.sitofp %select_n3A_526 : vector<144x256xi32> to vector<144x256xbf16>
    %mul3A_528 = arith.mulf %convert_element_type3A_52, %convert_element_type3A_515 : vector<144x256xbf16>
    %dot_general3A_529 = arith.constant dense<0.000000e+00> : vector<144x128xf32>
    %dot_general3A_530 = tpu.matmul %mul3A_528, %convert_element_type3A_70, %dot_general3A_529 {dimension_numbers = #tpu.dot_dimension_numbers<[1], [0], [0], [1], [0, 0, 1, 1], [], []>, transpose_lhs_hint = false} : vector<144x256xbf16>, vector<256x128xbf16>, vector<144x128xf32> -> vector<144x128xf32>
    %mul3A_531 = arith.mulf %convert_element_type3A_55, %convert_element_type3A_515 : vector<144x256xbf16>
    %dot_general3A_532 = arith.constant dense<0.000000e+00> : vector<144x128xf32>
    %dot_general3A_533 = tpu.matmul %mul3A_531, %convert_element_type3A_77, %dot_general3A_532 {dimension_numbers = #tpu.dot_dimension_numbers<[1], [0], [0], [1], [0, 0, 1, 1], [], []>, transpose_lhs_hint = false} : vector<144x256xbf16>, vector<256x128xbf16>, vector<144x128xf32> -> vector<144x128xf32>
    %add3A_534 = arith.addf %dot_general3A_530, %dot_general3A_533 : vector<144x128xf32>
    %mul3A_535 = arith.constant 7.680000e+02 : f32
    %mul3A_536 = vector.broadcast %mul3A_535 : f32 to vector<144x128xf32>
    %mul3A_537 = arith.mulf %mul3A_536, %add3A_534 : vector<144x128xf32>
    %mul3A_538 = arith.mulf %convert_element_type3A_52, %convert_element_type3A_527 : vector<144x256xbf16>
    %dot_general3A_539 = arith.constant dense<0.000000e+00> : vector<144x128xf32>
    %dot_general3A_540 = tpu.matmul %mul3A_538, %convert_element_type3A_70, %dot_general3A_539 {dimension_numbers = #tpu.dot_dimension_numbers<[1], [0], [0], [1], [0, 0, 1, 1], [], []>, transpose_lhs_hint = false} : vector<144x256xbf16>, vector<256x128xbf16>, vector<144x128xf32> -> vector<144x128xf32>
    %mul3A_541 = arith.mulf %convert_element_type3A_55, %convert_element_type3A_527 : vector<144x256xbf16>
    %dot_general3A_542 = arith.constant dense<0.000000e+00> : vector<144x128xf32>
    %dot_general3A_543 = tpu.matmul %mul3A_541, %convert_element_type3A_77, %dot_general3A_542 {dimension_numbers = #tpu.dot_dimension_numbers<[1], [0], [0], [1], [0, 0, 1, 1], [], []>, transpose_lhs_hint = false} : vector<144x256xbf16>, vector<256x128xbf16>, vector<144x128xf32> -> vector<144x128xf32>
    %add3A_544 = arith.addf %dot_general3A_540, %dot_general3A_543 : vector<144x128xf32>
    %mul3A_545 = arith.constant 6.000000e+00 : f32
    %mul3A_546 = vector.broadcast %mul3A_545 : f32 to vector<144x128xf32>
    %mul3A_547 = arith.mulf %mul3A_546, %add3A_544 : vector<144x128xf32>
    %add3A_548 = arith.addf %mul3A_537, %mul3A_547 : vector<144x128xf32>
    %add3A_549 = arith.addf %add3A_548, %convert_element_type3A : vector<144x128xf32>
    %convert_element_type3A_550 = arith.fptosi %add3A_549 : vector<144x128xf32> to vector<144x128xi32>
    %swap3A_551 = arith.constant 1008 : index
    %swap3A_552 = arith.constant 0 : index
    %swap3A_553 = vector.load %arg3[%swap3A_551, %swap3A_552] : memref<1440x128xi32, #tpu.memory_space<vmem>>, vector<144x128xi32>
    tpu.vector_store %arg3[%swap3A_551, %swap3A_552], %convert_element_type3A_550 {strides = array<i32>} : memref<1440x128xi32, #tpu.memory_space<vmem>>, vector<144x128xi32>,
    %get3A_554 = arith.constant 8 : index
    %get3A_555 = arith.constant 0 : index
    %get3A_556 = arith.constant 0 : index
    %get3A_557 = vector.load %arg1[%get3A_554, %get3A_555, %get3A_556] : memref<10x1x256xi32, #tpu.memory_space<vmem>>, vector<1x1x256xi32>
    %get3A_558 = vector.shape_cast %get3A_557 : vector<1x1x256xi32> to vector<1x256xi32>
    %get3A_559 = arith.constant 8 : index
    %get3A_560 = arith.constant 0 : index
    %get3A_561 = arith.constant 0 : index
    %get3A_562 = vector.load %arg2[%get3A_559, %get3A_560, %get3A_561] : memref<10x1x256xi32, #tpu.memory_space<vmem>>, vector<1x1x256xi32>
    %get3A_563 = vector.shape_cast %get3A_562 : vector<1x1x256xi32> to vector<1x256xi32>
    %shift_right_arithmetic3A_564 = arith.constant 7 : i32
    %shift_right_arithmetic3A_565 = vector.broadcast %shift_right_arithmetic3A_564 : i32 to vector<1x256xi32>
    %shift_right_arithmetic3A_566 = arith.shrsi %get3A_558, %shift_right_arithmetic3A_565 : vector<1x256xi32>
    %shift_right_arithmetic3A_567 = arith.constant 7 : i32
    %shift_right_arithmetic3A_568 = vector.broadcast %shift_right_arithmetic3A_567 : i32 to vector<1x256xi32>
    %shift_right_arithmetic3A_569 = arith.shrsi %get3A_563, %shift_right_arithmetic3A_568 : vector<1x256xi32>
    %broadcast_in_dim3A_570 = vector.shape_cast %shift_right_arithmetic3A_566 : vector<1x256xi32> to vector<1x256xi32>
    %broadcast_in_dim3A_571 = vector.broadcast %broadcast_in_dim3A_570 : vector<1x256xi32> to vector<144x256xi32>
    %broadcast_in_dim3A_572 = vector.shape_cast %shift_right_arithmetic3A_569 : vector<1x256xi32> to vector<1x256xi32>
    %broadcast_in_dim3A_573 = vector.broadcast %broadcast_in_dim3A_572 : vector<1x256xi32> to vector<144x256xi32>
    %select_n3A_574 = arith.select %eq3A_38, %broadcast_in_dim3A_571, %broadcast_in_dim3A_573 : vector<144x256xi1>, vector<144x256xi32>
    %convert_element_type3A_575 = arith.sitofp %select_n3A_574 : vector<144x256xi32> to vector<144x256xbf16>
    %and3A_576 = arith.constant 127 : i32
    %and3A_577 = vector.broadcast %and3A_576 : i32 to vector<1x256xi32>
    %and3A_578 = arith.andi %get3A_558, %and3A_577 : vector<1x256xi32>
    %and3A_579 = arith.constant 127 : i32
    %and3A_580 = vector.broadcast %and3A_579 : i32 to vector<1x256xi32>
    %and3A_581 = arith.andi %get3A_563, %and3A_580 : vector<1x256xi32>
    %broadcast_in_dim3A_582 = vector.shape_cast %and3A_578 : vector<1x256xi32> to vector<1x256xi32>
    %broadcast_in_dim3A_583 = vector.broadcast %broadcast_in_dim3A_582 : vector<1x256xi32> to vector<144x256xi32>
    %broadcast_in_dim3A_584 = vector.shape_cast %and3A_581 : vector<1x256xi32> to vector<1x256xi32>
    %broadcast_in_dim3A_585 = vector.broadcast %broadcast_in_dim3A_584 : vector<1x256xi32> to vector<144x256xi32>
    %select_n3A_586 = arith.select %eq3A_38, %broadcast_in_dim3A_583, %broadcast_in_dim3A_585 : vector<144x256xi1>, vector<144x256xi32>
    %convert_element_type3A_587 = arith.sitofp %select_n3A_586 : vector<144x256xi32> to vector<144x256xbf16>
    %mul3A_588 = arith.mulf %convert_element_type3A_52, %convert_element_type3A_575 : vector<144x256xbf16>
    %dot_general3A_589 = arith.constant dense<0.000000e+00> : vector<144x128xf32>
    %dot_general3A_590 = tpu.matmul %mul3A_588, %convert_element_type3A_70, %dot_general3A_589 {dimension_numbers = #tpu.dot_dimension_numbers<[1], [0], [0], [1], [0, 0, 1, 1], [], []>, transpose_lhs_hint = false} : vector<144x256xbf16>, vector<256x128xbf16>, vector<144x128xf32> -> vector<144x128xf32>
    %mul3A_591 = arith.mulf %convert_element_type3A_55, %convert_element_type3A_575 : vector<144x256xbf16>
    %dot_general3A_592 = arith.constant dense<0.000000e+00> : vector<144x128xf32>
    %dot_general3A_593 = tpu.matmul %mul3A_591, %convert_element_type3A_77, %dot_general3A_592 {dimension_numbers = #tpu.dot_dimension_numbers<[1], [0], [0], [1], [0, 0, 1, 1], [], []>, transpose_lhs_hint = false} : vector<144x256xbf16>, vector<256x128xbf16>, vector<144x128xf32> -> vector<144x128xf32>
    %add3A_594 = arith.addf %dot_general3A_590, %dot_general3A_593 : vector<144x128xf32>
    %mul3A_595 = arith.constant 7.680000e+02 : f32
    %mul3A_596 = vector.broadcast %mul3A_595 : f32 to vector<144x128xf32>
    %mul3A_597 = arith.mulf %mul3A_596, %add3A_594 : vector<144x128xf32>
    %mul3A_598 = arith.mulf %convert_element_type3A_52, %convert_element_type3A_587 : vector<144x256xbf16>
    %dot_general3A_599 = arith.constant dense<0.000000e+00> : vector<144x128xf32>
    %dot_general3A_600 = tpu.matmul %mul3A_598, %convert_element_type3A_70, %dot_general3A_599 {dimension_numbers = #tpu.dot_dimension_numbers<[1], [0], [0], [1], [0, 0, 1, 1], [], []>, transpose_lhs_hint = false} : vector<144x256xbf16>, vector<256x128xbf16>, vector<144x128xf32> -> vector<144x128xf32>
    %mul3A_601 = arith.mulf %convert_element_type3A_55, %convert_element_type3A_587 : vector<144x256xbf16>
    %dot_general3A_602 = arith.constant dense<0.000000e+00> : vector<144x128xf32>
    %dot_general3A_603 = tpu.matmul %mul3A_601, %convert_element_type3A_77, %dot_general3A_602 {dimension_numbers = #tpu.dot_dimension_numbers<[1], [0], [0], [1], [0, 0, 1, 1], [], []>, transpose_lhs_hint = false} : vector<144x256xbf16>, vector<256x128xbf16>, vector<144x128xf32> -> vector<144x128xf32>
    %add3A_604 = arith.addf %dot_general3A_600, %dot_general3A_603 : vector<144x128xf32>
    %mul3A_605 = arith.constant 6.000000e+00 : f32
    %mul3A_606 = vector.broadcast %mul3A_605 : f32 to vector<144x128xf32>
    %mul3A_607 = arith.mulf %mul3A_606, %add3A_604 : vector<144x128xf32>
    %add3A_608 = arith.addf %mul3A_597, %mul3A_607 : vector<144x128xf32>
    %add3A_609 = arith.addf %add3A_608, %convert_element_type3A : vector<144x128xf32>
    %convert_element_type3A_610 = arith.fptosi %add3A_609 : vector<144x128xf32> to vector<144x128xi32>
    %swap3A_611 = arith.constant 1152 : index
    %swap3A_612 = arith.constant 0 : index
    %swap3A_613 = vector.load %arg3[%swap3A_611, %swap3A_612] : memref<1440x128xi32, #tpu.memory_space<vmem>>, vector<144x128xi32>
    tpu.vector_store %arg3[%swap3A_611, %swap3A_612], %convert_element_type3A_610 {strides = array<i32>} : memref<1440x128xi32, #tpu.memory_space<vmem>>, vector<144x128xi32>,
    %get3A_614 = arith.constant 9 : index
    %get3A_615 = arith.constant 0 : index
    %get3A_616 = arith.constant 0 : index
    %get3A_617 = vector.load %arg1[%get3A_614, %get3A_615, %get3A_616] : memref<10x1x256xi32, #tpu.memory_space<vmem>>, vector<1x1x256xi32>
    %get3A_618 = vector.shape_cast %get3A_617 : vector<1x1x256xi32> to vector<1x256xi32>
    %get3A_619 = arith.constant 9 : index
    %get3A_620 = arith.constant 0 : index
    %get3A_621 = arith.constant 0 : index
    %get3A_622 = vector.load %arg2[%get3A_619, %get3A_620, %get3A_621] : memref<10x1x256xi32, #tpu.memory_space<vmem>>, vector<1x1x256xi32>
    %get3A_623 = vector.shape_cast %get3A_622 : vector<1x1x256xi32> to vector<1x256xi32>
    %shift_right_arithmetic3A_624 = arith.constant 7 : i32
    %shift_right_arithmetic3A_625 = vector.broadcast %shift_right_arithmetic3A_624 : i32 to vector<1x256xi32>
    %shift_right_arithmetic3A_626 = arith.shrsi %get3A_618, %shift_right_arithmetic3A_625 : vector<1x256xi32>
    %shift_right_arithmetic3A_627 = arith.constant 7 : i32
    %shift_right_arithmetic3A_628 = vector.broadcast %shift_right_arithmetic3A_627 : i32 to vector<1x256xi32>
    %shift_right_arithmetic3A_629 = arith.shrsi %get3A_623, %shift_right_arithmetic3A_628 : vector<1x256xi32>
    %broadcast_in_dim3A_630 = vector.shape_cast %shift_right_arithmetic3A_626 : vector<1x256xi32> to vector<1x256xi32>
    %broadcast_in_dim3A_631 = vector.broadcast %broadcast_in_dim3A_630 : vector<1x256xi32> to vector<144x256xi32>
    %broadcast_in_dim3A_632 = vector.shape_cast %shift_right_arithmetic3A_629 : vector<1x256xi32> to vector<1x256xi32>
    %broadcast_in_dim3A_633 = vector.broadcast %broadcast_in_dim3A_632 : vector<1x256xi32> to vector<144x256xi32>
    %select_n3A_634 = arith.select %eq3A_38, %broadcast_in_dim3A_631, %broadcast_in_dim3A_633 : vector<144x256xi1>, vector<144x256xi32>
    %convert_element_type3A_635 = arith.sitofp %select_n3A_634 : vector<144x256xi32> to vector<144x256xbf16>
    %and3A_636 = arith.constant 127 : i32
    %and3A_637 = vector.broadcast %and3A_636 : i32 to vector<1x256xi32>
    %and3A_638 = arith.andi %get3A_618, %and3A_637 : vector<1x256xi32>
    %and3A_639 = arith.constant 127 : i32
    %and3A_640 = vector.broadcast %and3A_639 : i32 to vector<1x256xi32>
    %and3A_641 = arith.andi %get3A_623, %and3A_640 : vector<1x256xi32>
    %broadcast_in_dim3A_642 = vector.shape_cast %and3A_638 : vector<1x256xi32> to vector<1x256xi32>
    %broadcast_in_dim3A_643 = vector.broadcast %broadcast_in_dim3A_642 : vector<1x256xi32> to vector<144x256xi32>
    %broadcast_in_dim3A_644 = vector.shape_cast %and3A_641 : vector<1x256xi32> to vector<1x256xi32>
    %broadcast_in_dim3A_645 = vector.broadcast %broadcast_in_dim3A_644 : vector<1x256xi32> to vector<144x256xi32>
    %select_n3A_646 = arith.select %eq3A_38, %broadcast_in_dim3A_643, %broadcast_in_dim3A_645 : vector<144x256xi1>, vector<144x256xi32>
    %convert_element_type3A_647 = arith.sitofp %select_n3A_646 : vector<144x256xi32> to vector<144x256xbf16>
    %mul3A_648 = arith.mulf %convert_element_type3A_52, %convert_element_type3A_635 : vector<144x256xbf16>
    %dot_general3A_649 = arith.constant dense<0.000000e+00> : vector<144x128xf32>
    %dot_general3A_650 = tpu.matmul %mul3A_648, %convert_element_type3A_70, %dot_general3A_649 {dimension_numbers = #tpu.dot_dimension_numbers<[1], [0], [0], [1], [0, 0, 1, 1], [], []>, transpose_lhs_hint = false} : vector<144x256xbf16>, vector<256x128xbf16>, vector<144x128xf32> -> vector<144x128xf32>
    %mul3A_651 = arith.mulf %convert_element_type3A_55, %convert_element_type3A_635 : vector<144x256xbf16>
    %dot_general3A_652 = arith.constant dense<0.000000e+00> : vector<144x128xf32>
    %dot_general3A_653 = tpu.matmul %mul3A_651, %convert_element_type3A_77, %dot_general3A_652 {dimension_numbers = #tpu.dot_dimension_numbers<[1], [0], [0], [1], [0, 0, 1, 1], [], []>, transpose_lhs_hint = false} : vector<144x256xbf16>, vector<256x128xbf16>, vector<144x128xf32> -> vector<144x128xf32>
    %add3A_654 = arith.addf %dot_general3A_650, %dot_general3A_653 : vector<144x128xf32>
    %mul3A_655 = arith.constant 7.680000e+02 : f32
    %mul3A_656 = vector.broadcast %mul3A_655 : f32 to vector<144x128xf32>
    %mul3A_657 = arith.mulf %mul3A_656, %add3A_654 : vector<144x128xf32>
    %mul3A_658 = arith.mulf %convert_element_type3A_52, %convert_element_type3A_647 : vector<144x256xbf16>
    %dot_general3A_659 = arith.constant dense<0.000000e+00> : vector<144x128xf32>
    %dot_general3A_660 = tpu.matmul %mul3A_658, %convert_element_type3A_70, %dot_general3A_659 {dimension_numbers = #tpu.dot_dimension_numbers<[1], [0], [0], [1], [0, 0, 1, 1], [], []>, transpose_lhs_hint = false} : vector<144x256xbf16>, vector<256x128xbf16>, vector<144x128xf32> -> vector<144x128xf32>
    %mul3A_661 = arith.mulf %convert_element_type3A_55, %convert_element_type3A_647 : vector<144x256xbf16>
    %dot_general3A_662 = arith.constant dense<0.000000e+00> : vector<144x128xf32>
    %dot_general3A_663 = tpu.matmul %mul3A_661, %convert_element_type3A_77, %dot_general3A_662 {dimension_numbers = #tpu.dot_dimension_numbers<[1], [0], [0], [1], [0, 0, 1, 1], [], []>, transpose_lhs_hint = false} : vector<144x256xbf16>, vector<256x128xbf16>, vector<144x128xf32> -> vector<144x128xf32>
    %add3A_664 = arith.addf %dot_general3A_660, %dot_general3A_663 : vector<144x128xf32>
    %mul3A_665 = arith.constant 6.000000e+00 : f32
    %mul3A_666 = vector.broadcast %mul3A_665 : f32 to vector<144x128xf32>
    %mul3A_667 = arith.mulf %mul3A_666, %add3A_664 : vector<144x128xf32>
    %add3A_668 = arith.addf %mul3A_657, %mul3A_667 : vector<144x128xf32>
    %add3A_669 = arith.addf %add3A_668, %convert_element_type3A : vector<144x128xf32>
    %convert_element_type3A_670 = arith.fptosi %add3A_669 : vector<144x128xf32> to vector<144x128xi32>
    %swap3A_671 = arith.constant 1296 : index
    %swap3A_672 = arith.constant 0 : index
    %swap3A_673 = vector.load %arg3[%swap3A_671, %swap3A_672] : memref<1440x128xi32, #tpu.memory_space<vmem>>, vector<144x128xi32>
    tpu.vector_store %arg3[%swap3A_671, %swap3A_672], %convert_element_type3A_670 {strides = array<i32>} : memref<1440x128xi32, #tpu.memory_space<vmem>>, vector<144x128xi32>,
    return
  }
  func.func @transform_0(%arg0: i32) -> (i32, i32, i32) {
    %c0_i32 = arith.constant 0 : i32
    %c0_i32_0 = arith.constant 0 : i32
    %c0_i32_1 = arith.constant 0 : i32
    return %arg0, %c0_i32, %c0_i32_0 : i32, i32, i32
  }
  func.func @transform_1(%arg0: i32) -> (i32, i32, i32) {
    %c0_i32 = arith.constant 0 : i32
    %c0_i32_0 = arith.constant 0 : i32
    %c0_i32_1 = arith.constant 0 : i32
    return %arg0, %c0_i32, %c0_i32_0 : i32, i32, i32
  }
  func.func @transform_2(%arg0: i32) -> (i32, i32) {
    %c0_i32 = arith.constant 0 : i32
    %c0_i32_0 = arith.constant 0 : i32
    return %arg0, %c0_i32 : i32, i32
  }
}

module attributes {stable_mosaic.version = 14 : i64} {
  func.func @_consts_body(%arg0: memref<256x48xf32, #tpu.memory_space<vmem>>, %arg1: memref<256x1xf32, #tpu.memory_space<vmem>>, %arg2: memref<256x1xf32, #tpu.memory_space<vmem>>, %arg3: memref<1x48xf32, #tpu.memory_space<vmem>>, %arg4: memref<2x48xf32, #tpu.memory_space<vmem>>) attributes {dimension_semantics = [], scalar_prefetch = 0 : i64, scratch_operands = 0 : i64, tpu.core_type = #tpu.core_type<tc>} {
    %get3A = arith.constant 0 : index
    %get3A_0 = arith.constant 0 : index
    %get3A_1 = vector.load %arg0[%get3A, %get3A_0] : memref<256x48xf32, #tpu.memory_space<vmem>>, vector<256x48xf32>
    %get3A_2 = arith.constant 0 : index
    %get3A_3 = arith.constant 0 : index
    %get3A_4 = vector.load %arg1[%get3A_2, %get3A_3] : memref<256x1xf32, #tpu.memory_space<vmem>>, vector<256x1xf32>
    %mul3A = vector.broadcast %get3A_4 : vector<256x1xf32> to vector<256x48xf32>
    %mul3A_5 = arith.mulf %get3A_1, %mul3A : vector<256x48xf32>
    %reduce_sum3A = arith.constant dense<0.000000e+00> : vector<48xf32>
    %reduce_sum3A_6 = vector.multi_reduction <add>, %mul3A_5, %reduce_sum3A [0] : vector<256x48xf32> to vector<48xf32>
    %broadcast_in_dim3A = vector.shape_cast %reduce_sum3A_6 : vector<48xf32> to vector<1x48xf32>
    %get3A_7 = arith.constant 0 : index
    %get3A_8 = arith.constant 0 : index
    %get3A_9 = vector.load %arg2[%get3A_7, %get3A_8] : memref<256x1xf32, #tpu.memory_space<vmem>>, vector<256x1xf32>
    %mul3A_10 = vector.broadcast %get3A_9 : vector<256x1xf32> to vector<256x48xf32>
    %mul3A_11 = arith.mulf %get3A_1, %mul3A_10 : vector<256x48xf32>
    %reduce_sum3A_12 = arith.constant dense<0.000000e+00> : vector<48xf32>
    %reduce_sum3A_13 = vector.multi_reduction <add>, %mul3A_11, %reduce_sum3A_12 [0] : vector<256x48xf32> to vector<48xf32>
    %broadcast_in_dim3A_14 = vector.shape_cast %reduce_sum3A_13 : vector<48xf32> to vector<1x48xf32>
    %get3A_15 = arith.constant 0 : index
    %get3A_16 = arith.constant 0 : index
    %get3A_17 = vector.load %arg3[%get3A_15, %get3A_16] : memref<1x48xf32, #tpu.memory_space<vmem>>, vector<1x48xf32>
    %add3A = arith.addf %broadcast_in_dim3A_14, %get3A_17 : vector<1x48xf32>
    %concatenate3A = tpu.concatenate %broadcast_in_dim3A, %add3A in 0 : vector<1x48xf32>, vector<1x48xf32> -> vector<2x48xf32>
    %swap3A = arith.constant 0 : index
    %swap3A_18 = arith.constant 0 : index
    %swap3A_19 = vector.load %arg4[%swap3A, %swap3A_18] : memref<2x48xf32, #tpu.memory_space<vmem>>, vector<2x48xf32>
    tpu.vector_store %arg4[%swap3A, %swap3A_18], %concatenate3A {strides = array<i32>} : memref<2x48xf32, #tpu.memory_space<vmem>>, vector<2x48xf32>,
    return
  }
}

module attributes {stable_mosaic.version = 14 : i64} {
  func.func @_pairs_body(%arg0: i32, %arg1: memref<6400x128xf32, #tpu.memory_space<vmem>>, %arg2: memref<2x48xf32, #tpu.memory_space<vmem>>, %arg3: memref<6400x36xf32, #tpu.memory_space<vmem>>) attributes {dimension_semantics = [#tpu.dimension_semantics<parallel>], iteration_bounds = array<i64: 50>, scalar_prefetch = 0 : i64, scratch_operands = 0 : i64, tpu.core_type = #tpu.core_type<tc>, window_params = [{transform_indices = @transform_0, window_bounds = array<i64: 6400, 128>}, {pipeline_mode = #tpu.pipeline_mode<synchronous>, transform_indices = @transform_1, window_bounds = array<i64: 2, 48>}, {transform_indices = @transform_2, window_bounds = array<i64: 6400, 36>}]} {
    %get3A = arith.constant 0 : index
    %get3A_0 = arith.constant 0 : index
    %get3A_1 = vector.load %arg1[%get3A, %get3A_0] : memref<6400x128xf32, #tpu.memory_space<vmem>>, vector<6400x128xf32>
    %slice3A = vector.extract_strided_slice %get3A_1 {offsets = [0, 0], sizes = [6400, 48], strides = [1, 1]} : vector<6400x128xf32> to vector<6400x48xf32>
    %get3A_2 = arith.constant 0 : index
    %get3A_3 = arith.constant 0 : index
    %get3A_4 = vector.load %arg2[%get3A_2, %get3A_3] : memref<2x48xf32, #tpu.memory_space<vmem>>, vector<1x48xf32>
    %get3A_5 = arith.constant 1 : index
    %get3A_6 = arith.constant 0 : index
    %get3A_7 = vector.load %arg2[%get3A_5, %get3A_6] : memref<2x48xf32, #tpu.memory_space<vmem>>, vector<1x48xf32>
    %slice3A_8 = vector.extract_strided_slice %slice3A {offsets = [0, 32], sizes = [6400, 1], strides = [1, 1]} : vector<6400x48xf32> to vector<6400x1xf32>
    %mul3A = arith.constant 3.906250e-03 : f32
    %mul3A_9 = vector.broadcast %mul3A : f32 to vector<6400x1xf32>
    %mul3A_10 = arith.mulf %slice3A_8, %mul3A_9 : vector<6400x1xf32>
    %slice3A_11 = vector.extract_strided_slice %slice3A {offsets = [0, 33], sizes = [6400, 1], strides = [1, 1]} : vector<6400x48xf32> to vector<6400x1xf32>
    %mul3A_12 = arith.constant 3.906250e-03 : f32
    %mul3A_13 = vector.broadcast %mul3A_12 : f32 to vector<6400x1xf32>
    %mul3A_14 = arith.mulf %slice3A_11, %mul3A_13 : vector<6400x1xf32>
    %mul3A_15 = arith.mulf %mul3A_10, %mul3A_10 : vector<6400x1xf32>
    %sub3A = arith.subf %mul3A_14, %mul3A_15 : vector<6400x1xf32>
    %add3A = arith.constant 9.99999974E-6 : f32
    %add3A_16 = vector.broadcast %add3A : f32 to vector<6400x1xf32>
    %add3A_17 = arith.addf %sub3A, %add3A_16 : vector<6400x1xf32>
    %rsqrt3A = math.rsqrt %add3A_17 : vector<6400x1xf32>
    %mul3A_18 = vector.broadcast %mul3A_10 : vector<6400x1xf32> to vector<6400x48xf32>
    %mul3A_19 = vector.broadcast %get3A_4 : vector<1x48xf32> to vector<6400x48xf32>
    %mul3A_20 = arith.mulf %mul3A_18, %mul3A_19 : vector<6400x48xf32>
    %sub3A_21 = arith.subf %slice3A, %mul3A_20 : vector<6400x48xf32>
    %mul3A_22 = vector.broadcast %rsqrt3A : vector<6400x1xf32> to vector<6400x48xf32>
    %mul3A_23 = arith.mulf %sub3A_21, %mul3A_22 : vector<6400x48xf32>
    %add3A_24 = vector.broadcast %get3A_7 : vector<1x48xf32> to vector<6400x48xf32>
    %add3A_25 = arith.addf %mul3A_23, %add3A_24 : vector<6400x48xf32>
    %logistic3A = arith.negf %add3A_25 : vector<6400x48xf32>
    %logistic3A_26 = math.exp %logistic3A : vector<6400x48xf32>
    %logistic3A_27 = arith.constant 1.000000e+00 : f32
    %logistic3A_28 = vector.broadcast %logistic3A_27 : f32 to vector<6400x48xf32>
    %logistic3A_29 = arith.addf %logistic3A_28, %logistic3A_26 : vector<6400x48xf32>
    %logistic3A_30 = arith.divf %logistic3A_28, %logistic3A_29 : vector<6400x48xf32>
    %iota3A = tpu.iota {dimensions = array<i32: 0>} : vector<48x36xi32>
    %iota3A_31 = tpu.iota {dimensions = array<i32: 1>} : vector<48x36xi32>
    %mul3A_32 = arith.constant 43691 : i32
    %mul3A_33 = vector.broadcast %mul3A_32 : i32 to vector<48x36xi32>
    %mul3A_34 = arith.muli %iota3A_31, %mul3A_33 : vector<48x36xi32>
    %shift_right_arithmetic3A = arith.constant 18 : i32
    %shift_right_arithmetic3A_35 = vector.broadcast %shift_right_arithmetic3A : i32 to vector<48x36xi32>
    %shift_right_arithmetic3A_36 = arith.shrsi %mul3A_34, %shift_right_arithmetic3A_35 : vector<48x36xi32>
    %mul3A_37 = arith.constant 6 : i32
    %mul3A_38 = vector.broadcast %mul3A_37 : i32 to vector<48x36xi32>
    %mul3A_39 = arith.muli %mul3A_38, %shift_right_arithmetic3A_36 : vector<48x36xi32>
    %sub3A_40 = arith.subi %iota3A_31, %mul3A_39 : vector<48x36xi32>
    %mul3A_41 = arith.constant 2 : i32
    %mul3A_42 = vector.broadcast %mul3A_41 : i32 to vector<48x36xi32>
    %mul3A_43 = arith.muli %mul3A_42, %shift_right_arithmetic3A_36 : vector<48x36xi32>
    %eq3A = arith.cmpi eq, %iota3A, %mul3A_43 : vector<48x36xi32>
    %convert_element_type3A = arith.extui %eq3A : vector<48x36xi1> to vector<48x36xi32>
    %convert_element_type3A_44 = arith.sitofp %convert_element_type3A : vector<48x36xi32> to vector<48x36xf32>
    %convert_element_type3A_45 = arith.truncf %convert_element_type3A_44 : vector<48x36xf32> to vector<48x36xbf16>
    %mul3A_46 = arith.constant 2 : i32
    %mul3A_47 = vector.broadcast %mul3A_46 : i32 to vector<48x36xi32>
    %mul3A_48 = arith.muli %mul3A_47, %sub3A_40 : vector<48x36xi32>
    %add3A_49 = arith.constant 12 : i32
    %add3A_50 = vector.broadcast %add3A_49 : i32 to vector<48x36xi32>
    %add3A_51 = arith.addi %add3A_50, %mul3A_48 : vector<48x36xi32>
    %eq3A_52 = arith.cmpi eq, %iota3A, %add3A_51 : vector<48x36xi32>
    %convert_element_type3A_53 = arith.extui %eq3A_52 : vector<48x36xi1> to vector<48x36xi32>
    %convert_element_type3A_54 = arith.sitofp %convert_element_type3A_53 : vector<48x36xi32> to vector<48x36xf32>
    %convert_element_type3A_55 = arith.truncf %convert_element_type3A_54 : vector<48x36xf32> to vector<48x36xbf16>
    %mul3A_56 = arith.constant 2 : i32
    %mul3A_57 = vector.broadcast %mul3A_56 : i32 to vector<48x36xi32>
    %mul3A_58 = arith.muli %mul3A_57, %shift_right_arithmetic3A_36 : vector<48x36xi32>
    %add3A_59 = arith.constant 1 : i32
    %add3A_60 = vector.broadcast %add3A_59 : i32 to vector<48x36xi32>
    %add3A_61 = arith.addi %mul3A_58, %add3A_60 : vector<48x36xi32>
    %eq3A_62 = arith.cmpi eq, %iota3A, %add3A_61 : vector<48x36xi32>
    %convert_element_type3A_63 = arith.extui %eq3A_62 : vector<48x36xi1> to vector<48x36xi32>
    %convert_element_type3A_64 = arith.sitofp %convert_element_type3A_63 : vector<48x36xi32> to vector<48x36xf32>
    %convert_element_type3A_65 = arith.truncf %convert_element_type3A_64 : vector<48x36xf32> to vector<48x36xbf16>
    %mul3A_66 = arith.constant 2 : i32
    %mul3A_67 = vector.broadcast %mul3A_66 : i32 to vector<48x36xi32>
    %mul3A_68 = arith.muli %mul3A_67, %sub3A_40 : vector<48x36xi32>
    %add3A_69 = arith.constant 13 : i32
    %add3A_70 = vector.broadcast %add3A_69 : i32 to vector<48x36xi32>
    %add3A_71 = arith.addi %add3A_70, %mul3A_68 : vector<48x36xi32>
    %eq3A_72 = arith.cmpi eq, %iota3A, %add3A_71 : vector<48x36xi32>
    %convert_element_type3A_73 = arith.extui %eq3A_72 : vector<48x36xi1> to vector<48x36xi32>
    %convert_element_type3A_74 = arith.sitofp %convert_element_type3A_73 : vector<48x36xi32> to vector<48x36xf32>
    %convert_element_type3A_75 = arith.truncf %convert_element_type3A_74 : vector<48x36xf32> to vector<48x36xbf16>
    %add3A_76 = arith.constant 24 : i32
    %add3A_77 = vector.broadcast %add3A_76 : i32 to vector<48x36xi32>
    %add3A_78 = arith.addi %add3A_77, %shift_right_arithmetic3A_36 : vector<48x36xi32>
    %eq3A_79 = arith.cmpi eq, %iota3A, %add3A_78 : vector<48x36xi32>
    %eq3A_80 = arith.cmpi eq, %shift_right_arithmetic3A_36, %sub3A_40 : vector<48x36xi32>
    %and3A = arith.andi %eq3A_79, %eq3A_80 : vector<48x36xi1>
    %convert_element_type3A_81 = arith.extui %and3A : vector<48x36xi1> to vector<48x36xi32>
    %convert_element_type3A_82 = arith.sitofp %convert_element_type3A_81 : vector<48x36xi32> to vector<48x36xf32>
    %convert_element_type3A_83 = arith.truncf %convert_element_type3A_82 : vector<48x36xf32> to vector<48x36xbf16>
    %convert_element_type3A_84 = arith.truncf %logistic3A_30 : vector<6400x48xf32> to vector<6400x48xbf16>
    %dot_general3A = arith.constant dense<0.000000e+00> : vector<6400x36xf32>
    %dot_general3A_85 = tpu.matmul %convert_element_type3A_84, %convert_element_type3A_45, %dot_general3A {dimension_numbers = #tpu.dot_dimension_numbers<[1], [0], [0], [1], [0, 0, 1, 1], [], []>, transpose_lhs_hint = false} : vector<6400x48xbf16>, vector<48x36xbf16>, vector<6400x36xf32> -> vector<6400x36xf32>
    %dot_general3A_86 = arith.constant dense<0.000000e+00> : vector<6400x36xf32>
    %dot_general3A_87 = tpu.matmul %convert_element_type3A_84, %convert_element_type3A_55, %dot_general3A_86 {dimension_numbers = #tpu.dot_dimension_numbers<[1], [0], [0], [1], [0, 0, 1, 1], [], []>, transpose_lhs_hint = false} : vector<6400x48xbf16>, vector<48x36xbf16>, vector<6400x36xf32> -> vector<6400x36xf32>
    %mul3A_88 = arith.mulf %dot_general3A_85, %dot_general3A_87 : vector<6400x36xf32>
    %dot_general3A_89 = arith.constant dense<0.000000e+00> : vector<6400x36xf32>
    %dot_general3A_90 = tpu.matmul %convert_element_type3A_84, %convert_element_type3A_65, %dot_general3A_89 {dimension_numbers = #tpu.dot_dimension_numbers<[1], [0], [0], [1], [0, 0, 1, 1], [], []>, transpose_lhs_hint = false} : vector<6400x48xbf16>, vector<48x36xbf16>, vector<6400x36xf32> -> vector<6400x36xf32>
    %dot_general3A_91 = arith.constant dense<0.000000e+00> : vector<6400x36xf32>
    %dot_general3A_92 = tpu.matmul %convert_element_type3A_84, %convert_element_type3A_75, %dot_general3A_91 {dimension_numbers = #tpu.dot_dimension_numbers<[1], [0], [0], [1], [0, 0, 1, 1], [], []>, transpose_lhs_hint = false} : vector<6400x48xbf16>, vector<48x36xbf16>, vector<6400x36xf32> -> vector<6400x36xf32>
    %mul3A_93 = arith.mulf %dot_general3A_90, %dot_general3A_92 : vector<6400x36xf32>
    %add3A_94 = arith.addf %mul3A_88, %mul3A_93 : vector<6400x36xf32>
    %dot_general3A_95 = arith.constant dense<0.000000e+00> : vector<6400x36xf32>
    %dot_general3A_96 = tpu.matmul %convert_element_type3A_84, %convert_element_type3A_83, %dot_general3A_95 {dimension_numbers = #tpu.dot_dimension_numbers<[1], [0], [0], [1], [0, 0, 1, 1], [], []>, transpose_lhs_hint = false} : vector<6400x48xbf16>, vector<48x36xbf16>, vector<6400x36xf32> -> vector<6400x36xf32>
    %add3A_97 = arith.addf %add3A_94, %dot_general3A_96 : vector<6400x36xf32>
    %swap3A = arith.constant 0 : index
    %swap3A_98 = arith.constant 0 : index
    %swap3A_99 = vector.load %arg3[%swap3A, %swap3A_98] : memref<6400x36xf32, #tpu.memory_space<vmem>>, vector<6400x36xf32>
    tpu.vector_store %arg3[%swap3A, %swap3A_98], %add3A_97 {strides = array<i32>} : memref<6400x36xf32, #tpu.memory_space<vmem>>, vector<6400x36xf32>,
    return
  }
  func.func @transform_0(%arg0: i32) -> (i32, i32) {
    %c0_i32 = arith.constant 0 : i32
    %c0_i32_0 = arith.constant 0 : i32
    return %arg0, %c0_i32 : i32, i32
  }
  func.func @transform_1(%arg0: i32) -> (i32, i32) {
    %c0_i32 = arith.constant 0 : i32
    %c0_i32_0 = arith.constant 0 : i32
    %c0_i32_1 = arith.constant 0 : i32
    return %c0_i32, %c0_i32_0 : i32, i32
  }
  func.func @transform_2(%arg0: i32) -> (i32, i32) {
    %c0_i32 = arith.constant 0 : i32
    %c0_i32_0 = arith.constant 0 : i32
    return %arg0, %c0_i32 : i32, i32
  }
}

</mosaic_0001>

<sc_bundles>
// kernel: kernel.8.cloned.1.call-start
scs
__scs_entry_jumppad:
0x0: {  	(pc) =	sbr.rel $0x88, $3  }
0x1: {  	(tag) =	ssettag $0x0;
	lr =	simm.s32 $0x1  }
0x2: {  	[smem:$0x3F9A] =	sst lr;
	_ =	strace $0xD0000000  }
0x3: {  	_ = 	snop  }
0x4: {  	_ = 	snop  }
0x5: {  	_ = 	snop  }
0x6: {  	_ = 	snop  }
0x7: {  	_ = 	snop  }
__scs_overlays_trampoline_lowered:
0x8: {  	[smem:$0x3FA9] =	sst s0  }
0x9: {  	[smem:$0x3FAA] =	sst s1  }
0xa: {  	[smem:$0x3FAB] =	sst s2  }
0xb: {  	[smem:$0x3FAC] =	sst s3  }
0xc: {  	[smem:$0x3FAD] =	sst s4  }
0xd: {  	[smem:$0x3FAE] =	sst s5  }
0xe: {  	[smem:$0x3FAF] =	sst s6  }
0xf: {  	[smem:$0x3FB0] =	sst s7  }
0x10: {  	[smem:$0x3FB1] =	sst s8  }
0x11: {  	[smem:$0x3FB2] =	sst s9;
	s0 =	simm.s32 @!p0 $0x0  }
0x12: {  	s1 =	sld [smem:$0x3F98];
	s0 =	simm.s32 @p0 $0x1  }
0x13: {  	[smem:$0x3FB3] =	sst s0;
	s0 =	simm.s32 @!p1 $0x0  }
0x14: {  	s2 =	sld [smem:$0x3F97];
	s0 =	simm.s32 @p1 $0x1  }
0x15: {  	[smem:$0x3FB4] =	sst s0;
	s0 =	simm.s32 @!p2 $0x0  }
0x16: {  	s3 =	sld [smem:$0x3FDB];
	s0 =	simm.s32 @p2 $0x1  }
0x17: {  	s4 =	simm.s32 $0x1BF5;
	[smem:$0x3FB6] =	sst s0  }
0x18: {  	s0 =	sld [smem:$0x3F99];
	_ =	swait.ge [sflag:s4], $0x0  }
0x19: {  	s7 =	sld [smem:$0x3F9A]  }
0x1a: {  	s8 =	sadd.s32 $0xFFFFE003, lr  }
0x1b: {  	s9 =	sadd.s32 $0xFFFFFEF7, lr;
	s5 =	simm.s32 $0xFFFFFFFF;
	p2 =	slt.u32 s8, $0xFFFFF086  }
0x1c: {  	p1 =	slt.u32 s9, $0xF7A;
	s5 =	simm.s32 @!p2 $0x0  }
0x1d: {  	s5 =	simm.s32 @p1 $0x1;
	p0 =	seq.s32 s7, s2  }
0x1e: {  	s7 =	smul.u32 @!p0 $0xF7A, s2;
	p2 =	seq.s32 @!p0 s5, $0x0  }
0x1f: {  	s9 =	smul.u32 $0xF7A, s1;
	s8 =	simm.s32 @!p0 $0x1BF5;
	p2 =	por !p2, p0  }
0x20: {  	[sflag:s8] =	ssyncset.s32 @!p0 $0xFFFFF086;
	s6 =	sadd.s32 @!p0 s3, s7;
	s7 =	simm.s32 @!p0 $0x108  }
0x21: {  	s3 =	sadd.s32 s3, s9;
	s6 =	sadd.s32 @!p0 $0x88, s6;
	s7 =	simm.s32 @p2 $0x1082  }
0x22: {  	[simem:s7], [sflag:s8] =	dma.local @!p0 [hbm:s6], $0xF7A  }
0x23: {  	s9 =	sor.u32 $0xD0000000, s2;
	s6 =	simm.s32 $0x108;
	_ =	swait.ge @!p0 [sflag:s8], $0x0  }
0x24: {  	s3 =	sadd.s32 $0x88, s3;
	s6 =	simm.s32 @!p1 $0x1082;
	[sflag:s4] =	ssyncset.s32 $0xFFFFF086  }
0x25: {  	[simem:s6], [sflag:s4] =	dma.local [hbm:s3], $0xF7A  }
0x26: {  	[smem:$0x3F9A] =	sst s1;
	(tag) =	ssettag s2;
	_ =	strace s9  }
0x27: {  	s1 =	sld [smem:$0x3FAA]  }
0x28: {  	s2 =	sld [smem:$0x3FAB]  }
0x29: {  	s4 =	sld [smem:$0x3FAD]  }
0x2a: {  	p0 =	seq.s32 s5, $0x0;
	s5 =	sld [smem:$0x3FAE]  }
0x2b: {  	s6 =	sld [smem:$0x3FAF]  }
0x2c: {  	s7 =	sld [smem:$0x3FB0]  }
0x2d: {  	s3 =	simm.s32 $0x108;
	s8 =	sld [smem:$0x3FB1]  }
0x2e: {  	s3 =	simm.s32 @!p0 $0x1082;
	s9 =	sld [smem:$0x3FB2]  }
0x2f: {  	lr =	sadd.s32 s0, s3;
	s0 =	sld [smem:$0x3FA9]  }
0x30: {  	s3 =	sld [smem:$0x3FAC]  }
0x31: {  	[smem:$0x3FB5] =	sst s10  }
0x32: {  	s10 =	sld [smem:$0x3FB3];
	_ =	sdelay $0x3  }
0x33: {  	p0 =	seq.s32 s10, $0x1;
	s10 =	sld [smem:$0x3FB5];
	_ =	sdelay $0x3  }
0x34: {  	[smem:$0x3FB5] =	sst s10  }
0x35: {  	s10 =	sld [smem:$0x3FB4];
	_ =	sdelay $0x3  }
0x36: {  	p1 =	seq.s32 s10, $0x1;
	s10 =	sld [smem:$0x3FB5];
	_ =	sdelay $0x3  }
0x37: {  	[smem:$0x3FB5] =	sst s10  }
0x38: {  	s10 =	sld [smem:$0x3FB6]  }
0x39: {  	_ = 	snop;
	(pc) =	sbr.ind lr, $3  }
0x3a: {  	_ = 	snop  }
0x3b: {  	_ = 	snop  }
0x3c: {  	p2 =	seq.s32 s10, $0x1;
	s10 =	sld [smem:$0x3FB5]  }
0x3d: {  	_ =	shalt  }
0x3e: {  	_ =	shalt  }
0x3f: {  	_ =	shalt  }
0x40: {  	_ =	shalt  }
0x41: {  	_ =	shalt  }
0x42: {  	_ =	shalt  }
0x43: {  	_ =	shalt  }
0x44: {  	_ =	shalt  }
0x45: {  	_ =	shalt  }
0x46: {  	_ =	shalt  }
0x47: {  	_ =	shalt  }
0x48: {  	_ =	shalt  }
0x49: {  	_ =	shalt  }
0x4a: {  	_ =	shalt  }
0x4b: {  	_ =	shalt  }
0x4c: {  	_ =	shalt  }
0x4d: {  	_ =	shalt  }
0x4e: {  	_ =	shalt  }
0x4f: {  	_ =	shalt  }
0x50: {  	_ =	shalt  }
0x51: {  	_ =	shalt  }
0x52: {  	_ =	shalt  }
0x53: {  	_ =	shalt  }
0x54: {  	_ =	shalt  }
0x55: {  	_ =	shalt  }
0x56: {  	_ =	shalt  }
0x57: {  	_ =	shalt  }
0x58: {  	_ =	shalt  }
0x59: {  	_ =	shalt  }
0x5a: {  	_ =	shalt  }
0x5b: {  	_ =	shalt  }
0x5c: {  	_ =	shalt  }
0x5d: {  	_ =	shalt  }
0x5e: {  	_ =	shalt  }
0x5f: {  	_ =	shalt  }
0x60: {  	_ =	shalt  }
0x61: {  	_ =	shalt  }
0x62: {  	_ =	shalt  }
0x63: {  	_ =	shalt  }
0x64: {  	_ =	shalt  }
0x65: {  	_ =	shalt  }
0x66: {  	_ =	shalt  }
0x67: {  	_ =	shalt  }
0x68: {  	_ =	shalt  }
0x69: {  	_ =	shalt  }
0x6a: {  	_ =	shalt  }
0x6b: {  	_ =	shalt  }
0x6c: {  	_ =	shalt  }
0x6d: {  	_ =	shalt  }
0x6e: {  	_ =	shalt  }
0x6f: {  	_ =	shalt  }
0x70: {  	_ =	shalt  }
0x71: {  	_ =	shalt  }
0x72: {  	_ =	shalt  }
0x73: {  	_ =	shalt  }
0x74: {  	_ =	shalt  }
0x75: {  	_ =	shalt  }
0x76: {  	_ =	shalt  }
0x77: {  	_ =	shalt  }
0x78: {  	_ =	shalt  }
0x79: {  	_ =	shalt  }
0x7a: {  	_ =	shalt  }
0x7b: {  	_ =	shalt  }
0x7c: {  	_ =	shalt  }
0x7d: {  	_ =	shalt  }
0x7e: {  	_ =	shalt  }
0x7f: {  	_ =	shalt  }
0x80: {  	_ =	shalt  }
0x81: {  	_ =	shalt  }
0x82: {  	_ =	shalt  }
0x83: {  	_ =	shalt  }
0x84: {  	_ =	shalt  }
0x85: {  	_ =	shalt  }
0x86: {  	_ =	shalt  }
0x87: {  	_ =	shalt  }
.Lfunc_end0:
.L_simem_size_0:
called_computation_lowered:
.L_overlay_start_0:
0x88: {  	s2 =	sld [smem:$0x3FD9]  }
0x89: {  	s3 =	sld [smem:$0x3FFE];
	_ =	sdelay $0x1  }
0x8a: {  	s1 =	srdreg.scid  }
0x8b: {  	s0 =	sand.u32 $0x1, s1  }
0x8c: {  	s14 =	sshll.u32 s0, $0xA;
	s2 =	sadd.s32 s3, s2  }
0x8d: {  	s2 =	sadd.s32 s2, s14  }
0x8e: {  	[smem:$0x3FC1] =	sst s2  }
0x8f: {  	_ = 	snop  }
0x90: {  	s2 =	sld [smem:$0x3FD0];
	_ =	sdelay $0x2  }
0x91: {  	s15 =	simm.s32 $0xA;
	s4 =	simm.s32 $0x10  }
0x92: {  	[smem:s4], [sflag:s15] =	dma.local [hbm:s2], $0x1  }
0x93: {  	_ =	swait.eq [sflag:s15], $0x1  }
0x94: {  	[sflag:s15] =	ssyncset.done $0x0  }
0x95: {  	[sflag:s15] =	ssyncadd.s32 $0xFFFFFFFF  }
0x96: {  	s16 =	sld [smem:$0x11];
	(tm) =	ssettm $0x1  }
0x97: {  	s17 =	sld [smem:$0x3FFB];
	_ =	sdelay $0x3  }
0x98: {  	_ =	strace s17  }
0x99: {  	s3 =	sld [smem:$0x3FFC];
	_ =	sdelay $0x3  }
0x9a: {  	_ =	strace s3  }
0x9b: {  	s3 =	sld [smem:$0x3FFD];
	_ =	sdelay $0x3  }
0x9c: {  	_ =	strace s3  }
0x9d: {  	_ =	strace $0x8FFFFFFF  }
0x9e: {  	s18 =	sld [smem:$0x3FDB];
	_ =	sdelay $0x1  }
0x9f: {  	s19 =	simm.s32 $_scs_section_size  }
0xa0: {  	s5 =	simm.s32 $_size__tile_overlayer_lowered;
	s6 =	simm.s32 $_tile_overlayer_lowered  }
0xa1: {  	s22 =	simm.s32 $0x1BFF;
	s21 =	sshll.u32 s6, $0x1;
	s3 =	sadd.s32 s19, s18  }
0xa2: {  	s7 =	simm.s32 $0x0;
	s20 =	sshll.u32 s5, $0x1;
	s5 =	sadd.s32 s21, s3  }
0xa3: {  	[timem:s7], [sflag:s22] =	dma.local [hbm:s5], s20  }
0xa4: {  	_ =	swait.ge [sflag:s22], s20  }
0xa5: {  	s4 =	ssub.s32 $0x0, s20;
	[sflag:s22] =	ssyncset.done $0x0  }
0xa6: {  	[sflag:s22] =	ssyncadd.s32 s4;
	_ =	sdelay $0x1  }
0xa7: {  	s23 =	simm.s32 $0x1B8B  }
0xa8: {  	_ =	swait.ge [sflag:s23], $0x1  }
0xa9: {  	[sflag:s23] =	ssyncset.done $0x0  }
0xaa: {  	s25 =	simm.s32 $0x1B8E;
	s24 =	sld [smem:$0x3FFE];
	[sflag:s23] =	ssyncadd.s32 $0xFFFFFFFF  }
0xab: {  	s26 =	simm.s32 $execute0_lowered;
	[smem:$0x3FD2] =	sst s25  }
0xac: {  	s5 =	sshll.u32 s26, $0x1;
	_ =	strace $0x80000046;
	[dreg:$0x1] =	wrdreg $0xFFFFFFFF  }
0xad: {  	s28 =	simm.s32 $_size_execute0_lowered;
	s3 =	sadd.s32 s3, s5;
	[dreg:$0x0] =	wrdreg $0x0  }
0xae: {  	s5 =	sshll.u32 s28, $0x1;
	[dreg:$0x2] =	wrdreg s3  }
0xaf: {  	[dreg:$0x3] =	wrdreg s5  }
0xb0: {  	[dreg:$0x4] =	wrdreg $0xC0  }
0xb1: {  	_ =	task [dreg:s7], $0x5FFFF  }
0xb2: {  	[dreg:$0x1] =	wrdreg $0xFFFFFFFF  }
0xb3: {  	[dreg:$0x0] =	wrdreg $0x60  }
0xb4: {  	[dreg:$0x2] =	wrdreg s16  }
0xb5: {  	[dreg:$0x3] =	wrdreg s24  }
0xb6: {  	[dreg:$0x4] =	wrdreg $0x0  }
0xb7: {  	[dreg:$0x5] =	wrdreg $0x75300  }
0xb8: {  	[dreg:$0x6] =	wrdreg $0x9  }
0xb9: {  	_ =	task.clear_ibuf [dreg:s7], $0x7FFFF;
	_ =	strace $0x90000046  }
0xba: {  	s29 =	simm.s32 $0x9;
	_ =	strace $0x80000051  }
0xbb: {  	_ =	swait.ge [sflag:s29], $0x1  }
0xbc: {  	[sflag:s29] =	ssyncadd.s32 $0xFFFFFFFF  }
0xbd: {  	_ =	strace $0x90000051  }
0xbe: {  	_ =	sfence  }
0xbf: {  	s30 =	sld [smem:$0x0];
	_ =	sdelay $0x2  }
0xc0: {  	s31 =	sshll.u32 s1, $0xD;
	s1 =	sshrl.u32 s1, $0x2  }
0xc1: {  	s3 =	sand.u32 $0x4000, s31;
	s1 =	sadd.s32 s1, s30  }
0xc2: {  	s0 =	sor.u32 s3, s0;
	s1 =	sshll.u32 s1, $0x11  }
0xc3: {  	s0 =	sor.u32 s1, s0  }
0xc4: {  	s0 =	sadd.s32 $0x8F2B, s0  }
0xc5: {  	[sflag:s0] =	ssyncadd.remote.s32 $0x1  }
0xc6: {  	_ =	sfence.sel $0xFFFF  }
0xc7: {  	[dreg:$0x0] =	wrdreg $0xFFFFFFFF;
	(pc) =	sbr.abs _section_cstart, $3  }
0xc8: {  	[dreg:$0x1] =	wrdreg $0xFFFFFFFF  }
0xc9: {  	_ =	task.clear_ibuf [dreg:s7], $0x2FFFF;
	_ =	strace $0x9FFFFFFF  }
0xca: {  	(tm) =	ssettm $0x7FFFFFFF  }
0xcb: {  	_ =	shalt  }
tec
execute0_lowered:
.L_overlay_start_1:
0x0: {  	(tag) =	ssettag $0x1  }
0x1: {  	s0 =	rddreg [dreg:$0x1]  }
0x2: {  	s2 =	rddreg [dreg:$0x2]  }
0x3: {  	s3 =	rddreg [dreg:$0x3];
	s1 =	srdreg.scid  }
0x4: {  	s6 =	simm.s32 $0x0;
	s4 =	stileid.u32;
	s19 =	simm.s32 $0x80  }
0x5: {  	s20 =	simm.s32 $0xAFC8;
	s1 =	sand.u32 $0x1, s1;
	[smem:$0x7FF] =	sst s6  }
0x6: {  	s28 =	sadd.s32 $0x20A00, s0;
	s6 =	sadd.s32 $0x16C00, s0;
	s5 =	sshll.u32 s1, $0x4  }
0x7: {  	s7 =	sadd.s32 $0xCE00, s0;
	s9 =	sadd.s32 $0x28000, s0;
	s5 =	sor.u32 s4, s5  }
0x8: {  	_ =	strace $0x80000047;
	s29 =	ssub.s32 $0x2, s1;
	s8 =	smul.u32 $0x4E, s5  }
0x9: {  	[dreg:$0x5] =	wrdreg s28;
	s1 =	sshrl.u32 s29, $0x1;
	s10 =	smul.u32 $0x4F, s5  }
0xa: {  	p0 =	slt.u32 s5, $0x4;
	s0 =	ssub.s32 s29, s1;
	s8 =	sadd.s32 $0x4, s8  }
0xb: {  	s0 =	smax.u32 s0, $0x1;
	s8 =	smov.u32 @p0 s10;
	s10 =	simm.s32 $0x4F  }
0xc: {  	s30 =	sshll.u32 s8, $0x4;
	s10 =	simm.s32 @!p0 $0x4E;
	p0 =	sne.s32 s4, $0x0  }
0xd: {  	[dreg:$0x8] =	wrdreg s0;
	s31 =	sand.u32 $0x1FFFFFF0, s30;
	s0 =	sshrl.u32 @!p0 s2, $0x3  }
0xe: {  	s21 =	simm.s32 $0xC7C8;
	s5 =	sadd.s32 s6, s31;
	[dreg:$0x9] =	wrdreg s0  }
0xf: {  	s22 =	simm.s32 $0x2;
	s1 =	sadd.s32 s7, s31;
	[dreg:$0x6] =	wrdreg s5  }
0x10: {  	s23 =	simm.s32 $0x3;
	s0 =	sshrl.u32 @!p0 s3, $0x3;
	[dreg:$0x7] =	wrdreg s1  }
0x11: {  	s13 =	sadd.s32 $0xFFFFFFFF, s10;
	[dreg:$0xa] =	wrdreg s0;
	s1 =	simm.s32 $0x0  }
.LBB2_1:
0x12: {  	[dreg:$0xb] =	wrdreg s1  }
0x13: {  	s1 =	rddreg [dreg:$0x0]  }
0x14: {  	s0 =	simm.s32 @!p0 $0x1C01;
	s4 =	rddreg [dreg:$0x9]  }
0x15: {  	[spmem:s4], [sflag:s0] =	dma.local @!p0 [hbm:s1], $0xEA60  }
0x16: {  	s1 =	simm.s32 @!p0 $0x1  }
0x17: {  	_ =	swait.ge @!p0 [sflag:s1], $0xEA60  }
0x18: {  	[sflag:s1] =	ssyncset.done @!p0 $0x0;
	s4 =	rddreg [dreg:$0x5]  }
0x19: {  	s5 =	rddreg [dreg:$0xa];
	[sflag:s1] =	ssyncadd.s32 @!p0 $0xFFFF15A0  }
0x1a: {  	[spmem:s5], [sflag:s0] =	dma.local @!p0 [hbm:s4], $0x7530  }
0x1b: {  	_ =	swait.ge @!p0 [sflag:s1], $0x7530  }
0x1c: {  	[sflag:s1] =	ssyncset.done @!p0 $0x0  }
0x1d: {  	[sflag:s1] =	ssyncadd.s32 @!p0 $0xFFFF8AD0  }
0x1e: {  	[bflag:$0x0] =	sbarrier.arrive $0xFFFF  }
0x1f: {  	s17 =	simm.s32 $0x0;
	s24 =	simm.s32 $0xDFC8;
	_ =	strace $0x80000048  }
0x20: {  	s26 =	simm.s32 $0xE0C8;
	s28 =	simm.s32 $0x0;
	s18 =	rddreg [dreg:$0x6]  }
0x21: {  	[tilespmem:s24], [sflag:$0x4] =	stream.linear.gather [hbm4b:s18+s17], $0x80, $0x200038;
	[tilespmem:$0x161C8] =	vst v63  }
0x22: {  	s29 =	simm.s32 $0x1;
	s30 =	simm.s32 $0x0;
	s25 =	rddreg [dreg:$0x7]  }
0x23: {  	[tilespmem:s26], [sflag:$0x6] =	stream.linear.gather [hbm4b:s25+s17], $0x80, $0x200038;
	[tilespmem:$0x161C8] =	vst v63  }
0x24: {  	s31 =	simm.s32 $0x1;
	s0 =	simm.s32 $0x0;
	s17 =	simm.s32 $0x0  }
0x25: {  	s25 =	simm.s32 $0x0;
	s26 =	simm.s32 $0x0;
	_ =	strace $0x90000048  }
.LBB2_2:
0x26: {  	s1 =	sadd.s32 $0x1, s17  }
0x27: {  	p1 =	seq.s32 s1, s10  }
0x28: {  	s1 =	simm.s32 @p1 $0x0;
	p1 =	sge.u32 s0, s13  }
0x29: {  	p2 =	seq.s32 @!p1 s17, s1  }
0x2a: {  	p3 =	por p2, p1  }
0x2b: {  	s4 =	sadd.s32 @!p3 s8, s1  }
0x2c: {  	s5 =	sand.u32 @!p3 $0x1, s31;
	_ =	strace @!p3 $0x80000049;
	s4 =	sshll.u32 @!p3 s4, $0x4  }
0x2d: {  	s15 =	simm.s32 @!p3 $0x0;
	s11 =	sshll.u32 @!p3 s5, $0x7;
	s4 =	sand.u32 @!p3 $0x1FFFFFF0, s4  }
0x2e: {  	s5 =	sor.u32 @!p3 $0x4, s5;
	s11 =	sadd.s32 @!p3 $0xDFC8, s11;
	s14 =	sadd.s32 @!p3 s6, s4  }
0x2f: {  	[tilespmem:s11], [sflag:s5] =	stream.linear.gather @!p3 [hbm4b:s14+s15], $0x80, $0x200038;
	[tilespmem:$0x161C8] =	vst v63  }
0x30: {  	s5 =	sand.u32 @!p3 $0x1, s29  }
0x31: {  	s4 =	sadd.s32 @!p3 s7, s4;
	_ =	strace @!p3 $0x90000049;
	s11 =	sshll.u32 @!p3 s5, $0x7  }
0x32: {  	s5 =	sor.u32 @!p3 $0x6, s5;
	_ =	strace @!p3 $0x8000004A;
	s11 =	sadd.s32 @!p3 $0xE0C8, s11  }
0x33: {  	[tilespmem:s11], [sflag:s5] =	stream.linear.gather @!p3 [hbm4b:s4+s15], $0x80, $0x200038;
	[tilespmem:$0x161C8] =	vst v63  }
0x34: {  	s14 =	sand.u32 $0x1, s30;
	_ =	strace @!p3 $0x9000004A  }
0x35: {  	s4 =	sor.u32 $0x4, s14;
	_ =	strace $0x8000004B  }
0x36: {  	_ =	swait.ge [sflag:s4], $0x80  }
0x37: {  	[sflag:s4] =	ssyncset.done $0x0  }
0x38: {  	[sflag:s4] =	ssyncadd.s32 $0xFFFFFF80  }
0x39: {  	s15 =	sand.u32 $0x1, s28;
	_ =	strace $0x9000004B  }
0x3a: {  	s4 =	sor.u32 $0x6, s15;
	_ =	strace $0x8000004C  }
0x3b: {  	_ =	swait.ge [sflag:s4], $0x80  }
0x3c: {  	[sflag:s4] =	ssyncset.done $0x0  }
0x3d: {  	s16 =	sshll.u32 s30, $0x7;
	[sflag:s4] =	ssyncadd.s32 $0xFFFFFF80  }
0x3e: {  	s4 =	sand.u32 $0x80, s16;
	_ =	strace $0x9000004C  }
0x3f: {  	s18 =	sshll.u32 s28, $0x7;
	s4 =	sadd.s32 $0xDFC8, s4;
	_ =	strace $0x8000004D  }
0x40: {  	[tilespmem:s20], [sflag:$0x2] =	stream.indirect.gather [spmem:s2], $0x30, s4, s19, $0x2000b8;
	[tilespmem:$0x161C8] =	vst v63  }
0x41: {  	s4 =	sand.u32 $0x80, s18  }
0x42: {  	s4 =	sadd.s32 $0xE0C8, s4  }
0x43: {  	[tilespmem:s21], [sflag:$0x3] =	stream.indirect.gather [spmem:s3], $0x30, s4, s19, $0x2000b8;
	[tilespmem:$0x161C8] =	vst v63  }
0x44: {  	_ =	swait.ge [sflag:s22], $0x1800  }
0x45: {  	[sflag:s22] =	ssyncset.done $0x0  }
0x46: {  	[sflag:s22] =	ssyncadd.s32 $0xFFFFE800  }
0x47: {  	_ =	swait.ge [sflag:s23], $0x1800  }
0x48: {  	[sflag:s23] =	ssyncset.done $0x0  }
0x49: {  	s4 =	simm.s32 $0x0;
	[sflag:s23] =	ssyncadd.s32 $0xFFFFE800  }
0x4a: {  	v0 =	vld [tilespmem:s4+$0xAFC8]  }
0x4b: {  	v1 =	vld [tilespmem:s4+$0xC7C8];
	_ =	sdelay $0x3  }
0x4c: {  	s18 =	sand.u32 $0x1, s26  }
0x4d: {  	s24 =	sshll.u32 s18, $0xE;
	v0 =	vadd.f32 v1, v0  }
0x4e: {  	s5 =	sadd.s32 $0xE2C8, s24  }
0x4f: {  	[tilespmem:s5+$0xFFFFFF00] =	vst v0  }
0x50: {  	v0 =	vld [tilespmem:s4+$0xAFD8]  }
0x51: {  	v1 =	vld [tilespmem:s4+$0xC7D8];
	_ =	sdelay $0x4  }
0x52: {  	v0 =	vadd.f32 v1, v0;
	_ =	sdelay $0x1  }
0x53: {  	[tilespmem:s5+$0xFFFFFF10] =	vst v0  }
0x54: {  	v0 =	vld [tilespmem:s4+$0xAFE8]  }
0x55: {  	v1 =	vld [tilespmem:s4+$0xC7E8];
	_ =	sdelay $0x4  }
0x56: {  	v0 =	vadd.f32 v1, v0;
	_ =	sdelay $0x1  }
0x57: {  	[tilespmem:s5+$0xFFFFFF20] =	vst v0  }
0x58: {  	v0 =	vld [tilespmem:s4+$0xAFF8]  }
0x59: {  	v1 =	vld [tilespmem:s4+$0xC7F8];
	_ =	sdelay $0x4  }
0x5a: {  	v0 =	vadd.f32 v1, v0;
	_ =	sdelay $0x1  }
0x5b: {  	[tilespmem:s5+$0xFFFFFF80] =	vst v0  }
0x5c: {  	v0 =	vld [tilespmem:s4+$0xB008]  }
0x5d: {  	v1 =	vld [tilespmem:s4+$0xC808];
	_ =	sdelay $0x4  }
0x5e: {  	v0 =	vadd.f32 v1, v0;
	_ =	sdelay $0x1  }
0x5f: {  	[tilespmem:s5+$0xFFFFFF90] =	vst v0  }
0x60: {  	v0 =	vld [tilespmem:s4+$0xB018]  }
0x61: {  	v1 =	vld [tilespmem:s4+$0xC818];
	_ =	sdelay $0x4  }
0x62: {  	v0 =	vadd.f32 v1, v0;
	_ =	sdelay $0x1  }
0x63: {  	[tilespmem:s5+$0xFFFFFFA0] =	vst v0  }
0x64: {  	v0 =	vld [tilespmem:s4+$0xB028]  }
0x65: {  	v1 =	vld [tilespmem:s4+$0xC828];
	_ =	sdelay $0x4  }
0x66: {  	v0 =	vadd.f32 v1, v0;
	_ =	sdelay $0x1  }
0x67: {  	[tilespmem:s5+$0x0] =	vst v0  }
0x68: {  	v0 =	vld [tilespmem:s4+$0xB038]  }
0x69: {  	v1 =	vld [tilespmem:s4+$0xC838];
	_ =	sdelay $0x4  }
0x6a: {  	v0 =	vadd.f32 v1, v0;
	_ =	sdelay $0x1  }
0x6b: {  	[tilespmem:s5+$0x10] =	vst v0  }
0x6c: {  	v0 =	vld [tilespmem:s4+$0xB048]  }
0x6d: {  	v1 =	vld [tilespmem:s4+$0xC848];
	_ =	sdelay $0x4  }
0x6e: {  	v0 =	vadd.f32 v1, v0;
	_ =	sdelay $0x1  }
0x6f: {  	[tilespmem:s5+$0x20] =	vst v0  }
0x70: {  	v0 =	vld [tilespmem:s4+$0xB058]  }
0x71: {  	v1 =	vld [tilespmem:s4+$0xC858];
	_ =	sdelay $0x4  }
0x72: {  	p2 =	por !p2, p1;
	s11 =	sadd.s32 @!p3 $0x1, s31;
	v0 =	vadd.f32 v1, v0  }
0x73: {  	s12 =	smov.u32 s31;
	s31 =	smov.u32 @p2 s11;
	s11 =	simm.s32 $0x0  }
0x74: {  	s11 =	simm.s32 @p2 $0x1;
	[tilespmem:s5+$0x80] =	vst v0  }
0x75: {  	s14 =	sadd.s32 s8, s17;
	s31 =	smov.u32 @p1 s12;
	s11 =	simm.s32 @p1 $0x0;
	v0 =	vld [tilespmem:s4+$0xB068]  }
0x76: {  	s16 =	simm.s32 $0x300;
	s12 =	sadd.s32 $0xE1C8, s24;
	s15 =	smov.u32 s5;
	v1 =	vld [tilespmem:s4+$0xC868]  }
.LBB2_3:
0x77: {  	_ =	sdelay $0x1  }
0x78: {  	p1 =	sne.s32 s16, $0x5D00  }
0x79: {  	s5 =	sadd.s32 $0x200, s5;
	s24 =	smov.u32 s16;
	s16 =	sadd.s32 $0x300, s16  }
0x7a: {  	v0 =	vadd.f32 v1, v0;
	_ =	sdelay $0x1  }
0x7b: {  	[tilespmem:s15+$0x90] =	vst v0  }
0x7c: {  	v0 =	vld [tilespmem:s4+$0xB078]  }
0x7d: {  	v1 =	vld [tilespmem:s4+$0xC878];
	_ =	sdelay $0x4  }
0x7e: {  	v0 =	vadd.f32 v1, v0;
	_ =	sdelay $0x1  }
0x7f: {  	s4 =	sshra.s32 s24, $0x2;
	[tilespmem:s15+$0xA0] =	vst v0;
	s15 =	smov.u32 s5  }
0x80: {  	v0 =	vld [tilespmem:s4+$0xAFC8]  }
0x81: {  	v1 =	vld [tilespmem:s4+$0xC7C8];
	_ =	sdelay $0x4  }
0x82: {  	v0 =	vadd.f32 v1, v0;
	_ =	sdelay $0x1  }
0x83: {  	[tilespmem:s5+$0xFFFFFF00] =	vst v0  }
0x84: {  	v0 =	vld [tilespmem:s4+$0xAFD8]  }
0x85: {  	v1 =	vld [tilespmem:s4+$0xC7D8];
	_ =	sdelay $0x4  }
0x86: {  	v0 =	vadd.f32 v1, v0;
	_ =	sdelay $0x1  }
0x87: {  	[tilespmem:s5+$0xFFFFFF10] =	vst v0  }
0x88: {  	v0 =	vld [tilespmem:s4+$0xAFE8]  }
0x89: {  	v1 =	vld [tilespmem:s4+$0xC7E8];
	_ =	sdelay $0x4  }
0x8a: {  	v0 =	vadd.f32 v1, v0;
	_ =	sdelay $0x1  }
0x8b: {  	[tilespmem:s5+$0xFFFFFF20] =	vst v0  }
0x8c: {  	v0 =	vld [tilespmem:s4+$0xAFF8]  }
0x8d: {  	v1 =	vld [tilespmem:s4+$0xC7F8];
	_ =	sdelay $0x4  }
0x8e: {  	v0 =	vadd.f32 v1, v0;
	_ =	sdelay $0x1  }
0x8f: {  	[tilespmem:s5+$0xFFFFFF80] =	vst v0  }
0x90: {  	v0 =	vld [tilespmem:s4+$0xB008]  }
0x91: {  	v1 =	vld [tilespmem:s4+$0xC808];
	_ =	sdelay $0x4  }
0x92: {  	v0 =	vadd.f32 v1, v0;
	_ =	sdelay $0x1  }
0x93: {  	[tilespmem:s5+$0xFFFFFF90] =	vst v0  }
0x94: {  	v0 =	vld [tilespmem:s4+$0xB018]  }
0x95: {  	v1 =	vld [tilespmem:s4+$0xC818];
	_ =	sdelay $0x4  }
0x96: {  	v0 =	vadd.f32 v1, v0;
	_ =	sdelay $0x1  }
0x97: {  	[tilespmem:s5+$0xFFFFFFA0] =	vst v0  }
0x98: {  	v0 =	vld [tilespmem:s4+$0xB028]  }
0x99: {  	v1 =	vld [tilespmem:s4+$0xC828];
	_ =	sdelay $0x4  }
0x9a: {  	v0 =	vadd.f32 v1, v0;
	_ =	sdelay $0x1  }
0x9b: {  	[tilespmem:s5+$0x0] =	vst v0  }
0x9c: {  	v0 =	vld [tilespmem:s4+$0xB038]  }
0x9d: {  	v1 =	vld [tilespmem:s4+$0xC838];
	_ =	sdelay $0x4  }
0x9e: {  	v0 =	vadd.f32 v1, v0;
	_ =	sdelay $0x1  }
0x9f: {  	[tilespmem:s5+$0x10] =	vst v0  }
0xa0: {  	v0 =	vld [tilespmem:s4+$0xB048]  }
0xa1: {  	v1 =	vld [tilespmem:s4+$0xC848];
	_ =	sdelay $0x4  }
0xa2: {  	v0 =	vadd.f32 v1, v0;
	_ =	sdelay $0x1  }
0xa3: {  	[tilespmem:s5+$0x20] =	vst v0  }
0xa4: {  	v0 =	vld [tilespmem:s4+$0xB058]  }
0xa5: {  	v1 =	vld [tilespmem:s4+$0xC858];
	_ =	sdelay $0x4  }
.Ltmp0:
0xa6: {  	v0 =	vadd.f32 v1, v0;
	(pc) =	sbr.rel @p1 .LBB2_3-.Ltmp0, $4  }
0xa7: {  	_ = 	snop  }
0xa8: {  	[tilespmem:s5+$0x80] =	vst v0  }
0xa9: {  	v0 =	vld [tilespmem:s4+$0xB068]  }
0xaa: {  	v1 =	vld [tilespmem:s4+$0xC868]  }
0xab: {  	_ =	sdelay $0x3  }
0xac: {  	v0 =	vadd.f32 v1, v0;
	_ =	sdelay $0x1  }
0xad: {  	[tilespmem:s15+$0x90] =	vst v0  }
0xae: {  	v0 =	vld [tilespmem:s4+$0xB078]  }
0xaf: {  	v63 =	vld [tilespmem:s4+$0xC878];
	_ =	sdelay $0x4  }
0xb0: {  	p1 =	sne.s32 s17, s1;
	p2 =	seq.s32 s0, s13;
	v0 =	vadd.f32 v63, v0  }
0xb1: {  	p1 =	por p2, p1  }
0xb2: {  	p2 =	seq.s32 s0, $0x0;
	s4 =	sshll.u32 @p1 s14, $0xB;
	[tilespmem:s15+$0xA0] =	vst v0  }
0xb3: {  	s5 =	sor.u32 @p1 $0x8, s18;
	s4 =	sand.u32 @p1 $0x1FFFF800, s4;
	_ =	strace $0x9000004D  }
0xb4: {  	s14 =	simm.s32 @p1 $0x0;
	s4 =	sadd.s32 @p1 s9, s4;
	_ =	strace @p1 $0x8000004E  }
0xb5: {  	[hbm4b:s4+s14] =	stream.linear.scatter @p1 [tilespmem:s12], [sflag:s5], $0x4000, $0x200038;
	[tilespmem:$0x161C8] =	vst v63  }
0xb6: {  	s4 =	sand.u32 @!p2 $0x1, s25;
	_ =	strace @p1 $0x9000004E  }
0xb7: {  	s4 =	sor.u32 @!p2 $0x8, s4;
	_ =	strace @!p2 $0x8000004F  }
0xb8: {  	s5 =	simm.s32 $0x1;
	_ =	swait.ge @!p2 [sflag:s4], $0x4000  }
0xb9: {  	s5 =	simm.s32 @!p1 $0x0;
	p1 =	sne.s32 s0, $0x0;
	[sflag:s4] =	ssyncset.done @!p2 $0x0  }
0xba: {  	s0 =	sadd.s32 $0x1, s0;
	[sflag:s4] =	ssyncadd.s32 @!p2 $0xFFFFC000;
	s4 =	simm.s32 $0x1  }
0xbb: {  	s4 =	simm.s32 @!p1 $0x0;
	p1 =	sne.s32 s0, s10  }
.Ltmp1:
0xbc: {  	_ = 	snop;
	(pc) =	sbr.rel @p1 .LBB2_2-.Ltmp1, $4  }
0xbd: {  	_ = 	snop  }
0xbe: {  	s29 =	sadd.s32 s29, s11  }
0xbf: {  	s17 =	smov.u32 s1;
	s26 =	sadd.s32 s5, s26;
	s30 =	sadd.s32 s5, s30  }
0xc0: {  	s28 =	sadd.s32 s5, s28;
	_ =	strace @!p2 $0x9000004F;
	s25 =	sadd.s32 s4, s25  }
0xc1: {  	s0 =	sand.u32 $0x1, s25  }
0xc2: {  	_ =	strace $0x80000050;
	s0 =	sor.u32 $0x8, s0  }
0xc3: {  	_ =	swait.ge [sflag:s0], $0x4000  }
0xc4: {  	s1 =	rddreg [dreg:$0xb]  }
0xc5: {  	s31 =	rddreg [dreg:$0x8];
	s1 =	sadd.s32 $0x1, s1  }
0xc6: {  	p1 =	sne.s32 s1, s31  }
.Ltmp2:
0xc7: {  	_ = 	snop;
	(pc) =	sbr.rel @p1 .LBB2_1-.Ltmp2, $4  }
0xc8: {  	_ = 	snop  }
0xc9: {  	[sflag:s0] =	ssyncset.done $0x0  }
0xca: {  	[sflag:s0] =	ssyncadd.s32 $0xFFFFC000  }
0xcb: {  	_ =	strace $0x90000050  }
0xcc: {  	_ =	sfence.sel $0x180000  }
0xcd: {  	[bflag:$0x0] =	sbarrier.arrive $0xFFFF  }
0xce: {  	_ =	strace $0x90000047  }
0xcf: {  	[bflag:$0x2] =	sbarrier.arrive $0xFFFF  }
0xd0: {  	s0 =	rddreg [dreg:$0x4]  }
0xd1: {  	s0 =	sadd.s32 @!p0 $0x100000, s0  }
0xd2: {  	[sflag:s0] =	ssyncadd.tile.s32 @!p0 $0x1;
	_ =	shalt  }
.Lfunc_end2:
_tile_overlayer_lowered:
.L_overlay_start_2:
0xd3: {  	(tag) =	ssettag $0x2  }
0xd4: {  	s0 =	rddreg [dreg:$0x0];
	s2 =	stileid.u32  }
0xd5: {  	s1 =	rddreg [dreg:$0x1];
	p0 =	sne.s32 s2, $0x0  }
0xd6: {  	s3 =	rddreg [dreg:$0x2];
	[bflag:$0x3] =	sbarrier.arrive $0xFFFF;
	s2 =	simm.s32 @!p0 $0x1C04  }
0xd7: {  	[timem:s3], [sflag:s2] =	dma.local @!p0 [hbm:s0], s1  }
0xd8: {  	s0 =	simm.s32 @!p0 $0x4  }
0xd9: {  	_ =	swait.ge @!p0 [sflag:s0], s1  }
0xda: {  	s1 =	ssub.s32 @!p0 $0x0, s1;
	[sflag:s0] =	ssyncset.done @!p0 $0x0  }
0xdb: {  	[sflag:s0] =	ssyncadd.s32 @!p0 s1  }
0xdc: {  	[bflag:$0x3] =	sbarrier.arrive $0xFFFF  }
0xdd: {  	_ =	shalt  }

</sc_bundles>
